<compile_context>
chip_gen: v7x
topology: tpu7x:2x2x1
jax: 0.10.2.dev20260603
libtpu: 0.0.44.dev20260713+nightly
codegen_flags: <defaults>
</compile_context>

<pallas_src>
import functools

import jax
import jax.numpy as jnp
from jax import lax
from jax.experimental import pallas as pl
from jax.experimental.pallas import tpu as pltpu
from jax.experimental.pallas import tpu_sc as plsc

N = 10000
E = 320000
D = 128
NC = 2
NS = 16
NW = NC * NS
FS = D // NW
CH = 4000
NCH = E // CH
G = 8


def _lane_take(x, perm):
  dnums = lax.GatherDimensionNumbers(
      offset_dims=(), collapsed_slice_dims=(0,), start_index_map=(0,))
  return lax.gather(
      x, perm[:, None], dimension_numbers=dnums, slice_sizes=(1,),
      mode=lax.GatherScatterMode.PROMISE_IN_BOUNDS)


def _sc_segment_max(ht, src, dst, agg_init):
  mesh = plsc.VectorSubcoreMesh(
      core_axis_name="c", subcore_axis_name="s", num_cores=NC,
      num_subcores=NS)

  @functools.partial(
      pl.kernel,
      out_type=jax.ShapeDtypeStruct((NW, N * FS), jnp.float32),
      mesh=mesh,
      compiler_params=pltpu.CompilerParams(
          needs_layout_passes=False, use_tc_tiling_on_sc=False),
      scratch_types=[
          pltpu.VMEM((N * FS,), jnp.float32),
          pltpu.VMEM((N * FS,), jnp.float32),
          pltpu.VMEM((CH,), jnp.int32),
          pltpu.VMEM((CH,), jnp.int32),
          pltpu.VMEM((CH,), jnp.int32),
          pltpu.VMEM((CH,), jnp.int32),
          pltpu.SemaphoreType.DMA,
          pltpu.SemaphoreType.DMA,
      ],
  )
  def k(ht_hbm, src_hbm, dst_hbm, init_hbm, out_hbm, h_v, agg_v,
        src_a, dst_a, src_b, dst_b, sem_a, sem_b):
    wid = lax.axis_index("s") * NC + lax.axis_index("c")
    pltpu.sync_copy(ht_hbm.at[wid], h_v)
    pltpu.sync_copy(init_hbm, agg_v)

    iota = lax.iota(jnp.int32, 16)
    lane4 = iota & 3
    rep = iota >> 2
    reps = [rep, rep + 4, rep + 8, rep + 12]
    zeros = jnp.zeros((16,), jnp.float32)

    def start(c, sv, dv, sem):
      pltpu.async_copy(src_hbm.at[pl.ds(c * CH, CH)], sv, sem)
      pltpu.async_copy(dst_hbm.at[pl.ds(c * CH, CH)], dv, sem)

    def wait(sv, dv, sem):
      pltpu.make_async_copy(src_hbm.at[pl.ds(0, CH)], sv, sem).wait()
      pltpu.make_async_copy(dst_hbm.at[pl.ds(0, CH)], dv, sem).wait()

    def exact_batch(off, sv, dv):
      for g in range(G):
        idx = (off + 4 * g) + rep
        s = plsc.load_gather(sv, [idx])
        d = plsc.load_gather(dv, [idx])
        m = plsc.load_gather(h_v, [(s << 2) | lane4])
        cs = [m]
        for r_ in (4, 8, 12):
          perm = (iota + r_) & 15
          d2 = _lane_take(d, perm)
          v2 = _lane_take(m, perm)
          cs.append(jnp.where(d2 == d, v2, m))
        val = jnp.maximum(jnp.maximum(cs[0], cs[1]),
                          jnp.maximum(cs[2], cs[3]))
        aidx = (d << 2) | lane4
        cur = plsc.load_gather(agg_v, [aidx])
        plsc.store_scatter(agg_v, [aidx], jnp.maximum(cur, val))

    def process(sv, dv):
      def batch(t, carry):
        pviolf, poff = carry
        off = t * (4 * G)
        prev_bad = jnp.max(pviolf) > 0.0

        sraw = [sv[pl.ds(off, 16)] << 2, sv[pl.ds(off + 16, 16)] << 2]
        draw = [dv[pl.ds(off, 16)] << 2, dv[pl.ds(off + 16, 16)] << 2]

        ms, aidxs, news = [], [], []
        for g in range(G):
          s4 = _lane_take(sraw[g // 4], reps[g % 4])
          d4 = _lane_take(draw[g // 4], reps[g % 4])
          m = plsc.load_gather(h_v, [s4 | lane4])
          aidx = d4 | lane4
          cur = plsc.load_gather(agg_v, [aidx])
          ms.append(m)
          aidxs.append(aidx)
          news.append(jnp.maximum(cur, m))
        for g in range(G):
          plsc.store_scatter(agg_v, [aidxs[g]], news[g])
        viol = None
        for g in range(G):
          r = plsc.load_gather(agg_v, [aidxs[g]])
          v = r < ms[g]
          viol = v if viol is None else jnp.logical_or(viol, v)
        violf = jnp.where(viol, 1.0, 0.0)

        @pl.when(prev_bad)
        def _():
          exact_batch(poff, sv, dv)

        return (violf, off)

      violf_f, poff_f = lax.fori_loop(
          0, CH // (4 * G), batch, (zeros, 0))

      @pl.when(jnp.max(violf_f) > 0.0)
      def _():
        exact_batch(poff_f, sv, dv)

    start(0, src_a, dst_a, sem_a)

    def pair_body(i, _):
      c = 2 * i
      start(c + 1, src_b, dst_b, sem_b)
      wait(src_a, dst_a, sem_a)
      process(src_a, dst_a)

      @pl.when(c + 2 < NCH)
      def _():
        start(c + 2, src_a, dst_a, sem_a)

      wait(src_b, dst_b, sem_b)
      process(src_b, dst_b)
      return 0

    lax.fori_loop(0, NCH // 2, pair_body, 0)
    pltpu.sync_copy(agg_v, out_hbm.at[wid])

  return k(ht, src, dst, agg_init)


def _tc_post(h, agg, Wt, b2, g2, bt2):
  BLK = 1000

  def body(h_ref, a_ref, w_ref, b_ref, g_ref, bt_ref, o_ref):
    a = a_ref[...]
    a = jnp.where(a == -jnp.inf, 0.0, a)
    x = jnp.dot(h_ref[...] + a, w_ref[...],
                preferred_element_type=jnp.float32) + b_ref[...]
    x = jnp.maximum(x, 0.0)
    mu = jnp.mean(x, axis=-1, keepdims=True)
    xc = x - mu
    var = jnp.mean(xc * xc, axis=-1, keepdims=True)
    o_ref[...] = xc * lax.rsqrt(var + 1e-5) * g_ref[...] + bt_ref[...]

  return pl.pallas_call(
      body,
      grid=(N // BLK,),
      in_specs=[
          pl.BlockSpec((BLK, D), lambda i: (i, 0)),
          pl.BlockSpec((BLK, D), lambda i: (i, 0)),
          pl.BlockSpec((D, D), lambda i: (0, 0)),
          pl.BlockSpec((1, D), lambda i: (0, 0)),
          pl.BlockSpec((1, D), lambda i: (0, 0)),
          pl.BlockSpec((1, D), lambda i: (0, 0)),
      ],
      out_specs=pl.BlockSpec((BLK, D), lambda i: (i, 0)),
      out_shape=jax.ShapeDtypeStruct((N, D), jnp.float32),
  )(h, agg, Wt, b2, g2, bt2)


@jax.jit
def kernel(h, edge_index, W, b, ln_gamma, ln_beta):
  ht = h.reshape(N, NW, FS).transpose(1, 0, 2).reshape(NW, N * FS)
  src = edge_index[0]
  dst = edge_index[1]
  agg_init = jnp.full((N * FS,), -jnp.inf, jnp.float32)
  aggT = _sc_segment_max(ht, src, dst, agg_init)
  agg = aggT.reshape(NW, N, FS).transpose(1, 0, 2).reshape(N, D)
  return _tc_post(h, agg, W.T, b.reshape(1, D), ln_gamma.reshape(1, D),
                  ln_beta.reshape(1, D))

# --- scband reference (transcript-rebuilt; emitter-appended) ---
"""Pipeline reference for scband-gin-layer-13271448945162 (READ-ONLY COPY).

The authoritative reference and input builder live on the scoring server;
editing this copy changes nothing except your own understanding.
"""

import jax, jax.numpy as jnp
import numpy as np

N_NODES = 10000
N_EDGES = 320000
D_FEAT = 128
D_HID = 128

def setup_inputs(seed: int = 0) -> dict:
    key = jax.random.key(seed)
    k1, k2, k3, k4 = jax.random.split(key, 4)
    h = jax.random.normal(k1, (N_NODES, D_FEAT), dtype=jnp.float32)
    edge_index = jax.random.randint(k2, (2, N_EDGES), 0, N_NODES, dtype=jnp.int32)
    # Linear(nfeat, nhid) parameters
    W = jax.random.normal(k3, (D_HID, D_FEAT), dtype=jnp.float32) * (1.0 / np.sqrt(D_FEAT))
    b = jnp.zeros((D_HID,), dtype=jnp.float32)
    # LayerNorm(nhid) parameters
    ln_gamma = jnp.ones((D_HID,), dtype=jnp.float32)
    ln_beta = jnp.zeros((D_HID,), dtype=jnp.float32)
    return {"h": h, "edge_index": edge_index, "W": W, "b": b, "ln_gamma": ln_gamma, "ln_beta": ln_beta}


def reference(h, edge_index, W, b, ln_gamma, ln_beta):
    # DGL GINConv with aggregator_type='max', init_eps=0, learn_eps=False,
    # apply_func = Linear(nfeat, nhid), activation = relu; followed by LayerNorm.
    n = h.shape[0]
    src = edge_index[0]
    dst = edge_index[1]
    msgs = jnp.take(h, src, axis=0)                      # gather source features along edges
    agg = jax.ops.segment_max(msgs, dst, num_segments=n)  # max-aggregate into dst nodes
    # nodes with no incoming edges get -inf from segment_max; DGL yields 0 there
    agg = jnp.where(jnp.isfinite(agg), agg, 0.0)
    eps = 0.0
    rst = (1.0 + eps) * h + agg
    x = rst @ W.T + b
    x = jax.nn.relu(x)
    # LayerNorm over last dim, eps=1e-5
    mean = jnp.mean(x, axis=-1, keepdims=True)
    var = jnp.mean((x - mean) ** 2, axis=-1, keepdims=True)
    y = (x - mean) / jnp.sqrt(var + 1e-5) * ln_gamma + ln_beta
    return y

if __name__ == "__main__":
    import jax
    _d = setup_inputs()
    print(jax.jit(kernel)(*tuple(_d.values())))

</pallas_src>

<mosaic_0001>
#map = affine_map<(d0, d1) -> (0, 0)>
#map1 = affine_map<(d0, d1) -> (0)>
module attributes {stable_mosaic.version = 14 : i64} {
  func.func @k(%arg0: i32, %arg1: i32, %arg2: memref<32x40000xf32, #tpu.memory_space<hbm>>, %arg3: memref<320000xi32, #tpu.memory_space<hbm>>, %arg4: memref<320000xi32, #tpu.memory_space<hbm>>, %arg5: memref<40000xf32, #tpu.memory_space<hbm>>, %arg6: memref<32x40000xf32, #tpu.memory_space<hbm>>, %arg7: memref<40000xf32, #tpu.memory_space<vmem>>, %arg8: memref<40000xf32, #tpu.memory_space<vmem>>, %arg9: memref<4000xi32, #tpu.memory_space<vmem>>, %arg10: memref<4000xi32, #tpu.memory_space<vmem>>, %arg11: memref<4000xi32, #tpu.memory_space<vmem>>, %arg12: memref<4000xi32, #tpu.memory_space<vmem>>, %arg13: memref<!tpu.dma_semaphore, #tpu.memory_space<semaphore_mem>>, %arg14: memref<!tpu.dma_semaphore, #tpu.memory_space<semaphore_mem>>) attributes {dimension_semantics = [#tpu.dimension_semantics<core_parallel>, #tpu.dimension_semantics<subcore_parallel>], iteration_bounds = array<i64: 2, 16>, scalar_prefetch = 0 : i64, scratch_operands = 8 : i64, tpu.core_type = #tpu.core_type<sc_vector_subcore>, window_params = [{transform_indices = #map}, {transform_indices = #map1}, {transform_indices = #map1}, {transform_indices = #map1}, {transform_indices = #map}]} {
    %mul3A = arith.constant 2 : i32
    %mul3A_0 = arith.muli %arg1, %mul3A : i32
    %add3A = arith.addi %mul3A_0, %arg0 : i32
    "tpu.region"() ({
      %run_scoped3A = tpu.sem_alloc : memref<!tpu.dma_semaphore, #tpu.memory_space<semaphore_mem>>
      %dma_start3A_28 = arith.constant 0 : i32
      %dma_start3A_29 = tpu.memref_slice %arg2[%add3A, %dma_start3A_28] : memref<32x40000xf32, #tpu.memory_space<hbm>> -> memref<1x40000xf32, #tpu.memory_space<hbm>>
      %dma_start3A_30 = tpu.memref_squeeze %dma_start3A_29 : memref<1x40000xf32, #tpu.memory_space<hbm>> -> memref<40000xf32, #tpu.memory_space<hbm>>
      %dma_start3A_31 = arith.constant 0 : i32
      %dma_start3A_32 = tpu.memref_slice %arg2[%add3A, %dma_start3A_31] : memref<32x40000xf32, #tpu.memory_space<hbm>> -> memref<1x40000xf32, #tpu.memory_space<hbm>>
      %dma_start3A_33 = tpu.memref_squeeze %dma_start3A_32 : memref<1x40000xf32, #tpu.memory_space<hbm>> -> memref<40000xf32, #tpu.memory_space<hbm>>
      tpu.enqueue_dma source(%dma_start3A_33 : memref<40000xf32, #tpu.memory_space<hbm>>) target(%arg7 : memref<40000xf32, #tpu.memory_space<vmem>>) target_semaphore(%run_scoped3A : memref<!tpu.dma_semaphore, #tpu.memory_space<semaphore_mem>>)
      %dma_wait3A = arith.constant 0 : i32
      %dma_wait3A_34 = tpu.memref_slice %arg2[%add3A, %dma_wait3A] : memref<32x40000xf32, #tpu.memory_space<hbm>> -> memref<1x40000xf32, #tpu.memory_space<hbm>>
      %dma_wait3A_35 = tpu.memref_squeeze %dma_wait3A_34 : memref<1x40000xf32, #tpu.memory_space<hbm>> -> memref<40000xf32, #tpu.memory_space<hbm>>
      %dma_wait3A_36 = arith.constant 0 : i32
      %dma_wait3A_37 = tpu.memref_slice %arg2[%add3A, %dma_wait3A_36] : memref<32x40000xf32, #tpu.memory_space<hbm>> -> memref<1x40000xf32, #tpu.memory_space<hbm>>
      %dma_wait3A_38 = tpu.memref_squeeze %dma_wait3A_37 : memref<1x40000xf32, #tpu.memory_space<hbm>> -> memref<40000xf32, #tpu.memory_space<hbm>>
      tpu.wait_dma2 semaphore(%run_scoped3A : memref<!tpu.dma_semaphore, #tpu.memory_space<semaphore_mem>>) src(%dma_wait3A_38 : memref<40000xf32, #tpu.memory_space<hbm>>) dst(%arg7 : memref<40000xf32, #tpu.memory_space<vmem>>)
      tpu.yield
    }) : () -> ()
    "tpu.region"() ({
      %run_scoped3A = tpu.sem_alloc : memref<!tpu.dma_semaphore, #tpu.memory_space<semaphore_mem>>
      tpu.enqueue_dma source(%arg5 : memref<40000xf32, #tpu.memory_space<hbm>>) target(%arg8 : memref<40000xf32, #tpu.memory_space<vmem>>) target_semaphore(%run_scoped3A : memref<!tpu.dma_semaphore, #tpu.memory_space<semaphore_mem>>)
      tpu.wait_dma2 semaphore(%run_scoped3A : memref<!tpu.dma_semaphore, #tpu.memory_space<semaphore_mem>>) src(%arg5 : memref<40000xf32, #tpu.memory_space<hbm>>) dst(%arg8 : memref<40000xf32, #tpu.memory_space<vmem>>)
      tpu.yield
    }) : () -> ()
    %iota3A = tpu.iota {dimensions = array<i32: 0>} : vector<16xi32>
    %and3A = arith.constant 3 : i32
    %and3A_1 = vector.broadcast %and3A : i32 to vector<16xi32>
    %and3A_2 = arith.andi %iota3A, %and3A_1 : vector<16xi32>
    %shift_right_arithmetic3A = arith.constant 2 : i32
    %shift_right_arithmetic3A_3 = vector.broadcast %shift_right_arithmetic3A : i32 to vector<16xi32>
    %shift_right_arithmetic3A_4 = arith.shrsi %iota3A, %shift_right_arithmetic3A_3 : vector<16xi32>
    %add3A_5 = arith.constant 4 : i32
    %add3A_6 = vector.broadcast %add3A_5 : i32 to vector<16xi32>
    %add3A_7 = arith.addi %shift_right_arithmetic3A_4, %add3A_6 : vector<16xi32>
    %add3A_8 = arith.constant 8 : i32
    %add3A_9 = vector.broadcast %add3A_8 : i32 to vector<16xi32>
    %add3A_10 = arith.addi %shift_right_arithmetic3A_4, %add3A_9 : vector<16xi32>
    %add3A_11 = arith.constant 12 : i32
    %add3A_12 = vector.broadcast %add3A_11 : i32 to vector<16xi32>
    %add3A_13 = arith.addi %shift_right_arithmetic3A_4, %add3A_12 : vector<16xi32>
    %broadcast_in_dim3A = arith.constant 0.000000e+00 : f32
    %broadcast_in_dim3A_14 = vector.broadcast %broadcast_in_dim3A : f32 to vector<16xf32>
    %dma_start3A = arith.constant 0 : i32
    %dma_start3A_15 = tpu.memref_slice %arg3[%dma_start3A] : memref<320000xi32, #tpu.memory_space<hbm>> -> memref<4000xi32, #tpu.memory_space<hbm>>
    %dma_start3A_16 = arith.constant 0 : i32
    %dma_start3A_17 = tpu.memref_slice %arg3[%dma_start3A_16] : memref<320000xi32, #tpu.memory_space<hbm>> -> memref<4000xi32, #tpu.memory_space<hbm>>
    tpu.enqueue_dma source(%dma_start3A_17 : memref<4000xi32, #tpu.memory_space<hbm>>) target(%arg9 : memref<4000xi32, #tpu.memory_space<vmem>>) target_semaphore(%arg13 : memref<!tpu.dma_semaphore, #tpu.memory_space<semaphore_mem>>)
    %dma_start3A_18 = arith.constant 0 : i32
    %dma_start3A_19 = tpu.memref_slice %arg4[%dma_start3A_18] : memref<320000xi32, #tpu.memory_space<hbm>> -> memref<4000xi32, #tpu.memory_space<hbm>>
    %dma_start3A_20 = arith.constant 0 : i32
    %dma_start3A_21 = tpu.memref_slice %arg4[%dma_start3A_20] : memref<320000xi32, #tpu.memory_space<hbm>> -> memref<4000xi32, #tpu.memory_space<hbm>>
    tpu.enqueue_dma source(%dma_start3A_21 : memref<4000xi32, #tpu.memory_space<hbm>>) target(%arg10 : memref<4000xi32, #tpu.memory_space<vmem>>) target_semaphore(%arg13 : memref<!tpu.dma_semaphore, #tpu.memory_space<semaphore_mem>>)
    %scan3A = arith.constant 0 : i32
    %scan3A_22 = arith.constant 0 : i32
    %scan3A_23 = arith.constant 40 : i32
    %scan3A_24 = arith.addi %scan3A_22, %scan3A_23 : i32
    %scan3A_25 = arith.constant 1 : i32
    %scan3A_26 = scf.for %scan3A_28 = %scan3A_22 to %scan3A_24 step %scan3A_25 iter_args(%scan3A_29 = %scan3A) -> (i32)  : i32 {
      %mul3A_30 = arith.constant 2 : i32
      %mul3A_31 = arith.muli %mul3A_30, %scan3A_28 : i32
      %add3A_32 = arith.constant 1 : i32
      %add3A_33 = arith.addi %mul3A_31, %add3A_32 : i32
      %mul3A_34 = arith.constant 4000 : i32
      %mul3A_35 = arith.muli %add3A_33, %mul3A_34 : i32
      %dma_start3A_36 = tpu.memref_slice %arg3[%mul3A_35] : memref<320000xi32, #tpu.memory_space<hbm>> -> memref<4000xi32, #tpu.memory_space<hbm>>
      %dma_start3A_37 = tpu.memref_slice %arg3[%mul3A_35] : memref<320000xi32, #tpu.memory_space<hbm>> -> memref<4000xi32, #tpu.memory_space<hbm>>
      tpu.enqueue_dma source(%dma_start3A_37 : memref<4000xi32, #tpu.memory_space<hbm>>) target(%arg11 : memref<4000xi32, #tpu.memory_space<vmem>>) target_semaphore(%arg14 : memref<!tpu.dma_semaphore, #tpu.memory_space<semaphore_mem>>)
      %mul3A_38 = arith.constant 4000 : i32
      %mul3A_39 = arith.muli %add3A_33, %mul3A_38 : i32
      %dma_start3A_40 = tpu.memref_slice %arg4[%mul3A_39] : memref<320000xi32, #tpu.memory_space<hbm>> -> memref<4000xi32, #tpu.memory_space<hbm>>
      %dma_start3A_41 = tpu.memref_slice %arg4[%mul3A_39] : memref<320000xi32, #tpu.memory_space<hbm>> -> memref<4000xi32, #tpu.memory_space<hbm>>
      tpu.enqueue_dma source(%dma_start3A_41 : memref<4000xi32, #tpu.memory_space<hbm>>) target(%arg12 : memref<4000xi32, #tpu.memory_space<vmem>>) target_semaphore(%arg14 : memref<!tpu.dma_semaphore, #tpu.memory_space<semaphore_mem>>)
      %dma_wait3A = arith.constant 0 : i32
      %dma_wait3A_42 = tpu.memref_slice %arg3[%dma_wait3A] : memref<320000xi32, #tpu.memory_space<hbm>> -> memref<4000xi32, #tpu.memory_space<hbm>>
      %dma_wait3A_43 = arith.constant 0 : i32
      %dma_wait3A_44 = tpu.memref_slice %arg3[%dma_wait3A_43] : memref<320000xi32, #tpu.memory_space<hbm>> -> memref<4000xi32, #tpu.memory_space<hbm>>
      tpu.wait_dma2 semaphore(%arg13 : memref<!tpu.dma_semaphore, #tpu.memory_space<semaphore_mem>>) src(%dma_wait3A_44 : memref<4000xi32, #tpu.memory_space<hbm>>) dst(%arg9 : memref<4000xi32, #tpu.memory_space<vmem>>)
      %dma_wait3A_45 = arith.constant 0 : i32
      %dma_wait3A_46 = tpu.memref_slice %arg4[%dma_wait3A_45] : memref<320000xi32, #tpu.memory_space<hbm>> -> memref<4000xi32, #tpu.memory_space<hbm>>
      %dma_wait3A_47 = arith.constant 0 : i32
      %dma_wait3A_48 = tpu.memref_slice %arg4[%dma_wait3A_47] : memref<320000xi32, #tpu.memory_space<hbm>> -> memref<4000xi32, #tpu.memory_space<hbm>>
      tpu.wait_dma2 semaphore(%arg13 : memref<!tpu.dma_semaphore, #tpu.memory_space<semaphore_mem>>) src(%dma_wait3A_48 : memref<4000xi32, #tpu.memory_space<hbm>>) dst(%arg10 : memref<4000xi32, #tpu.memory_space<vmem>>)
      %scan3A_49 = arith.constant 0 : i32
      %scan3A_50 = arith.constant 0 : i32
      %scan3A_51 = arith.constant 125 : i32
      %scan3A_52 = arith.addi %scan3A_50, %scan3A_51 : i32
      %scan3A_53 = arith.constant 1 : i32
      %scan3A_54:2 = scf.for %scan3A_92 = %scan3A_50 to %scan3A_52 step %scan3A_53 iter_args(%scan3A_93 = %broadcast_in_dim3A_14, %scan3A_94 = %scan3A_49) -> (vector<16xf32>, i32)  : i32 {
        %mul3A_95 = arith.constant 32 : i32
        %mul3A_96 = arith.muli %scan3A_92, %mul3A_95 : i32
        %reduce_max3A_97 = arith.constant true
        %reduce_max3A_98 = vector.broadcast %reduce_max3A_97 : i1 to vector<16xi1>
        %reduce_max3A_99 = tpu.scan <max>, %scan3A_93 masked %reduce_max3A_98 : vector<16xf32>, vector<16xi1> -> vector<16xf32>
        %reduce_max3A_100 = vector.extract %reduce_max3A_99[15] : f32 from vector<16xf32>
        %gt3A_101 = arith.constant 0.000000e+00 : f32
        %gt3A_102 = arith.cmpf ogt, %reduce_max3A_100, %gt3A_101 : f32
        %get3A = arith.index_cast %mul3A_96 : i32 to index
        %get3A_103 = tpu.vector_load %arg9[%get3A] {strides = array<i32>} : memref<4000xi32, #tpu.memory_space<vmem>>, vector<16xi32>,
        %shift_left3A = arith.constant 2 : i32
        %shift_left3A_104 = vector.broadcast %shift_left3A : i32 to vector<16xi32>
        %shift_left3A_105 = arith.shli %get3A_103, %shift_left3A_104 : vector<16xi32>
        %add3A_106 = arith.constant 16 : i32
        %add3A_107 = arith.addi %mul3A_96, %add3A_106 : i32
        %get3A_108 = arith.index_cast %add3A_107 : i32 to index
        %get3A_109 = tpu.vector_load %arg9[%get3A_108] {strides = array<i32>} : memref<4000xi32, #tpu.memory_space<vmem>>, vector<16xi32>,
        %shift_left3A_110 = arith.constant 2 : i32
        %shift_left3A_111 = vector.broadcast %shift_left3A_110 : i32 to vector<16xi32>
        %shift_left3A_112 = arith.shli %get3A_109, %shift_left3A_111 : vector<16xi32>
        %get3A_113 = arith.index_cast %mul3A_96 : i32 to index
        %get3A_114 = tpu.vector_load %arg10[%get3A_113] {strides = array<i32>} : memref<4000xi32, #tpu.memory_space<vmem>>, vector<16xi32>,
        %shift_left3A_115 = arith.constant 2 : i32
        %shift_left3A_116 = vector.broadcast %shift_left3A_115 : i32 to vector<16xi32>
        %shift_left3A_117 = arith.shli %get3A_114, %shift_left3A_116 : vector<16xi32>
        %add3A_118 = arith.constant 16 : i32
        %add3A_119 = arith.addi %mul3A_96, %add3A_118 : i32
        %get3A_120 = arith.index_cast %add3A_119 : i32 to index
        %get3A_121 = tpu.vector_load %arg10[%get3A_120] {strides = array<i32>} : memref<4000xi32, #tpu.memory_space<vmem>>, vector<16xi32>,
        %shift_left3A_122 = arith.constant 2 : i32
        %shift_left3A_123 = vector.broadcast %shift_left3A_122 : i32 to vector<16xi32>
        %shift_left3A_124 = arith.shli %get3A_121, %shift_left3A_123 : vector<16xi32>
        %broadcast_in_dim3A_125 = vector.shape_cast %shift_right_arithmetic3A_4 : vector<16xi32> to vector<16x1xi32>
        %gather3A = vector.shape_cast %broadcast_in_dim3A_125 : vector<16x1xi32> to vector<16xi32>
        %gather3A_126 = tpu.dynamic_gather %shift_left3A_105[%gather3A] in [0] : vector<16xi32>, vector<16xi32> -> vector<16xi32>
        %broadcast_in_dim3A_127 = vector.shape_cast %shift_right_arithmetic3A_4 : vector<16xi32> to vector<16x1xi32>
        %gather3A_128 = vector.shape_cast %broadcast_in_dim3A_127 : vector<16x1xi32> to vector<16xi32>
        %gather3A_129 = tpu.dynamic_gather %shift_left3A_117[%gather3A_128] in [0] : vector<16xi32>, vector<16xi32> -> vector<16xi32>
        %or3A = arith.ori %gather3A_126, %and3A_2 : vector<16xi32>
        %gather3A_130 = tpu.vector_load_idx %arg7[%or3A] : memref<40000xf32, #tpu.memory_space<vmem>>[vector<16xi32>], vector<16xf32>,
        %or3A_131 = arith.ori %gather3A_129, %and3A_2 : vector<16xi32>
        %gather3A_132 = tpu.vector_load_idx %arg8[%or3A_131] : memref<40000xf32, #tpu.memory_space<vmem>>[vector<16xi32>], vector<16xf32>,
        %max3A = arith.maximumf %gather3A_132, %gather3A_130 : vector<16xf32>
        %broadcast_in_dim3A_133 = vector.shape_cast %add3A_7 : vector<16xi32> to vector<16x1xi32>
        %gather3A_134 = vector.shape_cast %broadcast_in_dim3A_133 : vector<16x1xi32> to vector<16xi32>
        %gather3A_135 = tpu.dynamic_gather %shift_left3A_105[%gather3A_134] in [0] : vector<16xi32>, vector<16xi32> -> vector<16xi32>
        %broadcast_in_dim3A_136 = vector.shape_cast %add3A_7 : vector<16xi32> to vector<16x1xi32>
        %gather3A_137 = vector.shape_cast %broadcast_in_dim3A_136 : vector<16x1xi32> to vector<16xi32>
        %gather3A_138 = tpu.dynamic_gather %shift_left3A_117[%gather3A_137] in [0] : vector<16xi32>, vector<16xi32> -> vector<16xi32>
        %or3A_139 = arith.ori %gather3A_135, %and3A_2 : vector<16xi32>
        %gather3A_140 = tpu.vector_load_idx %arg7[%or3A_139] : memref<40000xf32, #tpu.memory_space<vmem>>[vector<16xi32>], vector<16xf32>,
        %or3A_141 = arith.ori %gather3A_138, %and3A_2 : vector<16xi32>
        %gather3A_142 = tpu.vector_load_idx %arg8[%or3A_141] : memref<40000xf32, #tpu.memory_space<vmem>>[vector<16xi32>], vector<16xf32>,
        %max3A_143 = arith.maximumf %gather3A_142, %gather3A_140 : vector<16xf32>
        %broadcast_in_dim3A_144 = vector.shape_cast %add3A_10 : vector<16xi32> to vector<16x1xi32>
        %gather3A_145 = vector.shape_cast %broadcast_in_dim3A_144 : vector<16x1xi32> to vector<16xi32>
        %gather3A_146 = tpu.dynamic_gather %shift_left3A_105[%gather3A_145] in [0] : vector<16xi32>, vector<16xi32> -> vector<16xi32>
        %broadcast_in_dim3A_147 = vector.shape_cast %add3A_10 : vector<16xi32> to vector<16x1xi32>
        %gather3A_148 = vector.shape_cast %broadcast_in_dim3A_147 : vector<16x1xi32> to vector<16xi32>
        %gather3A_149 = tpu.dynamic_gather %shift_left3A_117[%gather3A_148] in [0] : vector<16xi32>, vector<16xi32> -> vector<16xi32>
        %or3A_150 = arith.ori %gather3A_146, %and3A_2 : vector<16xi32>
        %gather3A_151 = tpu.vector_load_idx %arg7[%or3A_150] : memref<40000xf32, #tpu.memory_space<vmem>>[vector<16xi32>], vector<16xf32>,
        %or3A_152 = arith.ori %gather3A_149, %and3A_2 : vector<16xi32>
        %gather3A_153 = tpu.vector_load_idx %arg8[%or3A_152] : memref<40000xf32, #tpu.memory_space<vmem>>[vector<16xi32>], vector<16xf32>,
        %max3A_154 = arith.maximumf %gather3A_153, %gather3A_151 : vector<16xf32>
        %broadcast_in_dim3A_155 = vector.shape_cast %add3A_13 : vector<16xi32> to vector<16x1xi32>
        %gather3A_156 = vector.shape_cast %broadcast_in_dim3A_155 : vector<16x1xi32> to vector<16xi32>
        %gather3A_157 = tpu.dynamic_gather %shift_left3A_105[%gather3A_156] in [0] : vector<16xi32>, vector<16xi32> -> vector<16xi32>
        %broadcast_in_dim3A_158 = vector.shape_cast %add3A_13 : vector<16xi32> to vector<16x1xi32>
        %gather3A_159 = vector.shape_cast %broadcast_in_dim3A_158 : vector<16x1xi32> to vector<16xi32>
        %gather3A_160 = tpu.dynamic_gather %shift_left3A_117[%gather3A_159] in [0] : vector<16xi32>, vector<16xi32> -> vector<16xi32>
        %or3A_161 = arith.ori %gather3A_157, %and3A_2 : vector<16xi32>
        %gather3A_162 = tpu.vector_load_idx %arg7[%or3A_161] : memref<40000xf32, #tpu.memory_space<vmem>>[vector<16xi32>], vector<16xf32>,
        %or3A_163 = arith.ori %gather3A_160, %and3A_2 : vector<16xi32>
        %gather3A_164 = tpu.vector_load_idx %arg8[%or3A_163] : memref<40000xf32, #tpu.memory_space<vmem>>[vector<16xi32>], vector<16xf32>,
        %max3A_165 = arith.maximumf %gather3A_164, %gather3A_162 : vector<16xf32>
        %broadcast_in_dim3A_166 = vector.shape_cast %shift_right_arithmetic3A_4 : vector<16xi32> to vector<16x1xi32>
        %gather3A_167 = vector.shape_cast %broadcast_in_dim3A_166 : vector<16x1xi32> to vector<16xi32>
        %gather3A_168 = tpu.dynamic_gather %shift_left3A_112[%gather3A_167] in [0] : vector<16xi32>, vector<16xi32> -> vector<16xi32>
        %broadcast_in_dim3A_169 = vector.shape_cast %shift_right_arithmetic3A_4 : vector<16xi32> to vector<16x1xi32>
        %gather3A_170 = vector.shape_cast %broadcast_in_dim3A_169 : vector<16x1xi32> to vector<16xi32>
        %gather3A_171 = tpu.dynamic_gather %shift_left3A_124[%gather3A_170] in [0] : vector<16xi32>, vector<16xi32> -> vector<16xi32>
        %or3A_172 = arith.ori %gather3A_168, %and3A_2 : vector<16xi32>
        %gather3A_173 = tpu.vector_load_idx %arg7[%or3A_172] : memref<40000xf32, #tpu.memory_space<vmem>>[vector<16xi32>], vector<16xf32>,
        %or3A_174 = arith.ori %gather3A_171, %and3A_2 : vector<16xi32>
        %gather3A_175 = tpu.vector_load_idx %arg8[%or3A_174] : memref<40000xf32, #tpu.memory_space<vmem>>[vector<16xi32>], vector<16xf32>,
        %max3A_176 = arith.maximumf %gather3A_175, %gather3A_173 : vector<16xf32>
        %broadcast_in_dim3A_177 = vector.shape_cast %add3A_7 : vector<16xi32> to vector<16x1xi32>
        %gather3A_178 = vector.shape_cast %broadcast_in_dim3A_177 : vector<16x1xi32> to vector<16xi32>
        %gather3A_179 = tpu.dynamic_gather %shift_left3A_112[%gather3A_178] in [0] : vector<16xi32>, vector<16xi32> -> vector<16xi32>
        %broadcast_in_dim3A_180 = vector.shape_cast %add3A_7 : vector<16xi32> to vector<16x1xi32>
        %gather3A_181 = vector.shape_cast %broadcast_in_dim3A_180 : vector<16x1xi32> to vector<16xi32>
        %gather3A_182 = tpu.dynamic_gather %shift_left3A_124[%gather3A_181] in [0] : vector<16xi32>, vector<16xi32> -> vector<16xi32>
        %or3A_183 = arith.ori %gather3A_179, %and3A_2 : vector<16xi32>
        %gather3A_184 = tpu.vector_load_idx %arg7[%or3A_183] : memref<40000xf32, #tpu.memory_space<vmem>>[vector<16xi32>], vector<16xf32>,
        %or3A_185 = arith.ori %gather3A_182, %and3A_2 : vector<16xi32>
        %gather3A_186 = tpu.vector_load_idx %arg8[%or3A_185] : memref<40000xf32, #tpu.memory_space<vmem>>[vector<16xi32>], vector<16xf32>,
        %max3A_187 = arith.maximumf %gather3A_186, %gather3A_184 : vector<16xf32>
        %broadcast_in_dim3A_188 = vector.shape_cast %add3A_10 : vector<16xi32> to vector<16x1xi32>
        %gather3A_189 = vector.shape_cast %broadcast_in_dim3A_188 : vector<16x1xi32> to vector<16xi32>
        %gather3A_190 = tpu.dynamic_gather %shift_left3A_112[%gather3A_189] in [0] : vector<16xi32>, vector<16xi32> -> vector<16xi32>
        %broadcast_in_dim3A_191 = vector.shape_cast %add3A_10 : vector<16xi32> to vector<16x1xi32>
        %gather3A_192 = vector.shape_cast %broadcast_in_dim3A_191 : vector<16x1xi32> to vector<16xi32>
        %gather3A_193 = tpu.dynamic_gather %shift_left3A_124[%gather3A_192] in [0] : vector<16xi32>, vector<16xi32> -> vector<16xi32>
        %or3A_194 = arith.ori %gather3A_190, %and3A_2 : vector<16xi32>
        %gather3A_195 = tpu.vector_load_idx %arg7[%or3A_194] : memref<40000xf32, #tpu.memory_space<vmem>>[vector<16xi32>], vector<16xf32>,
        %or3A_196 = arith.ori %gather3A_193, %and3A_2 : vector<16xi32>
        %gather3A_197 = tpu.vector_load_idx %arg8[%or3A_196] : memref<40000xf32, #tpu.memory_space<vmem>>[vector<16xi32>], vector<16xf32>,
        %max3A_198 = arith.maximumf %gather3A_197, %gather3A_195 : vector<16xf32>
        %broadcast_in_dim3A_199 = vector.shape_cast %add3A_13 : vector<16xi32> to vector<16x1xi32>
        %gather3A_200 = vector.shape_cast %broadcast_in_dim3A_199 : vector<16x1xi32> to vector<16xi32>
        %gather3A_201 = tpu.dynamic_gather %shift_left3A_112[%gather3A_200] in [0] : vector<16xi32>, vector<16xi32> -> vector<16xi32>
        %broadcast_in_dim3A_202 = vector.shape_cast %add3A_13 : vector<16xi32> to vector<16x1xi32>
        %gather3A_203 = vector.shape_cast %broadcast_in_dim3A_202 : vector<16x1xi32> to vector<16xi32>
        %gather3A_204 = tpu.dynamic_gather %shift_left3A_124[%gather3A_203] in [0] : vector<16xi32>, vector<16xi32> -> vector<16xi32>
        %or3A_205 = arith.ori %gather3A_201, %and3A_2 : vector<16xi32>
        %gather3A_206 = tpu.vector_load_idx %arg7[%or3A_205] : memref<40000xf32, #tpu.memory_space<vmem>>[vector<16xi32>], vector<16xf32>,
        %or3A_207 = arith.ori %gather3A_204, %and3A_2 : vector<16xi32>
        %gather3A_208 = tpu.vector_load_idx %arg8[%or3A_207] : memref<40000xf32, #tpu.memory_space<vmem>>[vector<16xi32>], vector<16xf32>,
        %max3A_209 = arith.maximumf %gather3A_208, %gather3A_206 : vector<16xf32>
        tpu.vector_store_idx %arg8[%or3A_131], %max3A : memref<40000xf32, #tpu.memory_space<vmem>>[vector<16xi32>], vector<16xf32>,
        tpu.vector_store_idx %arg8[%or3A_141], %max3A_143 : memref<40000xf32, #tpu.memory_space<vmem>>[vector<16xi32>], vector<16xf32>,
        tpu.vector_store_idx %arg8[%or3A_152], %max3A_154 : memref<40000xf32, #tpu.memory_space<vmem>>[vector<16xi32>], vector<16xf32>,
        tpu.vector_store_idx %arg8[%or3A_163], %max3A_165 : memref<40000xf32, #tpu.memory_space<vmem>>[vector<16xi32>], vector<16xf32>,
        tpu.vector_store_idx %arg8[%or3A_174], %max3A_176 : memref<40000xf32, #tpu.memory_space<vmem>>[vector<16xi32>], vector<16xf32>,
        tpu.vector_store_idx %arg8[%or3A_185], %max3A_187 : memref<40000xf32, #tpu.memory_space<vmem>>[vector<16xi32>], vector<16xf32>,
        tpu.vector_store_idx %arg8[%or3A_196], %max3A_198 : memref<40000xf32, #tpu.memory_space<vmem>>[vector<16xi32>], vector<16xf32>,
        tpu.vector_store_idx %arg8[%or3A_207], %max3A_209 : memref<40000xf32, #tpu.memory_space<vmem>>[vector<16xi32>], vector<16xf32>,
        %gather3A_210 = tpu.vector_load_idx %arg8[%or3A_131] : memref<40000xf32, #tpu.memory_space<vmem>>[vector<16xi32>], vector<16xf32>,
        %lt3A_211 = arith.cmpf olt, %gather3A_210, %gather3A_130 : vector<16xf32>
        %gather3A_212 = tpu.vector_load_idx %arg8[%or3A_141] : memref<40000xf32, #tpu.memory_space<vmem>>[vector<16xi32>], vector<16xf32>,
        %lt3A_213 = arith.cmpf olt, %gather3A_212, %gather3A_140 : vector<16xf32>
        %or3A_214 = arith.ori %lt3A_211, %lt3A_213 : vector<16xi1>
        %gather3A_215 = tpu.vector_load_idx %arg8[%or3A_152] : memref<40000xf32, #tpu.memory_space<vmem>>[vector<16xi32>], vector<16xf32>,
        %lt3A_216 = arith.cmpf olt, %gather3A_215, %gather3A_151 : vector<16xf32>
        %or3A_217 = arith.ori %or3A_214, %lt3A_216 : vector<16xi1>
        %gather3A_218 = tpu.vector_load_idx %arg8[%or3A_163] : memref<40000xf32, #tpu.memory_space<vmem>>[vector<16xi32>], vector<16xf32>,
        %lt3A_219 = arith.cmpf olt, %gather3A_218, %gather3A_162 : vector<16xf32>
        %or3A_220 = arith.ori %or3A_217, %lt3A_219 : vector<16xi1>
        %gather3A_221 = tpu.vector_load_idx %arg8[%or3A_174] : memref<40000xf32, #tpu.memory_space<vmem>>[vector<16xi32>], vector<16xf32>,
        %lt3A_222 = arith.cmpf olt, %gather3A_221, %gather3A_173 : vector<16xf32>
        %or3A_223 = arith.ori %or3A_220, %lt3A_222 : vector<16xi1>
        %gather3A_224 = tpu.vector_load_idx %arg8[%or3A_185] : memref<40000xf32, #tpu.memory_space<vmem>>[vector<16xi32>], vector<16xf32>,
        %lt3A_225 = arith.cmpf olt, %gather3A_224, %gather3A_184 : vector<16xf32>
        %or3A_226 = arith.ori %or3A_223, %lt3A_225 : vector<16xi1>
        %gather3A_227 = tpu.vector_load_idx %arg8[%or3A_196] : memref<40000xf32, #tpu.memory_space<vmem>>[vector<16xi32>], vector<16xf32>,
        %lt3A_228 = arith.cmpf olt, %gather3A_227, %gather3A_195 : vector<16xf32>
        %or3A_229 = arith.ori %or3A_226, %lt3A_228 : vector<16xi1>
        %gather3A_230 = tpu.vector_load_idx %arg8[%or3A_207] : memref<40000xf32, #tpu.memory_space<vmem>>[vector<16xi32>], vector<16xf32>,
        %lt3A_231 = arith.cmpf olt, %gather3A_230, %gather3A_206 : vector<16xf32>
        %or3A_232 = arith.ori %or3A_229, %lt3A_231 : vector<16xi1>
        %jit3A = arith.constant 1.000000e+00 : f32
        %jit3A_233 = arith.constant 0.000000e+00 : f32
        %broadcast_in_dim3A_234 = vector.broadcast %jit3A : f32 to vector<16xf32>
        %broadcast_in_dim3A_235 = vector.broadcast %jit3A_233 : f32 to vector<16xf32>
        %select_n3A = arith.select %or3A_232, %broadcast_in_dim3A_234, %broadcast_in_dim3A_235 : vector<16xi1>, vector<16xf32>
        %convert_element_type3A_236 = arith.extui %gt3A_102 : i1 to i32
        %cond3A_237 = arith.constant 0 : i32
        %cond3A_238 = arith.cmpi ne, %convert_element_type3A_236, %cond3A_237 : i32
        scf.if %cond3A_238 {
          %add3A_239 = arith.constant 0 : i32
          %add3A_240 = arith.addi %scan3A_94, %add3A_239 : i32
          %add3A_241 = vector.broadcast %add3A_240 : i32 to vector<16xi32>
          %add3A_242 = arith.addi %add3A_241, %shift_right_arithmetic3A_4 : vector<16xi32>
          %gather3A_243 = tpu.vector_load_idx %arg9[%add3A_242] : memref<4000xi32, #tpu.memory_space<vmem>>[vector<16xi32>], vector<16xi32>,
          %gather3A_244 = tpu.vector_load_idx %arg10[%add3A_242] : memref<4000xi32, #tpu.memory_space<vmem>>[vector<16xi32>], vector<16xi32>,
          %shift_left3A_245 = arith.constant 2 : i32
          %shift_left3A_246 = vector.broadcast %shift_left3A_245 : i32 to vector<16xi32>
          %shift_left3A_247 = arith.shli %gather3A_243, %shift_left3A_246 : vector<16xi32>
          %or3A_248 = arith.ori %shift_left3A_247, %and3A_2 : vector<16xi32>
          %gather3A_249 = tpu.vector_load_idx %arg7[%or3A_248] : memref<40000xf32, #tpu.memory_space<vmem>>[vector<16xi32>], vector<16xf32>,
          %add3A_250 = arith.constant 4 : i32
          %add3A_251 = vector.broadcast %add3A_250 : i32 to vector<16xi32>
          %add3A_252 = arith.addi %iota3A, %add3A_251 : vector<16xi32>
          %and3A_253 = arith.constant 15 : i32
          %and3A_254 = vector.broadcast %and3A_253 : i32 to vector<16xi32>
          %and3A_255 = arith.andi %add3A_252, %and3A_254 : vector<16xi32>
          %broadcast_in_dim3A_256 = vector.shape_cast %and3A_255 : vector<16xi32> to vector<16x1xi32>
          %gather3A_257 = vector.shape_cast %broadcast_in_dim3A_256 : vector<16x1xi32> to vector<16xi32>
          %gather3A_258 = tpu.dynamic_gather %gather3A_244[%gather3A_257] in [0] : vector<16xi32>, vector<16xi32> -> vector<16xi32>
          %broadcast_in_dim3A_259 = vector.shape_cast %and3A_255 : vector<16xi32> to vector<16x1xi32>
          %gather3A_260 = vector.shape_cast %broadcast_in_dim3A_259 : vector<16x1xi32> to vector<16xi32>
          %gather3A_261 = tpu.dynamic_gather %gather3A_249[%gather3A_260] in [0] : vector<16xf32>, vector<16xi32> -> vector<16xf32>
          %eq3A = arith.cmpi eq, %gather3A_258, %gather3A_244 : vector<16xi32>
          %select_n3A_262 = arith.select %eq3A, %gather3A_261, %gather3A_249 : vector<16xi1>, vector<16xf32>
          %add3A_263 = arith.constant 8 : i32
          %add3A_264 = vector.broadcast %add3A_263 : i32 to vector<16xi32>
          %add3A_265 = arith.addi %iota3A, %add3A_264 : vector<16xi32>
          %and3A_266 = arith.constant 15 : i32
          %and3A_267 = vector.broadcast %and3A_266 : i32 to vector<16xi32>
          %and3A_268 = arith.andi %add3A_265, %and3A_267 : vector<16xi32>
          %broadcast_in_dim3A_269 = vector.shape_cast %and3A_268 : vector<16xi32> to vector<16x1xi32>
          %gather3A_270 = vector.shape_cast %broadcast_in_dim3A_269 : vector<16x1xi32> to vector<16xi32>
          %gather3A_271 = tpu.dynamic_gather %gather3A_244[%gather3A_270] in [0] : vector<16xi32>, vector<16xi32> -> vector<16xi32>
          %broadcast_in_dim3A_272 = vector.shape_cast %and3A_268 : vector<16xi32> to vector<16x1xi32>
          %gather3A_273 = vector.shape_cast %broadcast_in_dim3A_272 : vector<16x1xi32> to vector<16xi32>
          %gather3A_274 = tpu.dynamic_gather %gather3A_249[%gather3A_273] in [0] : vector<16xf32>, vector<16xi32> -> vector<16xf32>
          %eq3A_275 = arith.cmpi eq, %gather3A_271, %gather3A_244 : vector<16xi32>
          %select_n3A_276 = arith.select %eq3A_275, %gather3A_274, %gather3A_249 : vector<16xi1>, vector<16xf32>
          %add3A_277 = arith.constant 12 : i32
          %add3A_278 = vector.broadcast %add3A_277 : i32 to vector<16xi32>
          %add3A_279 = arith.addi %iota3A, %add3A_278 : vector<16xi32>
          %and3A_280 = arith.constant 15 : i32
          %and3A_281 = vector.broadcast %and3A_280 : i32 to vector<16xi32>
          %and3A_282 = arith.andi %add3A_279, %and3A_281 : vector<16xi32>
          %broadcast_in_dim3A_283 = vector.shape_cast %and3A_282 : vector<16xi32> to vector<16x1xi32>
          %gather3A_284 = vector.shape_cast %broadcast_in_dim3A_283 : vector<16x1xi32> to vector<16xi32>
          %gather3A_285 = tpu.dynamic_gather %gather3A_244[%gather3A_284] in [0] : vector<16xi32>, vector<16xi32> -> vector<16xi32>
          %broadcast_in_dim3A_286 = vector.shape_cast %and3A_282 : vector<16xi32> to vector<16x1xi32>
          %gather3A_287 = vector.shape_cast %broadcast_in_dim3A_286 : vector<16x1xi32> to vector<16xi32>
          %gather3A_288 = tpu.dynamic_gather %gather3A_249[%gather3A_287] in [0] : vector<16xf32>, vector<16xi32> -> vector<16xf32>
          %eq3A_289 = arith.cmpi eq, %gather3A_285, %gather3A_244 : vector<16xi32>
          %select_n3A_290 = arith.select %eq3A_289, %gather3A_288, %gather3A_249 : vector<16xi1>, vector<16xf32>
          %max3A_291 = arith.maximumf %gather3A_249, %select_n3A_262 : vector<16xf32>
          %max3A_292 = arith.maximumf %select_n3A_276, %select_n3A_290 : vector<16xf32>
          %max3A_293 = arith.maximumf %max3A_291, %max3A_292 : vector<16xf32>
          %shift_left3A_294 = arith.constant 2 : i32
          %shift_left3A_295 = vector.broadcast %shift_left3A_294 : i32 to vector<16xi32>
          %shift_left3A_296 = arith.shli %gather3A_244, %shift_left3A_295 : vector<16xi32>
          %or3A_297 = arith.ori %shift_left3A_296, %and3A_2 : vector<16xi32>
          %gather3A_298 = tpu.vector_load_idx %arg8[%or3A_297] : memref<40000xf32, #tpu.memory_space<vmem>>[vector<16xi32>], vector<16xf32>,
          %max3A_299 = arith.maximumf %gather3A_298, %max3A_293 : vector<16xf32>
          tpu.vector_store_idx %arg8[%or3A_297], %max3A_299 : memref<40000xf32, #tpu.memory_space<vmem>>[vector<16xi32>], vector<16xf32>,
          %add3A_300 = arith.constant 4 : i32
          %add3A_301 = arith.addi %scan3A_94, %add3A_300 : i32
          %add3A_302 = vector.broadcast %add3A_301 : i32 to vector<16xi32>
          %add3A_303 = arith.addi %add3A_302, %shift_right_arithmetic3A_4 : vector<16xi32>
          %gather3A_304 = tpu.vector_load_idx %arg9[%add3A_303] : memref<4000xi32, #tpu.memory_space<vmem>>[vector<16xi32>], vector<16xi32>,
          %gather3A_305 = tpu.vector_load_idx %arg10[%add3A_303] : memref<4000xi32, #tpu.memory_space<vmem>>[vector<16xi32>], vector<16xi32>,
          %shift_left3A_306 = arith.constant 2 : i32
          %shift_left3A_307 = vector.broadcast %shift_left3A_306 : i32 to vector<16xi32>
          %shift_left3A_308 = arith.shli %gather3A_304, %shift_left3A_307 : vector<16xi32>
          %or3A_309 = arith.ori %shift_left3A_308, %and3A_2 : vector<16xi32>
          %gather3A_310 = tpu.vector_load_idx %arg7[%or3A_309] : memref<40000xf32, #tpu.memory_space<vmem>>[vector<16xi32>], vector<16xf32>,
          %add3A_311 = arith.constant 4 : i32
          %add3A_312 = vector.broadcast %add3A_311 : i32 to vector<16xi32>
          %add3A_313 = arith.addi %iota3A, %add3A_312 : vector<16xi32>
          %and3A_314 = arith.constant 15 : i32
          %and3A_315 = vector.broadcast %and3A_314 : i32 to vector<16xi32>
          %and3A_316 = arith.andi %add3A_313, %and3A_315 : vector<16xi32>
          %broadcast_in_dim3A_317 = vector.shape_cast %and3A_316 : vector<16xi32> to vector<16x1xi32>
          %gather3A_318 = vector.shape_cast %broadcast_in_dim3A_317 : vector<16x1xi32> to vector<16xi32>
          %gather3A_319 = tpu.dynamic_gather %gather3A_305[%gather3A_318] in [0] : vector<16xi32>, vector<16xi32> -> vector<16xi32>
          %broadcast_in_dim3A_320 = vector.shape_cast %and3A_316 : vector<16xi32> to vector<16x1xi32>
          %gather3A_321 = vector.shape_cast %broadcast_in_dim3A_320 : vector<16x1xi32> to vector<16xi32>
          %gather3A_322 = tpu.dynamic_gather %gather3A_310[%gather3A_321] in [0] : vector<16xf32>, vector<16xi32> -> vector<16xf32>
          %eq3A_323 = arith.cmpi eq, %gather3A_319, %gather3A_305 : vector<16xi32>
          %select_n3A_324 = arith.select %eq3A_323, %gather3A_322, %gather3A_310 : vector<16xi1>, vector<16xf32>
          %add3A_325 = arith.constant 8 : i32
          %add3A_326 = vector.broadcast %add3A_325 : i32 to vector<16xi32>
          %add3A_327 = arith.addi %iota3A, %add3A_326 : vector<16xi32>
          %and3A_328 = arith.constant 15 : i32
          %and3A_329 = vector.broadcast %and3A_328 : i32 to vector<16xi32>
          %and3A_330 = arith.andi %add3A_327, %and3A_329 : vector<16xi32>
          %broadcast_in_dim3A_331 = vector.shape_cast %and3A_330 : vector<16xi32> to vector<16x1xi32>
          %gather3A_332 = vector.shape_cast %broadcast_in_dim3A_331 : vector<16x1xi32> to vector<16xi32>
          %gather3A_333 = tpu.dynamic_gather %gather3A_305[%gather3A_332] in [0] : vector<16xi32>, vector<16xi32> -> vector<16xi32>
          %broadcast_in_dim3A_334 = vector.shape_cast %and3A_330 : vector<16xi32> to vector<16x1xi32>
          %gather3A_335 = vector.shape_cast %broadcast_in_dim3A_334 : vector<16x1xi32> to vector<16xi32>
          %gather3A_336 = tpu.dynamic_gather %gather3A_310[%gather3A_335] in [0] : vector<16xf32>, vector<16xi32> -> vector<16xf32>
          %eq3A_337 = arith.cmpi eq, %gather3A_333, %gather3A_305 : vector<16xi32>
          %select_n3A_338 = arith.select %eq3A_337, %gather3A_336, %gather3A_310 : vector<16xi1>, vector<16xf32>
          %add3A_339 = arith.constant 12 : i32
          %add3A_340 = vector.broadcast %add3A_339 : i32 to vector<16xi32>
          %add3A_341 = arith.addi %iota3A, %add3A_340 : vector<16xi32>
          %and3A_342 = arith.constant 15 : i32
          %and3A_343 = vector.broadcast %and3A_342 : i32 to vector<16xi32>
          %and3A_344 = arith.andi %add3A_341, %and3A_343 : vector<16xi32>
          %broadcast_in_dim3A_345 = vector.shape_cast %and3A_344 : vector<16xi32> to vector<16x1xi32>
          %gather3A_346 = vector.shape_cast %broadcast_in_dim3A_345 : vector<16x1xi32> to vector<16xi32>
          %gather3A_347 = tpu.dynamic_gather %gather3A_305[%gather3A_346] in [0] : vector<16xi32>, vector<16xi32> -> vector<16xi32>
          %broadcast_in_dim3A_348 = vector.shape_cast %and3A_344 : vector<16xi32> to vector<16x1xi32>
          %gather3A_349 = vector.shape_cast %broadcast_in_dim3A_348 : vector<16x1xi32> to vector<16xi32>
          %gather3A_350 = tpu.dynamic_gather %gather3A_310[%gather3A_349] in [0] : vector<16xf32>, vector<16xi32> -> vector<16xf32>
          %eq3A_351 = arith.cmpi eq, %gather3A_347, %gather3A_305 : vector<16xi32>
          %select_n3A_352 = arith.select %eq3A_351, %gather3A_350, %gather3A_310 : vector<16xi1>, vector<16xf32>
          %max3A_353 = arith.maximumf %gather3A_310, %select_n3A_324 : vector<16xf32>
          %max3A_354 = arith.maximumf %select_n3A_338, %select_n3A_352 : vector<16xf32>
          %max3A_355 = arith.maximumf %max3A_353, %max3A_354 : vector<16xf32>
          %shift_left3A_356 = arith.constant 2 : i32
          %shift_left3A_357 = vector.broadcast %shift_left3A_356 : i32 to vector<16xi32>
          %shift_left3A_358 = arith.shli %gather3A_305, %shift_left3A_357 : vector<16xi32>
          %or3A_359 = arith.ori %shift_left3A_358, %and3A_2 : vector<16xi32>
          %gather3A_360 = tpu.vector_load_idx %arg8[%or3A_359] : memref<40000xf32, #tpu.memory_space<vmem>>[vector<16xi32>], vector<16xf32>,
          %max3A_361 = arith.maximumf %gather3A_360, %max3A_355 : vector<16xf32>
          tpu.vector_store_idx %arg8[%or3A_359], %max3A_361 : memref<40000xf32, #tpu.memory_space<vmem>>[vector<16xi32>], vector<16xf32>,
          %add3A_362 = arith.constant 8 : i32
          %add3A_363 = arith.addi %scan3A_94, %add3A_362 : i32
          %add3A_364 = vector.broadcast %add3A_363 : i32 to vector<16xi32>
          %add3A_365 = arith.addi %add3A_364, %shift_right_arithmetic3A_4 : vector<16xi32>
          %gather3A_366 = tpu.vector_load_idx %arg9[%add3A_365] : memref<4000xi32, #tpu.memory_space<vmem>>[vector<16xi32>], vector<16xi32>,
          %gather3A_367 = tpu.vector_load_idx %arg10[%add3A_365] : memref<4000xi32, #tpu.memory_space<vmem>>[vector<16xi32>], vector<16xi32>,
          %shift_left3A_368 = arith.constant 2 : i32
          %shift_left3A_369 = vector.broadcast %shift_left3A_368 : i32 to vector<16xi32>
          %shift_left3A_370 = arith.shli %gather3A_366, %shift_left3A_369 : vector<16xi32>
          %or3A_371 = arith.ori %shift_left3A_370, %and3A_2 : vector<16xi32>
          %gather3A_372 = tpu.vector_load_idx %arg7[%or3A_371] : memref<40000xf32, #tpu.memory_space<vmem>>[vector<16xi32>], vector<16xf32>,
          %add3A_373 = arith.constant 4 : i32
          %add3A_374 = vector.broadcast %add3A_373 : i32 to vector<16xi32>
          %add3A_375 = arith.addi %iota3A, %add3A_374 : vector<16xi32>
          %and3A_376 = arith.constant 15 : i32
          %and3A_377 = vector.broadcast %and3A_376 : i32 to vector<16xi32>
          %and3A_378 = arith.andi %add3A_375, %and3A_377 : vector<16xi32>
          %broadcast_in_dim3A_379 = vector.shape_cast %and3A_378 : vector<16xi32> to vector<16x1xi32>
          %gather3A_380 = vector.shape_cast %broadcast_in_dim3A_379 : vector<16x1xi32> to vector<16xi32>
          %gather3A_381 = tpu.dynamic_gather %gather3A_367[%gather3A_380] in [0] : vector<16xi32>, vector<16xi32> -> vector<16xi32>
          %broadcast_in_dim3A_382 = vector.shape_cast %and3A_378 : vector<16xi32> to vector<16x1xi32>
          %gather3A_383 = vector.shape_cast %broadcast_in_dim3A_382 : vector<16x1xi32> to vector<16xi32>
          %gather3A_384 = tpu.dynamic_gather %gather3A_372[%gather3A_383] in [0] : vector<16xf32>, vector<16xi32> -> vector<16xf32>
          %eq3A_385 = arith.cmpi eq, %gather3A_381, %gather3A_367 : vector<16xi32>
          %select_n3A_386 = arith.select %eq3A_385, %gather3A_384, %gather3A_372 : vector<16xi1>, vector<16xf32>
          %add3A_387 = arith.constant 8 : i32
          %add3A_388 = vector.broadcast %add3A_387 : i32 to vector<16xi32>
          %add3A_389 = arith.addi %iota3A, %add3A_388 : vector<16xi32>
          %and3A_390 = arith.constant 15 : i32
          %and3A_391 = vector.broadcast %and3A_390 : i32 to vector<16xi32>
          %and3A_392 = arith.andi %add3A_389, %and3A_391 : vector<16xi32>
          %broadcast_in_dim3A_393 = vector.shape_cast %and3A_392 : vector<16xi32> to vector<16x1xi32>
          %gather3A_394 = vector.shape_cast %broadcast_in_dim3A_393 : vector<16x1xi32> to vector<16xi32>
          %gather3A_395 = tpu.dynamic_gather %gather3A_367[%gather3A_394] in [0] : vector<16xi32>, vector<16xi32> -> vector<16xi32>
          %broadcast_in_dim3A_396 = vector.shape_cast %and3A_392 : vector<16xi32> to vector<16x1xi32>
          %gather3A_397 = vector.shape_cast %broadcast_in_dim3A_396 : vector<16x1xi32> to vector<16xi32>
          %gather3A_398 = tpu.dynamic_gather %gather3A_372[%gather3A_397] in [0] : vector<16xf32>, vector<16xi32> -> vector<16xf32>
          %eq3A_399 = arith.cmpi eq, %gather3A_395, %gather3A_367 : vector<16xi32>
          %select_n3A_400 = arith.select %eq3A_399, %gather3A_398, %gather3A_372 : vector<16xi1>, vector<16xf32>
          %add3A_401 = arith.constant 12 : i32
          %add3A_402 = vector.broadcast %add3A_401 : i32 to vector<16xi32>
          %add3A_403 = arith.addi %iota3A, %add3A_402 : vector<16xi32>
          %and3A_404 = arith.constant 15 : i32
          %and3A_405 = vector.broadcast %and3A_404 : i32 to vector<16xi32>
          %and3A_406 = arith.andi %add3A_403, %and3A_405 : vector<16xi32>
          %broadcast_in_dim3A_407 = vector.shape_cast %and3A_406 : vector<16xi32> to vector<16x1xi32>
          %gather3A_408 = vector.shape_cast %broadcast_in_dim3A_407 : vector<16x1xi32> to vector<16xi32>
          %gather3A_409 = tpu.dynamic_gather %gather3A_367[%gather3A_408] in [0] : vector<16xi32>, vector<16xi32> -> vector<16xi32>
          %broadcast_in_dim3A_410 = vector.shape_cast %and3A_406 : vector<16xi32> to vector<16x1xi32>
          %gather3A_411 = vector.shape_cast %broadcast_in_dim3A_410 : vector<16x1xi32> to vector<16xi32>
          %gather3A_412 = tpu.dynamic_gather %gather3A_372[%gather3A_411] in [0] : vector<16xf32>, vector<16xi32> -> vector<16xf32>
          %eq3A_413 = arith.cmpi eq, %gather3A_409, %gather3A_367 : vector<16xi32>
          %select_n3A_414 = arith.select %eq3A_413, %gather3A_412, %gather3A_372 : vector<16xi1>, vector<16xf32>
          %max3A_415 = arith.maximumf %gather3A_372, %select_n3A_386 : vector<16xf32>
          %max3A_416 = arith.maximumf %select_n3A_400, %select_n3A_414 : vector<16xf32>
          %max3A_417 = arith.maximumf %max3A_415, %max3A_416 : vector<16xf32>
          %shift_left3A_418 = arith.constant 2 : i32
          %shift_left3A_419 = vector.broadcast %shift_left3A_418 : i32 to vector<16xi32>
          %shift_left3A_420 = arith.shli %gather3A_367, %shift_left3A_419 : vector<16xi32>
          %or3A_421 = arith.ori %shift_left3A_420, %and3A_2 : vector<16xi32>
          %gather3A_422 = tpu.vector_load_idx %arg8[%or3A_421] : memref<40000xf32, #tpu.memory_space<vmem>>[vector<16xi32>], vector<16xf32>,
          %max3A_423 = arith.maximumf %gather3A_422, %max3A_417 : vector<16xf32>
          tpu.vector_store_idx %arg8[%or3A_421], %max3A_423 : memref<40000xf32, #tpu.memory_space<vmem>>[vector<16xi32>], vector<16xf32>,
          %add3A_424 = arith.constant 12 : i32
          %add3A_425 = arith.addi %scan3A_94, %add3A_424 : i32
          %add3A_426 = vector.broadcast %add3A_425 : i32 to vector<16xi32>
          %add3A_427 = arith.addi %add3A_426, %shift_right_arithmetic3A_4 : vector<16xi32>
          %gather3A_428 = tpu.vector_load_idx %arg9[%add3A_427] : memref<4000xi32, #tpu.memory_space<vmem>>[vector<16xi32>], vector<16xi32>,
          %gather3A_429 = tpu.vector_load_idx %arg10[%add3A_427] : memref<4000xi32, #tpu.memory_space<vmem>>[vector<16xi32>], vector<16xi32>,
          %shift_left3A_430 = arith.constant 2 : i32
          %shift_left3A_431 = vector.broadcast %shift_left3A_430 : i32 to vector<16xi32>
          %shift_left3A_432 = arith.shli %gather3A_428, %shift_left3A_431 : vector<16xi32>
          %or3A_433 = arith.ori %shift_left3A_432, %and3A_2 : vector<16xi32>
          %gather3A_434 = tpu.vector_load_idx %arg7[%or3A_433] : memref<40000xf32, #tpu.memory_space<vmem>>[vector<16xi32>], vector<16xf32>,
          %add3A_435 = arith.constant 4 : i32
          %add3A_436 = vector.broadcast %add3A_435 : i32 to vector<16xi32>
          %add3A_437 = arith.addi %iota3A, %add3A_436 : vector<16xi32>
          %and3A_438 = arith.constant 15 : i32
          %and3A_439 = vector.broadcast %and3A_438 : i32 to vector<16xi32>
          %and3A_440 = arith.andi %add3A_437, %and3A_439 : vector<16xi32>
          %broadcast_in_dim3A_441 = vector.shape_cast %and3A_440 : vector<16xi32> to vector<16x1xi32>
          %gather3A_442 = vector.shape_cast %broadcast_in_dim3A_441 : vector<16x1xi32> to vector<16xi32>
          %gather3A_443 = tpu.dynamic_gather %gather3A_429[%gather3A_442] in [0] : vector<16xi32>, vector<16xi32> -> vector<16xi32>
          %broadcast_in_dim3A_444 = vector.shape_cast %and3A_440 : vector<16xi32> to vector<16x1xi32>
          %gather3A_445 = vector.shape_cast %broadcast_in_dim3A_444 : vector<16x1xi32> to vector<16xi32>
          %gather3A_446 = tpu.dynamic_gather %gather3A_434[%gather3A_445] in [0] : vector<16xf32>, vector<16xi32> -> vector<16xf32>
          %eq3A_447 = arith.cmpi eq, %gather3A_443, %gather3A_429 : vector<16xi32>
          %select_n3A_448 = arith.select %eq3A_447, %gather3A_446, %gather3A_434 : vector<16xi1>, vector<16xf32>
          %add3A_449 = arith.constant 8 : i32
          %add3A_450 = vector.broadcast %add3A_449 : i32 to vector<16xi32>
          %add3A_451 = arith.addi %iota3A, %add3A_450 : vector<16xi32>
          %and3A_452 = arith.constant 15 : i32
          %and3A_453 = vector.broadcast %and3A_452 : i32 to vector<16xi32>
          %and3A_454 = arith.andi %add3A_451, %and3A_453 : vector<16xi32>
          %broadcast_in_dim3A_455 = vector.shape_cast %and3A_454 : vector<16xi32> to vector<16x1xi32>
          %gather3A_456 = vector.shape_cast %broadcast_in_dim3A_455 : vector<16x1xi32> to vector<16xi32>
          %gather3A_457 = tpu.dynamic_gather %gather3A_429[%gather3A_456] in [0] : vector<16xi32>, vector<16xi32> -> vector<16xi32>
          %broadcast_in_dim3A_458 = vector.shape_cast %and3A_454 : vector<16xi32> to vector<16x1xi32>
          %gather3A_459 = vector.shape_cast %broadcast_in_dim3A_458 : vector<16x1xi32> to vector<16xi32>
          %gather3A_460 = tpu.dynamic_gather %gather3A_434[%gather3A_459] in [0] : vector<16xf32>, vector<16xi32> -> vector<16xf32>
          %eq3A_461 = arith.cmpi eq, %gather3A_457, %gather3A_429 : vector<16xi32>
          %select_n3A_462 = arith.select %eq3A_461, %gather3A_460, %gather3A_434 : vector<16xi1>, vector<16xf32>
          %add3A_463 = arith.constant 12 : i32
          %add3A_464 = vector.broadcast %add3A_463 : i32 to vector<16xi32>
          %add3A_465 = arith.addi %iota3A, %add3A_464 : vector<16xi32>
          %and3A_466 = arith.constant 15 : i32
          %and3A_467 = vector.broadcast %and3A_466 : i32 to vector<16xi32>
          %and3A_468 = arith.andi %add3A_465, %and3A_467 : vector<16xi32>
          %broadcast_in_dim3A_469 = vector.shape_cast %and3A_468 : vector<16xi32> to vector<16x1xi32>
          %gather3A_470 = vector.shape_cast %broadcast_in_dim3A_469 : vector<16x1xi32> to vector<16xi32>
          %gather3A_471 = tpu.dynamic_gather %gather3A_429[%gather3A_470] in [0] : vector<16xi32>, vector<16xi32> -> vector<16xi32>
          %broadcast_in_dim3A_472 = vector.shape_cast %and3A_468 : vector<16xi32> to vector<16x1xi32>
          %gather3A_473 = vector.shape_cast %broadcast_in_dim3A_472 : vector<16x1xi32> to vector<16xi32>
          %gather3A_474 = tpu.dynamic_gather %gather3A_434[%gather3A_473] in [0] : vector<16xf32>, vector<16xi32> -> vector<16xf32>
          %eq3A_475 = arith.cmpi eq, %gather3A_471, %gather3A_429 : vector<16xi32>
          %select_n3A_476 = arith.select %eq3A_475, %gather3A_474, %gather3A_434 : vector<16xi1>, vector<16xf32>
          %max3A_477 = arith.maximumf %gather3A_434, %select_n3A_448 : vector<16xf32>
          %max3A_478 = arith.maximumf %select_n3A_462, %select_n3A_476 : vector<16xf32>
          %max3A_479 = arith.maximumf %max3A_477, %max3A_478 : vector<16xf32>
          %shift_left3A_480 = arith.constant 2 : i32
          %shift_left3A_481 = vector.broadcast %shift_left3A_480 : i32 to vector<16xi32>
          %shift_left3A_482 = arith.shli %gather3A_429, %shift_left3A_481 : vector<16xi32>
          %or3A_483 = arith.ori %shift_left3A_482, %and3A_2 : vector<16xi32>
          %gather3A_484 = tpu.vector_load_idx %arg8[%or3A_483] : memref<40000xf32, #tpu.memory_space<vmem>>[vector<16xi32>], vector<16xf32>,
          %max3A_485 = arith.maximumf %gather3A_484, %max3A_479 : vector<16xf32>
          tpu.vector_store_idx %arg8[%or3A_483], %max3A_485 : memref<40000xf32, #tpu.memory_space<vmem>>[vector<16xi32>], vector<16xf32>,
          %add3A_486 = arith.constant 16 : i32
          %add3A_487 = arith.addi %scan3A_94, %add3A_486 : i32
          %add3A_488 = vector.broadcast %add3A_487 : i32 to vector<16xi32>
          %add3A_489 = arith.addi %add3A_488, %shift_right_arithmetic3A_4 : vector<16xi32>
          %gather3A_490 = tpu.vector_load_idx %arg9[%add3A_489] : memref<4000xi32, #tpu.memory_space<vmem>>[vector<16xi32>], vector<16xi32>,
          %gather3A_491 = tpu.vector_load_idx %arg10[%add3A_489] : memref<4000xi32, #tpu.memory_space<vmem>>[vector<16xi32>], vector<16xi32>,
          %shift_left3A_492 = arith.constant 2 : i32
          %shift_left3A_493 = vector.broadcast %shift_left3A_492 : i32 to vector<16xi32>
          %shift_left3A_494 = arith.shli %gather3A_490, %shift_left3A_493 : vector<16xi32>
          %or3A_495 = arith.ori %shift_left3A_494, %and3A_2 : vector<16xi32>
          %gather3A_496 = tpu.vector_load_idx %arg7[%or3A_495] : memref<40000xf32, #tpu.memory_space<vmem>>[vector<16xi32>], vector<16xf32>,
          %add3A_497 = arith.constant 4 : i32
          %add3A_498 = vector.broadcast %add3A_497 : i32 to vector<16xi32>
          %add3A_499 = arith.addi %iota3A, %add3A_498 : vector<16xi32>
          %and3A_500 = arith.constant 15 : i32
          %and3A_501 = vector.broadcast %and3A_500 : i32 to vector<16xi32>
          %and3A_502 = arith.andi %add3A_499, %and3A_501 : vector<16xi32>
          %broadcast_in_dim3A_503 = vector.shape_cast %and3A_502 : vector<16xi32> to vector<16x1xi32>
          %gather3A_504 = vector.shape_cast %broadcast_in_dim3A_503 : vector<16x1xi32> to vector<16xi32>
          %gather3A_505 = tpu.dynamic_gather %gather3A_491[%gather3A_504] in [0] : vector<16xi32>, vector<16xi32> -> vector<16xi32>
          %broadcast_in_dim3A_506 = vector.shape_cast %and3A_502 : vector<16xi32> to vector<16x1xi32>
          %gather3A_507 = vector.shape_cast %broadcast_in_dim3A_506 : vector<16x1xi32> to vector<16xi32>
          %gather3A_508 = tpu.dynamic_gather %gather3A_496[%gather3A_507] in [0] : vector<16xf32>, vector<16xi32> -> vector<16xf32>
          %eq3A_509 = arith.cmpi eq, %gather3A_505, %gather3A_491 : vector<16xi32>
          %select_n3A_510 = arith.select %eq3A_509, %gather3A_508, %gather3A_496 : vector<16xi1>, vector<16xf32>
          %add3A_511 = arith.constant 8 : i32
          %add3A_512 = vector.broadcast %add3A_511 : i32 to vector<16xi32>
          %add3A_513 = arith.addi %iota3A, %add3A_512 : vector<16xi32>
          %and3A_514 = arith.constant 15 : i32
          %and3A_515 = vector.broadcast %and3A_514 : i32 to vector<16xi32>
          %and3A_516 = arith.andi %add3A_513, %and3A_515 : vector<16xi32>
          %broadcast_in_dim3A_517 = vector.shape_cast %and3A_516 : vector<16xi32> to vector<16x1xi32>
          %gather3A_518 = vector.shape_cast %broadcast_in_dim3A_517 : vector<16x1xi32> to vector<16xi32>
          %gather3A_519 = tpu.dynamic_gather %gather3A_491[%gather3A_518] in [0] : vector<16xi32>, vector<16xi32> -> vector<16xi32>
          %broadcast_in_dim3A_520 = vector.shape_cast %and3A_516 : vector<16xi32> to vector<16x1xi32>
          %gather3A_521 = vector.shape_cast %broadcast_in_dim3A_520 : vector<16x1xi32> to vector<16xi32>
          %gather3A_522 = tpu.dynamic_gather %gather3A_496[%gather3A_521] in [0] : vector<16xf32>, vector<16xi32> -> vector<16xf32>
          %eq3A_523 = arith.cmpi eq, %gather3A_519, %gather3A_491 : vector<16xi32>
          %select_n3A_524 = arith.select %eq3A_523, %gather3A_522, %gather3A_496 : vector<16xi1>, vector<16xf32>
          %add3A_525 = arith.constant 12 : i32
          %add3A_526 = vector.broadcast %add3A_525 : i32 to vector<16xi32>
          %add3A_527 = arith.addi %iota3A, %add3A_526 : vector<16xi32>
          %and3A_528 = arith.constant 15 : i32
          %and3A_529 = vector.broadcast %and3A_528 : i32 to vector<16xi32>
          %and3A_530 = arith.andi %add3A_527, %and3A_529 : vector<16xi32>
          %broadcast_in_dim3A_531 = vector.shape_cast %and3A_530 : vector<16xi32> to vector<16x1xi32>
          %gather3A_532 = vector.shape_cast %broadcast_in_dim3A_531 : vector<16x1xi32> to vector<16xi32>
          %gather3A_533 = tpu.dynamic_gather %gather3A_491[%gather3A_532] in [0] : vector<16xi32>, vector<16xi32> -> vector<16xi32>
          %broadcast_in_dim3A_534 = vector.shape_cast %and3A_530 : vector<16xi32> to vector<16x1xi32>
          %gather3A_535 = vector.shape_cast %broadcast_in_dim3A_534 : vector<16x1xi32> to vector<16xi32>
          %gather3A_536 = tpu.dynamic_gather %gather3A_496[%gather3A_535] in [0] : vector<16xf32>, vector<16xi32> -> vector<16xf32>
          %eq3A_537 = arith.cmpi eq, %gather3A_533, %gather3A_491 : vector<16xi32>
          %select_n3A_538 = arith.select %eq3A_537, %gather3A_536, %gather3A_496 : vector<16xi1>, vector<16xf32>
          %max3A_539 = arith.maximumf %gather3A_496, %select_n3A_510 : vector<16xf32>
          %max3A_540 = arith.maximumf %select_n3A_524, %select_n3A_538 : vector<16xf32>
          %max3A_541 = arith.maximumf %max3A_539, %max3A_540 : vector<16xf32>
          %shift_left3A_542 = arith.constant 2 : i32
          %shift_left3A_543 = vector.broadcast %shift_left3A_542 : i32 to vector<16xi32>
          %shift_left3A_544 = arith.shli %gather3A_491, %shift_left3A_543 : vector<16xi32>
          %or3A_545 = arith.ori %shift_left3A_544, %and3A_2 : vector<16xi32>
          %gather3A_546 = tpu.vector_load_idx %arg8[%or3A_545] : memref<40000xf32, #tpu.memory_space<vmem>>[vector<16xi32>], vector<16xf32>,
          %max3A_547 = arith.maximumf %gather3A_546, %max3A_541 : vector<16xf32>
          tpu.vector_store_idx %arg8[%or3A_545], %max3A_547 : memref<40000xf32, #tpu.memory_space<vmem>>[vector<16xi32>], vector<16xf32>,
          %add3A_548 = arith.constant 20 : i32
          %add3A_549 = arith.addi %scan3A_94, %add3A_548 : i32
          %add3A_550 = vector.broadcast %add3A_549 : i32 to vector<16xi32>
          %add3A_551 = arith.addi %add3A_550, %shift_right_arithmetic3A_4 : vector<16xi32>
          %gather3A_552 = tpu.vector_load_idx %arg9[%add3A_551] : memref<4000xi32, #tpu.memory_space<vmem>>[vector<16xi32>], vector<16xi32>,
          %gather3A_553 = tpu.vector_load_idx %arg10[%add3A_551] : memref<4000xi32, #tpu.memory_space<vmem>>[vector<16xi32>], vector<16xi32>,
          %shift_left3A_554 = arith.constant 2 : i32
          %shift_left3A_555 = vector.broadcast %shift_left3A_554 : i32 to vector<16xi32>
          %shift_left3A_556 = arith.shli %gather3A_552, %shift_left3A_555 : vector<16xi32>
          %or3A_557 = arith.ori %shift_left3A_556, %and3A_2 : vector<16xi32>
          %gather3A_558 = tpu.vector_load_idx %arg7[%or3A_557] : memref<40000xf32, #tpu.memory_space<vmem>>[vector<16xi32>], vector<16xf32>,
          %add3A_559 = arith.constant 4 : i32
          %add3A_560 = vector.broadcast %add3A_559 : i32 to vector<16xi32>
          %add3A_561 = arith.addi %iota3A, %add3A_560 : vector<16xi32>
          %and3A_562 = arith.constant 15 : i32
          %and3A_563 = vector.broadcast %and3A_562 : i32 to vector<16xi32>
          %and3A_564 = arith.andi %add3A_561, %and3A_563 : vector<16xi32>
          %broadcast_in_dim3A_565 = vector.shape_cast %and3A_564 : vector<16xi32> to vector<16x1xi32>
          %gather3A_566 = vector.shape_cast %broadcast_in_dim3A_565 : vector<16x1xi32> to vector<16xi32>
          %gather3A_567 = tpu.dynamic_gather %gather3A_553[%gather3A_566] in [0] : vector<16xi32>, vector<16xi32> -> vector<16xi32>
          %broadcast_in_dim3A_568 = vector.shape_cast %and3A_564 : vector<16xi32> to vector<16x1xi32>
          %gather3A_569 = vector.shape_cast %broadcast_in_dim3A_568 : vector<16x1xi32> to vector<16xi32>
          %gather3A_570 = tpu.dynamic_gather %gather3A_558[%gather3A_569] in [0] : vector<16xf32>, vector<16xi32> -> vector<16xf32>
          %eq3A_571 = arith.cmpi eq, %gather3A_567, %gather3A_553 : vector<16xi32>
          %select_n3A_572 = arith.select %eq3A_571, %gather3A_570, %gather3A_558 : vector<16xi1>, vector<16xf32>
          %add3A_573 = arith.constant 8 : i32
          %add3A_574 = vector.broadcast %add3A_573 : i32 to vector<16xi32>
          %add3A_575 = arith.addi %iota3A, %add3A_574 : vector<16xi32>
          %and3A_576 = arith.constant 15 : i32
          %and3A_577 = vector.broadcast %and3A_576 : i32 to vector<16xi32>
          %and3A_578 = arith.andi %add3A_575, %and3A_577 : vector<16xi32>
          %broadcast_in_dim3A_579 = vector.shape_cast %and3A_578 : vector<16xi32> to vector<16x1xi32>
          %gather3A_580 = vector.shape_cast %broadcast_in_dim3A_579 : vector<16x1xi32> to vector<16xi32>
          %gather3A_581 = tpu.dynamic_gather %gather3A_553[%gather3A_580] in [0] : vector<16xi32>, vector<16xi32> -> vector<16xi32>
          %broadcast_in_dim3A_582 = vector.shape_cast %and3A_578 : vector<16xi32> to vector<16x1xi32>
          %gather3A_583 = vector.shape_cast %broadcast_in_dim3A_582 : vector<16x1xi32> to vector<16xi32>
          %gather3A_584 = tpu.dynamic_gather %gather3A_558[%gather3A_583] in [0] : vector<16xf32>, vector<16xi32> -> vector<16xf32>
          %eq3A_585 = arith.cmpi eq, %gather3A_581, %gather3A_553 : vector<16xi32>
          %select_n3A_586 = arith.select %eq3A_585, %gather3A_584, %gather3A_558 : vector<16xi1>, vector<16xf32>
          %add3A_587 = arith.constant 12 : i32
          %add3A_588 = vector.broadcast %add3A_587 : i32 to vector<16xi32>
          %add3A_589 = arith.addi %iota3A, %add3A_588 : vector<16xi32>
          %and3A_590 = arith.constant 15 : i32
          %and3A_591 = vector.broadcast %and3A_590 : i32 to vector<16xi32>
          %and3A_592 = arith.andi %add3A_589, %and3A_591 : vector<16xi32>
          %broadcast_in_dim3A_593 = vector.shape_cast %and3A_592 : vector<16xi32> to vector<16x1xi32>
          %gather3A_594 = vector.shape_cast %broadcast_in_dim3A_593 : vector<16x1xi32> to vector<16xi32>
          %gather3A_595 = tpu.dynamic_gather %gather3A_553[%gather3A_594] in [0] : vector<16xi32>, vector<16xi32> -> vector<16xi32>
          %broadcast_in_dim3A_596 = vector.shape_cast %and3A_592 : vector<16xi32> to vector<16x1xi32>
          %gather3A_597 = vector.shape_cast %broadcast_in_dim3A_596 : vector<16x1xi32> to vector<16xi32>
          %gather3A_598 = tpu.dynamic_gather %gather3A_558[%gather3A_597] in [0] : vector<16xf32>, vector<16xi32> -> vector<16xf32>
          %eq3A_599 = arith.cmpi eq, %gather3A_595, %gather3A_553 : vector<16xi32>
          %select_n3A_600 = arith.select %eq3A_599, %gather3A_598, %gather3A_558 : vector<16xi1>, vector<16xf32>
          %max3A_601 = arith.maximumf %gather3A_558, %select_n3A_572 : vector<16xf32>
          %max3A_602 = arith.maximumf %select_n3A_586, %select_n3A_600 : vector<16xf32>
          %max3A_603 = arith.maximumf %max3A_601, %max3A_602 : vector<16xf32>
          %shift_left3A_604 = arith.constant 2 : i32
          %shift_left3A_605 = vector.broadcast %shift_left3A_604 : i32 to vector<16xi32>
          %shift_left3A_606 = arith.shli %gather3A_553, %shift_left3A_605 : vector<16xi32>
          %or3A_607 = arith.ori %shift_left3A_606, %and3A_2 : vector<16xi32>
          %gather3A_608 = tpu.vector_load_idx %arg8[%or3A_607] : memref<40000xf32, #tpu.memory_space<vmem>>[vector<16xi32>], vector<16xf32>,
          %max3A_609 = arith.maximumf %gather3A_608, %max3A_603 : vector<16xf32>
          tpu.vector_store_idx %arg8[%or3A_607], %max3A_609 : memref<40000xf32, #tpu.memory_space<vmem>>[vector<16xi32>], vector<16xf32>,
          %add3A_610 = arith.constant 24 : i32
          %add3A_611 = arith.addi %scan3A_94, %add3A_610 : i32
          %add3A_612 = vector.broadcast %add3A_611 : i32 to vector<16xi32>
          %add3A_613 = arith.addi %add3A_612, %shift_right_arithmetic3A_4 : vector<16xi32>
          %gather3A_614 = tpu.vector_load_idx %arg9[%add3A_613] : memref<4000xi32, #tpu.memory_space<vmem>>[vector<16xi32>], vector<16xi32>,
          %gather3A_615 = tpu.vector_load_idx %arg10[%add3A_613] : memref<4000xi32, #tpu.memory_space<vmem>>[vector<16xi32>], vector<16xi32>,
          %shift_left3A_616 = arith.constant 2 : i32
          %shift_left3A_617 = vector.broadcast %shift_left3A_616 : i32 to vector<16xi32>
          %shift_left3A_618 = arith.shli %gather3A_614, %shift_left3A_617 : vector<16xi32>
          %or3A_619 = arith.ori %shift_left3A_618, %and3A_2 : vector<16xi32>
          %gather3A_620 = tpu.vector_load_idx %arg7[%or3A_619] : memref<40000xf32, #tpu.memory_space<vmem>>[vector<16xi32>], vector<16xf32>,
          %add3A_621 = arith.constant 4 : i32
          %add3A_622 = vector.broadcast %add3A_621 : i32 to vector<16xi32>
          %add3A_623 = arith.addi %iota3A, %add3A_622 : vector<16xi32>
          %and3A_624 = arith.constant 15 : i32
          %and3A_625 = vector.broadcast %and3A_624 : i32 to vector<16xi32>
          %and3A_626 = arith.andi %add3A_623, %and3A_625 : vector<16xi32>
          %broadcast_in_dim3A_627 = vector.shape_cast %and3A_626 : vector<16xi32> to vector<16x1xi32>
          %gather3A_628 = vector.shape_cast %broadcast_in_dim3A_627 : vector<16x1xi32> to vector<16xi32>
          %gather3A_629 = tpu.dynamic_gather %gather3A_615[%gather3A_628] in [0] : vector<16xi32>, vector<16xi32> -> vector<16xi32>
          %broadcast_in_dim3A_630 = vector.shape_cast %and3A_626 : vector<16xi32> to vector<16x1xi32>
          %gather3A_631 = vector.shape_cast %broadcast_in_dim3A_630 : vector<16x1xi32> to vector<16xi32>
          %gather3A_632 = tpu.dynamic_gather %gather3A_620[%gather3A_631] in [0] : vector<16xf32>, vector<16xi32> -> vector<16xf32>
          %eq3A_633 = arith.cmpi eq, %gather3A_629, %gather3A_615 : vector<16xi32>
          %select_n3A_634 = arith.select %eq3A_633, %gather3A_632, %gather3A_620 : vector<16xi1>, vector<16xf32>
          %add3A_635 = arith.constant 8 : i32
          %add3A_636 = vector.broadcast %add3A_635 : i32 to vector<16xi32>
          %add3A_637 = arith.addi %iota3A, %add3A_636 : vector<16xi32>
          %and3A_638 = arith.constant 15 : i32
          %and3A_639 = vector.broadcast %and3A_638 : i32 to vector<16xi32>
          %and3A_640 = arith.andi %add3A_637, %and3A_639 : vector<16xi32>
          %broadcast_in_dim3A_641 = vector.shape_cast %and3A_640 : vector<16xi32> to vector<16x1xi32>
          %gather3A_642 = vector.shape_cast %broadcast_in_dim3A_641 : vector<16x1xi32> to vector<16xi32>
          %gather3A_643 = tpu.dynamic_gather %gather3A_615[%gather3A_642] in [0] : vector<16xi32>, vector<16xi32> -> vector<16xi32>
          %broadcast_in_dim3A_644 = vector.shape_cast %and3A_640 : vector<16xi32> to vector<16x1xi32>
          %gather3A_645 = vector.shape_cast %broadcast_in_dim3A_644 : vector<16x1xi32> to vector<16xi32>
          %gather3A_646 = tpu.dynamic_gather %gather3A_620[%gather3A_645] in [0] : vector<16xf32>, vector<16xi32> -> vector<16xf32>
          %eq3A_647 = arith.cmpi eq, %gather3A_643, %gather3A_615 : vector<16xi32>
          %select_n3A_648 = arith.select %eq3A_647, %gather3A_646, %gather3A_620 : vector<16xi1>, vector<16xf32>
          %add3A_649 = arith.constant 12 : i32
          %add3A_650 = vector.broadcast %add3A_649 : i32 to vector<16xi32>
          %add3A_651 = arith.addi %iota3A, %add3A_650 : vector<16xi32>
          %and3A_652 = arith.constant 15 : i32
          %and3A_653 = vector.broadcast %and3A_652 : i32 to vector<16xi32>
          %and3A_654 = arith.andi %add3A_651, %and3A_653 : vector<16xi32>
          %broadcast_in_dim3A_655 = vector.shape_cast %and3A_654 : vector<16xi32> to vector<16x1xi32>
          %gather3A_656 = vector.shape_cast %broadcast_in_dim3A_655 : vector<16x1xi32> to vector<16xi32>
          %gather3A_657 = tpu.dynamic_gather %gather3A_615[%gather3A_656] in [0] : vector<16xi32>, vector<16xi32> -> vector<16xi32>
          %broadcast_in_dim3A_658 = vector.shape_cast %and3A_654 : vector<16xi32> to vector<16x1xi32>
          %gather3A_659 = vector.shape_cast %broadcast_in_dim3A_658 : vector<16x1xi32> to vector<16xi32>
          %gather3A_660 = tpu.dynamic_gather %gather3A_620[%gather3A_659] in [0] : vector<16xf32>, vector<16xi32> -> vector<16xf32>
          %eq3A_661 = arith.cmpi eq, %gather3A_657, %gather3A_615 : vector<16xi32>
          %select_n3A_662 = arith.select %eq3A_661, %gather3A_660, %gather3A_620 : vector<16xi1>, vector<16xf32>
          %max3A_663 = arith.maximumf %gather3A_620, %select_n3A_634 : vector<16xf32>
          %max3A_664 = arith.maximumf %select_n3A_648, %select_n3A_662 : vector<16xf32>
          %max3A_665 = arith.maximumf %max3A_663, %max3A_664 : vector<16xf32>
          %shift_left3A_666 = arith.constant 2 : i32
          %shift_left3A_667 = vector.broadcast %shift_left3A_666 : i32 to vector<16xi32>
          %shift_left3A_668 = arith.shli %gather3A_615, %shift_left3A_667 : vector<16xi32>
          %or3A_669 = arith.ori %shift_left3A_668, %and3A_2 : vector<16xi32>
          %gather3A_670 = tpu.vector_load_idx %arg8[%or3A_669] : memref<40000xf32, #tpu.memory_space<vmem>>[vector<16xi32>], vector<16xf32>,
          %max3A_671 = arith.maximumf %gather3A_670, %max3A_665 : vector<16xf32>
          tpu.vector_store_idx %arg8[%or3A_669], %max3A_671 : memref<40000xf32, #tpu.memory_space<vmem>>[vector<16xi32>], vector<16xf32>,
          %add3A_672 = arith.constant 28 : i32
          %add3A_673 = arith.addi %scan3A_94, %add3A_672 : i32
          %add3A_674 = vector.broadcast %add3A_673 : i32 to vector<16xi32>
          %add3A_675 = arith.addi %add3A_674, %shift_right_arithmetic3A_4 : vector<16xi32>
          %gather3A_676 = tpu.vector_load_idx %arg9[%add3A_675] : memref<4000xi32, #tpu.memory_space<vmem>>[vector<16xi32>], vector<16xi32>,
          %gather3A_677 = tpu.vector_load_idx %arg10[%add3A_675] : memref<4000xi32, #tpu.memory_space<vmem>>[vector<16xi32>], vector<16xi32>,
          %shift_left3A_678 = arith.constant 2 : i32
          %shift_left3A_679 = vector.broadcast %shift_left3A_678 : i32 to vector<16xi32>
          %shift_left3A_680 = arith.shli %gather3A_676, %shift_left3A_679 : vector<16xi32>
          %or3A_681 = arith.ori %shift_left3A_680, %and3A_2 : vector<16xi32>
          %gather3A_682 = tpu.vector_load_idx %arg7[%or3A_681] : memref<40000xf32, #tpu.memory_space<vmem>>[vector<16xi32>], vector<16xf32>,
          %add3A_683 = arith.constant 4 : i32
          %add3A_684 = vector.broadcast %add3A_683 : i32 to vector<16xi32>
          %add3A_685 = arith.addi %iota3A, %add3A_684 : vector<16xi32>
          %and3A_686 = arith.constant 15 : i32
          %and3A_687 = vector.broadcast %and3A_686 : i32 to vector<16xi32>
          %and3A_688 = arith.andi %add3A_685, %and3A_687 : vector<16xi32>
          %broadcast_in_dim3A_689 = vector.shape_cast %and3A_688 : vector<16xi32> to vector<16x1xi32>
          %gather3A_690 = vector.shape_cast %broadcast_in_dim3A_689 : vector<16x1xi32> to vector<16xi32>
          %gather3A_691 = tpu.dynamic_gather %gather3A_677[%gather3A_690] in [0] : vector<16xi32>, vector<16xi32> -> vector<16xi32>
          %broadcast_in_dim3A_692 = vector.shape_cast %and3A_688 : vector<16xi32> to vector<16x1xi32>
          %gather3A_693 = vector.shape_cast %broadcast_in_dim3A_692 : vector<16x1xi32> to vector<16xi32>
          %gather3A_694 = tpu.dynamic_gather %gather3A_682[%gather3A_693] in [0] : vector<16xf32>, vector<16xi32> -> vector<16xf32>
          %eq3A_695 = arith.cmpi eq, %gather3A_691, %gather3A_677 : vector<16xi32>
          %select_n3A_696 = arith.select %eq3A_695, %gather3A_694, %gather3A_682 : vector<16xi1>, vector<16xf32>
          %add3A_697 = arith.constant 8 : i32
          %add3A_698 = vector.broadcast %add3A_697 : i32 to vector<16xi32>
          %add3A_699 = arith.addi %iota3A, %add3A_698 : vector<16xi32>
          %and3A_700 = arith.constant 15 : i32
          %and3A_701 = vector.broadcast %and3A_700 : i32 to vector<16xi32>
          %and3A_702 = arith.andi %add3A_699, %and3A_701 : vector<16xi32>
          %broadcast_in_dim3A_703 = vector.shape_cast %and3A_702 : vector<16xi32> to vector<16x1xi32>
          %gather3A_704 = vector.shape_cast %broadcast_in_dim3A_703 : vector<16x1xi32> to vector<16xi32>
          %gather3A_705 = tpu.dynamic_gather %gather3A_677[%gather3A_704] in [0] : vector<16xi32>, vector<16xi32> -> vector<16xi32>
          %broadcast_in_dim3A_706 = vector.shape_cast %and3A_702 : vector<16xi32> to vector<16x1xi32>
          %gather3A_707 = vector.shape_cast %broadcast_in_dim3A_706 : vector<16x1xi32> to vector<16xi32>
          %gather3A_708 = tpu.dynamic_gather %gather3A_682[%gather3A_707] in [0] : vector<16xf32>, vector<16xi32> -> vector<16xf32>
          %eq3A_709 = arith.cmpi eq, %gather3A_705, %gather3A_677 : vector<16xi32>
          %select_n3A_710 = arith.select %eq3A_709, %gather3A_708, %gather3A_682 : vector<16xi1>, vector<16xf32>
          %add3A_711 = arith.constant 12 : i32
          %add3A_712 = vector.broadcast %add3A_711 : i32 to vector<16xi32>
          %add3A_713 = arith.addi %iota3A, %add3A_712 : vector<16xi32>
          %and3A_714 = arith.constant 15 : i32
          %and3A_715 = vector.broadcast %and3A_714 : i32 to vector<16xi32>
          %and3A_716 = arith.andi %add3A_713, %and3A_715 : vector<16xi32>
          %broadcast_in_dim3A_717 = vector.shape_cast %and3A_716 : vector<16xi32> to vector<16x1xi32>
          %gather3A_718 = vector.shape_cast %broadcast_in_dim3A_717 : vector<16x1xi32> to vector<16xi32>
          %gather3A_719 = tpu.dynamic_gather %gather3A_677[%gather3A_718] in [0] : vector<16xi32>, vector<16xi32> -> vector<16xi32>
          %broadcast_in_dim3A_720 = vector.shape_cast %and3A_716 : vector<16xi32> to vector<16x1xi32>
          %gather3A_721 = vector.shape_cast %broadcast_in_dim3A_720 : vector<16x1xi32> to vector<16xi32>
          %gather3A_722 = tpu.dynamic_gather %gather3A_682[%gather3A_721] in [0] : vector<16xf32>, vector<16xi32> -> vector<16xf32>
          %eq3A_723 = arith.cmpi eq, %gather3A_719, %gather3A_677 : vector<16xi32>
          %select_n3A_724 = arith.select %eq3A_723, %gather3A_722, %gather3A_682 : vector<16xi1>, vector<16xf32>
          %max3A_725 = arith.maximumf %gather3A_682, %select_n3A_696 : vector<16xf32>
          %max3A_726 = arith.maximumf %select_n3A_710, %select_n3A_724 : vector<16xf32>
          %max3A_727 = arith.maximumf %max3A_725, %max3A_726 : vector<16xf32>
          %shift_left3A_728 = arith.constant 2 : i32
          %shift_left3A_729 = vector.broadcast %shift_left3A_728 : i32 to vector<16xi32>
          %shift_left3A_730 = arith.shli %gather3A_677, %shift_left3A_729 : vector<16xi32>
          %or3A_731 = arith.ori %shift_left3A_730, %and3A_2 : vector<16xi32>
          %gather3A_732 = tpu.vector_load_idx %arg8[%or3A_731] : memref<40000xf32, #tpu.memory_space<vmem>>[vector<16xi32>], vector<16xf32>,
          %max3A_733 = arith.maximumf %gather3A_732, %max3A_727 : vector<16xf32>
          tpu.vector_store_idx %arg8[%or3A_731], %max3A_733 : memref<40000xf32, #tpu.memory_space<vmem>>[vector<16xi32>], vector<16xf32>,
        } else {
        }
        scf.yield %select_n3A, %mul3A_96 : vector<16xf32>, i32
      }
      %scan3A_55 = arith.constant 125 : i32
      %reduce_max3A = arith.constant true
      %reduce_max3A_56 = vector.broadcast %reduce_max3A : i1 to vector<16xi1>
      %reduce_max3A_57 = tpu.scan <max>, %scan3A_54#0 masked %reduce_max3A_56 : vector<16xf32>, vector<16xi1> -> vector<16xf32>
      %reduce_max3A_58 = vector.extract %reduce_max3A_57[15] : f32 from vector<16xf32>
      %gt3A = arith.constant 0.000000e+00 : f32
      %gt3A_59 = arith.cmpf ogt, %reduce_max3A_58, %gt3A : f32
      %convert_element_type3A = arith.extui %gt3A_59 : i1 to i32
      %cond3A = arith.constant 0 : i32
      %cond3A_60 = arith.cmpi ne, %convert_element_type3A, %cond3A : i32
      scf.if %cond3A_60 {
        %add3A_92 = arith.constant 0 : i32
        %add3A_93 = arith.addi %scan3A_54#1, %add3A_92 : i32
        %add3A_94 = vector.broadcast %add3A_93 : i32 to vector<16xi32>
        %add3A_95 = arith.addi %add3A_94, %shift_right_arithmetic3A_4 : vector<16xi32>
        %gather3A = tpu.vector_load_idx %arg9[%add3A_95] : memref<4000xi32, #tpu.memory_space<vmem>>[vector<16xi32>], vector<16xi32>,
        %gather3A_96 = tpu.vector_load_idx %arg10[%add3A_95] : memref<4000xi32, #tpu.memory_space<vmem>>[vector<16xi32>], vector<16xi32>,
        %shift_left3A = arith.constant 2 : i32
        %shift_left3A_97 = vector.broadcast %shift_left3A : i32 to vector<16xi32>
        %shift_left3A_98 = arith.shli %gather3A, %shift_left3A_97 : vector<16xi32>
        %or3A = arith.ori %shift_left3A_98, %and3A_2 : vector<16xi32>
        %gather3A_99 = tpu.vector_load_idx %arg7[%or3A] : memref<40000xf32, #tpu.memory_space<vmem>>[vector<16xi32>], vector<16xf32>,
        %add3A_100 = arith.constant 4 : i32
        %add3A_101 = vector.broadcast %add3A_100 : i32 to vector<16xi32>
        %add3A_102 = arith.addi %iota3A, %add3A_101 : vector<16xi32>
        %and3A_103 = arith.constant 15 : i32
        %and3A_104 = vector.broadcast %and3A_103 : i32 to vector<16xi32>
        %and3A_105 = arith.andi %add3A_102, %and3A_104 : vector<16xi32>
        %broadcast_in_dim3A_106 = vector.shape_cast %and3A_105 : vector<16xi32> to vector<16x1xi32>
        %gather3A_107 = vector.shape_cast %broadcast_in_dim3A_106 : vector<16x1xi32> to vector<16xi32>
        %gather3A_108 = tpu.dynamic_gather %gather3A_96[%gather3A_107] in [0] : vector<16xi32>, vector<16xi32> -> vector<16xi32>
        %broadcast_in_dim3A_109 = vector.shape_cast %and3A_105 : vector<16xi32> to vector<16x1xi32>
        %gather3A_110 = vector.shape_cast %broadcast_in_dim3A_109 : vector<16x1xi32> to vector<16xi32>
        %gather3A_111 = tpu.dynamic_gather %gather3A_99[%gather3A_110] in [0] : vector<16xf32>, vector<16xi32> -> vector<16xf32>
        %eq3A = arith.cmpi eq, %gather3A_108, %gather3A_96 : vector<16xi32>
        %select_n3A = arith.select %eq3A, %gather3A_111, %gather3A_99 : vector<16xi1>, vector<16xf32>
        %add3A_112 = arith.constant 8 : i32
        %add3A_113 = vector.broadcast %add3A_112 : i32 to vector<16xi32>
        %add3A_114 = arith.addi %iota3A, %add3A_113 : vector<16xi32>
        %and3A_115 = arith.constant 15 : i32
        %and3A_116 = vector.broadcast %and3A_115 : i32 to vector<16xi32>
        %and3A_117 = arith.andi %add3A_114, %and3A_116 : vector<16xi32>
        %broadcast_in_dim3A_118 = vector.shape_cast %and3A_117 : vector<16xi32> to vector<16x1xi32>
        %gather3A_119 = vector.shape_cast %broadcast_in_dim3A_118 : vector<16x1xi32> to vector<16xi32>
        %gather3A_120 = tpu.dynamic_gather %gather3A_96[%gather3A_119] in [0] : vector<16xi32>, vector<16xi32> -> vector<16xi32>
        %broadcast_in_dim3A_121 = vector.shape_cast %and3A_117 : vector<16xi32> to vector<16x1xi32>
        %gather3A_122 = vector.shape_cast %broadcast_in_dim3A_121 : vector<16x1xi32> to vector<16xi32>
        %gather3A_123 = tpu.dynamic_gather %gather3A_99[%gather3A_122] in [0] : vector<16xf32>, vector<16xi32> -> vector<16xf32>
        %eq3A_124 = arith.cmpi eq, %gather3A_120, %gather3A_96 : vector<16xi32>
        %select_n3A_125 = arith.select %eq3A_124, %gather3A_123, %gather3A_99 : vector<16xi1>, vector<16xf32>
        %add3A_126 = arith.constant 12 : i32
        %add3A_127 = vector.broadcast %add3A_126 : i32 to vector<16xi32>
        %add3A_128 = arith.addi %iota3A, %add3A_127 : vector<16xi32>
        %and3A_129 = arith.constant 15 : i32
        %and3A_130 = vector.broadcast %and3A_129 : i32 to vector<16xi32>
        %and3A_131 = arith.andi %add3A_128, %and3A_130 : vector<16xi32>
        %broadcast_in_dim3A_132 = vector.shape_cast %and3A_131 : vector<16xi32> to vector<16x1xi32>
        %gather3A_133 = vector.shape_cast %broadcast_in_dim3A_132 : vector<16x1xi32> to vector<16xi32>
        %gather3A_134 = tpu.dynamic_gather %gather3A_96[%gather3A_133] in [0] : vector<16xi32>, vector<16xi32> -> vector<16xi32>
        %broadcast_in_dim3A_135 = vector.shape_cast %and3A_131 : vector<16xi32> to vector<16x1xi32>
        %gather3A_136 = vector.shape_cast %broadcast_in_dim3A_135 : vector<16x1xi32> to vector<16xi32>
        %gather3A_137 = tpu.dynamic_gather %gather3A_99[%gather3A_136] in [0] : vector<16xf32>, vector<16xi32> -> vector<16xf32>
        %eq3A_138 = arith.cmpi eq, %gather3A_134, %gather3A_96 : vector<16xi32>
        %select_n3A_139 = arith.select %eq3A_138, %gather3A_137, %gather3A_99 : vector<16xi1>, vector<16xf32>
        %max3A = arith.maximumf %gather3A_99, %select_n3A : vector<16xf32>
        %max3A_140 = arith.maximumf %select_n3A_125, %select_n3A_139 : vector<16xf32>
        %max3A_141 = arith.maximumf %max3A, %max3A_140 : vector<16xf32>
        %shift_left3A_142 = arith.constant 2 : i32
        %shift_left3A_143 = vector.broadcast %shift_left3A_142 : i32 to vector<16xi32>
        %shift_left3A_144 = arith.shli %gather3A_96, %shift_left3A_143 : vector<16xi32>
        %or3A_145 = arith.ori %shift_left3A_144, %and3A_2 : vector<16xi32>
        %gather3A_146 = tpu.vector_load_idx %arg8[%or3A_145] : memref<40000xf32, #tpu.memory_space<vmem>>[vector<16xi32>], vector<16xf32>,
        %max3A_147 = arith.maximumf %gather3A_146, %max3A_141 : vector<16xf32>
        tpu.vector_store_idx %arg8[%or3A_145], %max3A_147 : memref<40000xf32, #tpu.memory_space<vmem>>[vector<16xi32>], vector<16xf32>,
        %add3A_148 = arith.constant 4 : i32
        %add3A_149 = arith.addi %scan3A_54#1, %add3A_148 : i32
        %add3A_150 = vector.broadcast %add3A_149 : i32 to vector<16xi32>
        %add3A_151 = arith.addi %add3A_150, %shift_right_arithmetic3A_4 : vector<16xi32>
        %gather3A_152 = tpu.vector_load_idx %arg9[%add3A_151] : memref<4000xi32, #tpu.memory_space<vmem>>[vector<16xi32>], vector<16xi32>,
        %gather3A_153 = tpu.vector_load_idx %arg10[%add3A_151] : memref<4000xi32, #tpu.memory_space<vmem>>[vector<16xi32>], vector<16xi32>,
        %shift_left3A_154 = arith.constant 2 : i32
        %shift_left3A_155 = vector.broadcast %shift_left3A_154 : i32 to vector<16xi32>
        %shift_left3A_156 = arith.shli %gather3A_152, %shift_left3A_155 : vector<16xi32>
        %or3A_157 = arith.ori %shift_left3A_156, %and3A_2 : vector<16xi32>
        %gather3A_158 = tpu.vector_load_idx %arg7[%or3A_157] : memref<40000xf32, #tpu.memory_space<vmem>>[vector<16xi32>], vector<16xf32>,
        %add3A_159 = arith.constant 4 : i32
        %add3A_160 = vector.broadcast %add3A_159 : i32 to vector<16xi32>
        %add3A_161 = arith.addi %iota3A, %add3A_160 : vector<16xi32>
        %and3A_162 = arith.constant 15 : i32
        %and3A_163 = vector.broadcast %and3A_162 : i32 to vector<16xi32>
        %and3A_164 = arith.andi %add3A_161, %and3A_163 : vector<16xi32>
        %broadcast_in_dim3A_165 = vector.shape_cast %and3A_164 : vector<16xi32> to vector<16x1xi32>
        %gather3A_166 = vector.shape_cast %broadcast_in_dim3A_165 : vector<16x1xi32> to vector<16xi32>
        %gather3A_167 = tpu.dynamic_gather %gather3A_153[%gather3A_166] in [0] : vector<16xi32>, vector<16xi32> -> vector<16xi32>
        %broadcast_in_dim3A_168 = vector.shape_cast %and3A_164 : vector<16xi32> to vector<16x1xi32>
        %gather3A_169 = vector.shape_cast %broadcast_in_dim3A_168 : vector<16x1xi32> to vector<16xi32>
        %gather3A_170 = tpu.dynamic_gather %gather3A_158[%gather3A_169] in [0] : vector<16xf32>, vector<16xi32> -> vector<16xf32>
        %eq3A_171 = arith.cmpi eq, %gather3A_167, %gather3A_153 : vector<16xi32>
        %select_n3A_172 = arith.select %eq3A_171, %gather3A_170, %gather3A_158 : vector<16xi1>, vector<16xf32>
        %add3A_173 = arith.constant 8 : i32
        %add3A_174 = vector.broadcast %add3A_173 : i32 to vector<16xi32>
        %add3A_175 = arith.addi %iota3A, %add3A_174 : vector<16xi32>
        %and3A_176 = arith.constant 15 : i32
        %and3A_177 = vector.broadcast %and3A_176 : i32 to vector<16xi32>
        %and3A_178 = arith.andi %add3A_175, %and3A_177 : vector<16xi32>
        %broadcast_in_dim3A_179 = vector.shape_cast %and3A_178 : vector<16xi32> to vector<16x1xi32>
        %gather3A_180 = vector.shape_cast %broadcast_in_dim3A_179 : vector<16x1xi32> to vector<16xi32>
        %gather3A_181 = tpu.dynamic_gather %gather3A_153[%gather3A_180] in [0] : vector<16xi32>, vector<16xi32> -> vector<16xi32>
        %broadcast_in_dim3A_182 = vector.shape_cast %and3A_178 : vector<16xi32> to vector<16x1xi32>
        %gather3A_183 = vector.shape_cast %broadcast_in_dim3A_182 : vector<16x1xi32> to vector<16xi32>
        %gather3A_184 = tpu.dynamic_gather %gather3A_158[%gather3A_183] in [0] : vector<16xf32>, vector<16xi32> -> vector<16xf32>
        %eq3A_185 = arith.cmpi eq, %gather3A_181, %gather3A_153 : vector<16xi32>
        %select_n3A_186 = arith.select %eq3A_185, %gather3A_184, %gather3A_158 : vector<16xi1>, vector<16xf32>
        %add3A_187 = arith.constant 12 : i32
        %add3A_188 = vector.broadcast %add3A_187 : i32 to vector<16xi32>
        %add3A_189 = arith.addi %iota3A, %add3A_188 : vector<16xi32>
        %and3A_190 = arith.constant 15 : i32
        %and3A_191 = vector.broadcast %and3A_190 : i32 to vector<16xi32>
        %and3A_192 = arith.andi %add3A_189, %and3A_191 : vector<16xi32>
        %broadcast_in_dim3A_193 = vector.shape_cast %and3A_192 : vector<16xi32> to vector<16x1xi32>
        %gather3A_194 = vector.shape_cast %broadcast_in_dim3A_193 : vector<16x1xi32> to vector<16xi32>
        %gather3A_195 = tpu.dynamic_gather %gather3A_153[%gather3A_194] in [0] : vector<16xi32>, vector<16xi32> -> vector<16xi32>
        %broadcast_in_dim3A_196 = vector.shape_cast %and3A_192 : vector<16xi32> to vector<16x1xi32>
        %gather3A_197 = vector.shape_cast %broadcast_in_dim3A_196 : vector<16x1xi32> to vector<16xi32>
        %gather3A_198 = tpu.dynamic_gather %gather3A_158[%gather3A_197] in [0] : vector<16xf32>, vector<16xi32> -> vector<16xf32>
        %eq3A_199 = arith.cmpi eq, %gather3A_195, %gather3A_153 : vector<16xi32>
        %select_n3A_200 = arith.select %eq3A_199, %gather3A_198, %gather3A_158 : vector<16xi1>, vector<16xf32>
        %max3A_201 = arith.maximumf %gather3A_158, %select_n3A_172 : vector<16xf32>
        %max3A_202 = arith.maximumf %select_n3A_186, %select_n3A_200 : vector<16xf32>
        %max3A_203 = arith.maximumf %max3A_201, %max3A_202 : vector<16xf32>
        %shift_left3A_204 = arith.constant 2 : i32
        %shift_left3A_205 = vector.broadcast %shift_left3A_204 : i32 to vector<16xi32>
        %shift_left3A_206 = arith.shli %gather3A_153, %shift_left3A_205 : vector<16xi32>
        %or3A_207 = arith.ori %shift_left3A_206, %and3A_2 : vector<16xi32>
        %gather3A_208 = tpu.vector_load_idx %arg8[%or3A_207] : memref<40000xf32, #tpu.memory_space<vmem>>[vector<16xi32>], vector<16xf32>,
        %max3A_209 = arith.maximumf %gather3A_208, %max3A_203 : vector<16xf32>
        tpu.vector_store_idx %arg8[%or3A_207], %max3A_209 : memref<40000xf32, #tpu.memory_space<vmem>>[vector<16xi32>], vector<16xf32>,
        %add3A_210 = arith.constant 8 : i32
        %add3A_211 = arith.addi %scan3A_54#1, %add3A_210 : i32
        %add3A_212 = vector.broadcast %add3A_211 : i32 to vector<16xi32>
        %add3A_213 = arith.addi %add3A_212, %shift_right_arithmetic3A_4 : vector<16xi32>
        %gather3A_214 = tpu.vector_load_idx %arg9[%add3A_213] : memref<4000xi32, #tpu.memory_space<vmem>>[vector<16xi32>], vector<16xi32>,
        %gather3A_215 = tpu.vector_load_idx %arg10[%add3A_213] : memref<4000xi32, #tpu.memory_space<vmem>>[vector<16xi32>], vector<16xi32>,
        %shift_left3A_216 = arith.constant 2 : i32
        %shift_left3A_217 = vector.broadcast %shift_left3A_216 : i32 to vector<16xi32>
        %shift_left3A_218 = arith.shli %gather3A_214, %shift_left3A_217 : vector<16xi32>
        %or3A_219 = arith.ori %shift_left3A_218, %and3A_2 : vector<16xi32>
        %gather3A_220 = tpu.vector_load_idx %arg7[%or3A_219] : memref<40000xf32, #tpu.memory_space<vmem>>[vector<16xi32>], vector<16xf32>,
        %add3A_221 = arith.constant 4 : i32
        %add3A_222 = vector.broadcast %add3A_221 : i32 to vector<16xi32>
        %add3A_223 = arith.addi %iota3A, %add3A_222 : vector<16xi32>
        %and3A_224 = arith.constant 15 : i32
        %and3A_225 = vector.broadcast %and3A_224 : i32 to vector<16xi32>
        %and3A_226 = arith.andi %add3A_223, %and3A_225 : vector<16xi32>
        %broadcast_in_dim3A_227 = vector.shape_cast %and3A_226 : vector<16xi32> to vector<16x1xi32>
        %gather3A_228 = vector.shape_cast %broadcast_in_dim3A_227 : vector<16x1xi32> to vector<16xi32>
        %gather3A_229 = tpu.dynamic_gather %gather3A_215[%gather3A_228] in [0] : vector<16xi32>, vector<16xi32> -> vector<16xi32>
        %broadcast_in_dim3A_230 = vector.shape_cast %and3A_226 : vector<16xi32> to vector<16x1xi32>
        %gather3A_231 = vector.shape_cast %broadcast_in_dim3A_230 : vector<16x1xi32> to vector<16xi32>
        %gather3A_232 = tpu.dynamic_gather %gather3A_220[%gather3A_231] in [0] : vector<16xf32>, vector<16xi32> -> vector<16xf32>
        %eq3A_233 = arith.cmpi eq, %gather3A_229, %gather3A_215 : vector<16xi32>
        %select_n3A_234 = arith.select %eq3A_233, %gather3A_232, %gather3A_220 : vector<16xi1>, vector<16xf32>
        %add3A_235 = arith.constant 8 : i32
        %add3A_236 = vector.broadcast %add3A_235 : i32 to vector<16xi32>
        %add3A_237 = arith.addi %iota3A, %add3A_236 : vector<16xi32>
        %and3A_238 = arith.constant 15 : i32
        %and3A_239 = vector.broadcast %and3A_238 : i32 to vector<16xi32>
        %and3A_240 = arith.andi %add3A_237, %and3A_239 : vector<16xi32>
        %broadcast_in_dim3A_241 = vector.shape_cast %and3A_240 : vector<16xi32> to vector<16x1xi32>
        %gather3A_242 = vector.shape_cast %broadcast_in_dim3A_241 : vector<16x1xi32> to vector<16xi32>
        %gather3A_243 = tpu.dynamic_gather %gather3A_215[%gather3A_242] in [0] : vector<16xi32>, vector<16xi32> -> vector<16xi32>
        %broadcast_in_dim3A_244 = vector.shape_cast %and3A_240 : vector<16xi32> to vector<16x1xi32>
        %gather3A_245 = vector.shape_cast %broadcast_in_dim3A_244 : vector<16x1xi32> to vector<16xi32>
        %gather3A_246 = tpu.dynamic_gather %gather3A_220[%gather3A_245] in [0] : vector<16xf32>, vector<16xi32> -> vector<16xf32>
        %eq3A_247 = arith.cmpi eq, %gather3A_243, %gather3A_215 : vector<16xi32>
        %select_n3A_248 = arith.select %eq3A_247, %gather3A_246, %gather3A_220 : vector<16xi1>, vector<16xf32>
        %add3A_249 = arith.constant 12 : i32
        %add3A_250 = vector.broadcast %add3A_249 : i32 to vector<16xi32>
        %add3A_251 = arith.addi %iota3A, %add3A_250 : vector<16xi32>
        %and3A_252 = arith.constant 15 : i32
        %and3A_253 = vector.broadcast %and3A_252 : i32 to vector<16xi32>
        %and3A_254 = arith.andi %add3A_251, %and3A_253 : vector<16xi32>
        %broadcast_in_dim3A_255 = vector.shape_cast %and3A_254 : vector<16xi32> to vector<16x1xi32>
        %gather3A_256 = vector.shape_cast %broadcast_in_dim3A_255 : vector<16x1xi32> to vector<16xi32>
        %gather3A_257 = tpu.dynamic_gather %gather3A_215[%gather3A_256] in [0] : vector<16xi32>, vector<16xi32> -> vector<16xi32>
        %broadcast_in_dim3A_258 = vector.shape_cast %and3A_254 : vector<16xi32> to vector<16x1xi32>
        %gather3A_259 = vector.shape_cast %broadcast_in_dim3A_258 : vector<16x1xi32> to vector<16xi32>
        %gather3A_260 = tpu.dynamic_gather %gather3A_220[%gather3A_259] in [0] : vector<16xf32>, vector<16xi32> -> vector<16xf32>
        %eq3A_261 = arith.cmpi eq, %gather3A_257, %gather3A_215 : vector<16xi32>
        %select_n3A_262 = arith.select %eq3A_261, %gather3A_260, %gather3A_220 : vector<16xi1>, vector<16xf32>
        %max3A_263 = arith.maximumf %gather3A_220, %select_n3A_234 : vector<16xf32>
        %max3A_264 = arith.maximumf %select_n3A_248, %select_n3A_262 : vector<16xf32>
        %max3A_265 = arith.maximumf %max3A_263, %max3A_264 : vector<16xf32>
        %shift_left3A_266 = arith.constant 2 : i32
        %shift_left3A_267 = vector.broadcast %shift_left3A_266 : i32 to vector<16xi32>
        %shift_left3A_268 = arith.shli %gather3A_215, %shift_left3A_267 : vector<16xi32>
        %or3A_269 = arith.ori %shift_left3A_268, %and3A_2 : vector<16xi32>
        %gather3A_270 = tpu.vector_load_idx %arg8[%or3A_269] : memref<40000xf32, #tpu.memory_space<vmem>>[vector<16xi32>], vector<16xf32>,
        %max3A_271 = arith.maximumf %gather3A_270, %max3A_265 : vector<16xf32>
        tpu.vector_store_idx %arg8[%or3A_269], %max3A_271 : memref<40000xf32, #tpu.memory_space<vmem>>[vector<16xi32>], vector<16xf32>,
        %add3A_272 = arith.constant 12 : i32
        %add3A_273 = arith.addi %scan3A_54#1, %add3A_272 : i32
        %add3A_274 = vector.broadcast %add3A_273 : i32 to vector<16xi32>
        %add3A_275 = arith.addi %add3A_274, %shift_right_arithmetic3A_4 : vector<16xi32>
        %gather3A_276 = tpu.vector_load_idx %arg9[%add3A_275] : memref<4000xi32, #tpu.memory_space<vmem>>[vector<16xi32>], vector<16xi32>,
        %gather3A_277 = tpu.vector_load_idx %arg10[%add3A_275] : memref<4000xi32, #tpu.memory_space<vmem>>[vector<16xi32>], vector<16xi32>,
        %shift_left3A_278 = arith.constant 2 : i32
        %shift_left3A_279 = vector.broadcast %shift_left3A_278 : i32 to vector<16xi32>
        %shift_left3A_280 = arith.shli %gather3A_276, %shift_left3A_279 : vector<16xi32>
        %or3A_281 = arith.ori %shift_left3A_280, %and3A_2 : vector<16xi32>
        %gather3A_282 = tpu.vector_load_idx %arg7[%or3A_281] : memref<40000xf32, #tpu.memory_space<vmem>>[vector<16xi32>], vector<16xf32>,
        %add3A_283 = arith.constant 4 : i32
        %add3A_284 = vector.broadcast %add3A_283 : i32 to vector<16xi32>
        %add3A_285 = arith.addi %iota3A, %add3A_284 : vector<16xi32>
        %and3A_286 = arith.constant 15 : i32
        %and3A_287 = vector.broadcast %and3A_286 : i32 to vector<16xi32>
        %and3A_288 = arith.andi %add3A_285, %and3A_287 : vector<16xi32>
        %broadcast_in_dim3A_289 = vector.shape_cast %and3A_288 : vector<16xi32> to vector<16x1xi32>
        %gather3A_290 = vector.shape_cast %broadcast_in_dim3A_289 : vector<16x1xi32> to vector<16xi32>
        %gather3A_291 = tpu.dynamic_gather %gather3A_277[%gather3A_290] in [0] : vector<16xi32>, vector<16xi32> -> vector<16xi32>
        %broadcast_in_dim3A_292 = vector.shape_cast %and3A_288 : vector<16xi32> to vector<16x1xi32>
        %gather3A_293 = vector.shape_cast %broadcast_in_dim3A_292 : vector<16x1xi32> to vector<16xi32>
        %gather3A_294 = tpu.dynamic_gather %gather3A_282[%gather3A_293] in [0] : vector<16xf32>, vector<16xi32> -> vector<16xf32>
        %eq3A_295 = arith.cmpi eq, %gather3A_291, %gather3A_277 : vector<16xi32>
        %select_n3A_296 = arith.select %eq3A_295, %gather3A_294, %gather3A_282 : vector<16xi1>, vector<16xf32>
        %add3A_297 = arith.constant 8 : i32
        %add3A_298 = vector.broadcast %add3A_297 : i32 to vector<16xi32>
        %add3A_299 = arith.addi %iota3A, %add3A_298 : vector<16xi32>
        %and3A_300 = arith.constant 15 : i32
        %and3A_301 = vector.broadcast %and3A_300 : i32 to vector<16xi32>
        %and3A_302 = arith.andi %add3A_299, %and3A_301 : vector<16xi32>
        %broadcast_in_dim3A_303 = vector.shape_cast %and3A_302 : vector<16xi32> to vector<16x1xi32>
        %gather3A_304 = vector.shape_cast %broadcast_in_dim3A_303 : vector<16x1xi32> to vector<16xi32>
        %gather3A_305 = tpu.dynamic_gather %gather3A_277[%gather3A_304] in [0] : vector<16xi32>, vector<16xi32> -> vector<16xi32>
        %broadcast_in_dim3A_306 = vector.shape_cast %and3A_302 : vector<16xi32> to vector<16x1xi32>
        %gather3A_307 = vector.shape_cast %broadcast_in_dim3A_306 : vector<16x1xi32> to vector<16xi32>
        %gather3A_308 = tpu.dynamic_gather %gather3A_282[%gather3A_307] in [0] : vector<16xf32>, vector<16xi32> -> vector<16xf32>
        %eq3A_309 = arith.cmpi eq, %gather3A_305, %gather3A_277 : vector<16xi32>
        %select_n3A_310 = arith.select %eq3A_309, %gather3A_308, %gather3A_282 : vector<16xi1>, vector<16xf32>
        %add3A_311 = arith.constant 12 : i32
        %add3A_312 = vector.broadcast %add3A_311 : i32 to vector<16xi32>
        %add3A_313 = arith.addi %iota3A, %add3A_312 : vector<16xi32>
        %and3A_314 = arith.constant 15 : i32
        %and3A_315 = vector.broadcast %and3A_314 : i32 to vector<16xi32>
        %and3A_316 = arith.andi %add3A_313, %and3A_315 : vector<16xi32>
        %broadcast_in_dim3A_317 = vector.shape_cast %and3A_316 : vector<16xi32> to vector<16x1xi32>
        %gather3A_318 = vector.shape_cast %broadcast_in_dim3A_317 : vector<16x1xi32> to vector<16xi32>
        %gather3A_319 = tpu.dynamic_gather %gather3A_277[%gather3A_318] in [0] : vector<16xi32>, vector<16xi32> -> vector<16xi32>
        %broadcast_in_dim3A_320 = vector.shape_cast %and3A_316 : vector<16xi32> to vector<16x1xi32>
        %gather3A_321 = vector.shape_cast %broadcast_in_dim3A_320 : vector<16x1xi32> to vector<16xi32>
        %gather3A_322 = tpu.dynamic_gather %gather3A_282[%gather3A_321] in [0] : vector<16xf32>, vector<16xi32> -> vector<16xf32>
        %eq3A_323 = arith.cmpi eq, %gather3A_319, %gather3A_277 : vector<16xi32>
        %select_n3A_324 = arith.select %eq3A_323, %gather3A_322, %gather3A_282 : vector<16xi1>, vector<16xf32>
        %max3A_325 = arith.maximumf %gather3A_282, %select_n3A_296 : vector<16xf32>
        %max3A_326 = arith.maximumf %select_n3A_310, %select_n3A_324 : vector<16xf32>
        %max3A_327 = arith.maximumf %max3A_325, %max3A_326 : vector<16xf32>
        %shift_left3A_328 = arith.constant 2 : i32
        %shift_left3A_329 = vector.broadcast %shift_left3A_328 : i32 to vector<16xi32>
        %shift_left3A_330 = arith.shli %gather3A_277, %shift_left3A_329 : vector<16xi32>
        %or3A_331 = arith.ori %shift_left3A_330, %and3A_2 : vector<16xi32>
        %gather3A_332 = tpu.vector_load_idx %arg8[%or3A_331] : memref<40000xf32, #tpu.memory_space<vmem>>[vector<16xi32>], vector<16xf32>,
        %max3A_333 = arith.maximumf %gather3A_332, %max3A_327 : vector<16xf32>
        tpu.vector_store_idx %arg8[%or3A_331], %max3A_333 : memref<40000xf32, #tpu.memory_space<vmem>>[vector<16xi32>], vector<16xf32>,
        %add3A_334 = arith.constant 16 : i32
        %add3A_335 = arith.addi %scan3A_54#1, %add3A_334 : i32
        %add3A_336 = vector.broadcast %add3A_335 : i32 to vector<16xi32>
        %add3A_337 = arith.addi %add3A_336, %shift_right_arithmetic3A_4 : vector<16xi32>
        %gather3A_338 = tpu.vector_load_idx %arg9[%add3A_337] : memref<4000xi32, #tpu.memory_space<vmem>>[vector<16xi32>], vector<16xi32>,
        %gather3A_339 = tpu.vector_load_idx %arg10[%add3A_337] : memref<4000xi32, #tpu.memory_space<vmem>>[vector<16xi32>], vector<16xi32>,
        %shift_left3A_340 = arith.constant 2 : i32
        %shift_left3A_341 = vector.broadcast %shift_left3A_340 : i32 to vector<16xi32>
        %shift_left3A_342 = arith.shli %gather3A_338, %shift_left3A_341 : vector<16xi32>
        %or3A_343 = arith.ori %shift_left3A_342, %and3A_2 : vector<16xi32>
        %gather3A_344 = tpu.vector_load_idx %arg7[%or3A_343] : memref<40000xf32, #tpu.memory_space<vmem>>[vector<16xi32>], vector<16xf32>,
        %add3A_345 = arith.constant 4 : i32
        %add3A_346 = vector.broadcast %add3A_345 : i32 to vector<16xi32>
        %add3A_347 = arith.addi %iota3A, %add3A_346 : vector<16xi32>
        %and3A_348 = arith.constant 15 : i32
        %and3A_349 = vector.broadcast %and3A_348 : i32 to vector<16xi32>
        %and3A_350 = arith.andi %add3A_347, %and3A_349 : vector<16xi32>
        %broadcast_in_dim3A_351 = vector.shape_cast %and3A_350 : vector<16xi32> to vector<16x1xi32>
        %gather3A_352 = vector.shape_cast %broadcast_in_dim3A_351 : vector<16x1xi32> to vector<16xi32>
        %gather3A_353 = tpu.dynamic_gather %gather3A_339[%gather3A_352] in [0] : vector<16xi32>, vector<16xi32> -> vector<16xi32>
        %broadcast_in_dim3A_354 = vector.shape_cast %and3A_350 : vector<16xi32> to vector<16x1xi32>
        %gather3A_355 = vector.shape_cast %broadcast_in_dim3A_354 : vector<16x1xi32> to vector<16xi32>
        %gather3A_356 = tpu.dynamic_gather %gather3A_344[%gather3A_355] in [0] : vector<16xf32>, vector<16xi32> -> vector<16xf32>
        %eq3A_357 = arith.cmpi eq, %gather3A_353, %gather3A_339 : vector<16xi32>
        %select_n3A_358 = arith.select %eq3A_357, %gather3A_356, %gather3A_344 : vector<16xi1>, vector<16xf32>
        %add3A_359 = arith.constant 8 : i32
        %add3A_360 = vector.broadcast %add3A_359 : i32 to vector<16xi32>
        %add3A_361 = arith.addi %iota3A, %add3A_360 : vector<16xi32>
        %and3A_362 = arith.constant 15 : i32
        %and3A_363 = vector.broadcast %and3A_362 : i32 to vector<16xi32>
        %and3A_364 = arith.andi %add3A_361, %and3A_363 : vector<16xi32>
        %broadcast_in_dim3A_365 = vector.shape_cast %and3A_364 : vector<16xi32> to vector<16x1xi32>
        %gather3A_366 = vector.shape_cast %broadcast_in_dim3A_365 : vector<16x1xi32> to vector<16xi32>
        %gather3A_367 = tpu.dynamic_gather %gather3A_339[%gather3A_366] in [0] : vector<16xi32>, vector<16xi32> -> vector<16xi32>
        %broadcast_in_dim3A_368 = vector.shape_cast %and3A_364 : vector<16xi32> to vector<16x1xi32>
        %gather3A_369 = vector.shape_cast %broadcast_in_dim3A_368 : vector<16x1xi32> to vector<16xi32>
        %gather3A_370 = tpu.dynamic_gather %gather3A_344[%gather3A_369] in [0] : vector<16xf32>, vector<16xi32> -> vector<16xf32>
        %eq3A_371 = arith.cmpi eq, %gather3A_367, %gather3A_339 : vector<16xi32>
        %select_n3A_372 = arith.select %eq3A_371, %gather3A_370, %gather3A_344 : vector<16xi1>, vector<16xf32>
        %add3A_373 = arith.constant 12 : i32
        %add3A_374 = vector.broadcast %add3A_373 : i32 to vector<16xi32>
        %add3A_375 = arith.addi %iota3A, %add3A_374 : vector<16xi32>
        %and3A_376 = arith.constant 15 : i32
        %and3A_377 = vector.broadcast %and3A_376 : i32 to vector<16xi32>
        %and3A_378 = arith.andi %add3A_375, %and3A_377 : vector<16xi32>
        %broadcast_in_dim3A_379 = vector.shape_cast %and3A_378 : vector<16xi32> to vector<16x1xi32>
        %gather3A_380 = vector.shape_cast %broadcast_in_dim3A_379 : vector<16x1xi32> to vector<16xi32>
        %gather3A_381 = tpu.dynamic_gather %gather3A_339[%gather3A_380] in [0] : vector<16xi32>, vector<16xi32> -> vector<16xi32>
        %broadcast_in_dim3A_382 = vector.shape_cast %and3A_378 : vector<16xi32> to vector<16x1xi32>
        %gather3A_383 = vector.shape_cast %broadcast_in_dim3A_382 : vector<16x1xi32> to vector<16xi32>
        %gather3A_384 = tpu.dynamic_gather %gather3A_344[%gather3A_383] in [0] : vector<16xf32>, vector<16xi32> -> vector<16xf32>
        %eq3A_385 = arith.cmpi eq, %gather3A_381, %gather3A_339 : vector<16xi32>
        %select_n3A_386 = arith.select %eq3A_385, %gather3A_384, %gather3A_344 : vector<16xi1>, vector<16xf32>
        %max3A_387 = arith.maximumf %gather3A_344, %select_n3A_358 : vector<16xf32>
        %max3A_388 = arith.maximumf %select_n3A_372, %select_n3A_386 : vector<16xf32>
        %max3A_389 = arith.maximumf %max3A_387, %max3A_388 : vector<16xf32>
        %shift_left3A_390 = arith.constant 2 : i32
        %shift_left3A_391 = vector.broadcast %shift_left3A_390 : i32 to vector<16xi32>
        %shift_left3A_392 = arith.shli %gather3A_339, %shift_left3A_391 : vector<16xi32>
        %or3A_393 = arith.ori %shift_left3A_392, %and3A_2 : vector<16xi32>
        %gather3A_394 = tpu.vector_load_idx %arg8[%or3A_393] : memref<40000xf32, #tpu.memory_space<vmem>>[vector<16xi32>], vector<16xf32>,
        %max3A_395 = arith.maximumf %gather3A_394, %max3A_389 : vector<16xf32>
        tpu.vector_store_idx %arg8[%or3A_393], %max3A_395 : memref<40000xf32, #tpu.memory_space<vmem>>[vector<16xi32>], vector<16xf32>,
        %add3A_396 = arith.constant 20 : i32
        %add3A_397 = arith.addi %scan3A_54#1, %add3A_396 : i32
        %add3A_398 = vector.broadcast %add3A_397 : i32 to vector<16xi32>
        %add3A_399 = arith.addi %add3A_398, %shift_right_arithmetic3A_4 : vector<16xi32>
        %gather3A_400 = tpu.vector_load_idx %arg9[%add3A_399] : memref<4000xi32, #tpu.memory_space<vmem>>[vector<16xi32>], vector<16xi32>,
        %gather3A_401 = tpu.vector_load_idx %arg10[%add3A_399] : memref<4000xi32, #tpu.memory_space<vmem>>[vector<16xi32>], vector<16xi32>,
        %shift_left3A_402 = arith.constant 2 : i32
        %shift_left3A_403 = vector.broadcast %shift_left3A_402 : i32 to vector<16xi32>
        %shift_left3A_404 = arith.shli %gather3A_400, %shift_left3A_403 : vector<16xi32>
        %or3A_405 = arith.ori %shift_left3A_404, %and3A_2 : vector<16xi32>
        %gather3A_406 = tpu.vector_load_idx %arg7[%or3A_405] : memref<40000xf32, #tpu.memory_space<vmem>>[vector<16xi32>], vector<16xf32>,
        %add3A_407 = arith.constant 4 : i32
        %add3A_408 = vector.broadcast %add3A_407 : i32 to vector<16xi32>
        %add3A_409 = arith.addi %iota3A, %add3A_408 : vector<16xi32>
        %and3A_410 = arith.constant 15 : i32
        %and3A_411 = vector.broadcast %and3A_410 : i32 to vector<16xi32>
        %and3A_412 = arith.andi %add3A_409, %and3A_411 : vector<16xi32>
        %broadcast_in_dim3A_413 = vector.shape_cast %and3A_412 : vector<16xi32> to vector<16x1xi32>
        %gather3A_414 = vector.shape_cast %broadcast_in_dim3A_413 : vector<16x1xi32> to vector<16xi32>
        %gather3A_415 = tpu.dynamic_gather %gather3A_401[%gather3A_414] in [0] : vector<16xi32>, vector<16xi32> -> vector<16xi32>
        %broadcast_in_dim3A_416 = vector.shape_cast %and3A_412 : vector<16xi32> to vector<16x1xi32>
        %gather3A_417 = vector.shape_cast %broadcast_in_dim3A_416 : vector<16x1xi32> to vector<16xi32>
        %gather3A_418 = tpu.dynamic_gather %gather3A_406[%gather3A_417] in [0] : vector<16xf32>, vector<16xi32> -> vector<16xf32>
        %eq3A_419 = arith.cmpi eq, %gather3A_415, %gather3A_401 : vector<16xi32>
        %select_n3A_420 = arith.select %eq3A_419, %gather3A_418, %gather3A_406 : vector<16xi1>, vector<16xf32>
        %add3A_421 = arith.constant 8 : i32
        %add3A_422 = vector.broadcast %add3A_421 : i32 to vector<16xi32>
        %add3A_423 = arith.addi %iota3A, %add3A_422 : vector<16xi32>
        %and3A_424 = arith.constant 15 : i32
        %and3A_425 = vector.broadcast %and3A_424 : i32 to vector<16xi32>
        %and3A_426 = arith.andi %add3A_423, %and3A_425 : vector<16xi32>
        %broadcast_in_dim3A_427 = vector.shape_cast %and3A_426 : vector<16xi32> to vector<16x1xi32>
        %gather3A_428 = vector.shape_cast %broadcast_in_dim3A_427 : vector<16x1xi32> to vector<16xi32>
        %gather3A_429 = tpu.dynamic_gather %gather3A_401[%gather3A_428] in [0] : vector<16xi32>, vector<16xi32> -> vector<16xi32>
        %broadcast_in_dim3A_430 = vector.shape_cast %and3A_426 : vector<16xi32> to vector<16x1xi32>
        %gather3A_431 = vector.shape_cast %broadcast_in_dim3A_430 : vector<16x1xi32> to vector<16xi32>
        %gather3A_432 = tpu.dynamic_gather %gather3A_406[%gather3A_431] in [0] : vector<16xf32>, vector<16xi32> -> vector<16xf32>
        %eq3A_433 = arith.cmpi eq, %gather3A_429, %gather3A_401 : vector<16xi32>
        %select_n3A_434 = arith.select %eq3A_433, %gather3A_432, %gather3A_406 : vector<16xi1>, vector<16xf32>
        %add3A_435 = arith.constant 12 : i32
        %add3A_436 = vector.broadcast %add3A_435 : i32 to vector<16xi32>
        %add3A_437 = arith.addi %iota3A, %add3A_436 : vector<16xi32>
        %and3A_438 = arith.constant 15 : i32
        %and3A_439 = vector.broadcast %and3A_438 : i32 to vector<16xi32>
        %and3A_440 = arith.andi %add3A_437, %and3A_439 : vector<16xi32>
        %broadcast_in_dim3A_441 = vector.shape_cast %and3A_440 : vector<16xi32> to vector<16x1xi32>
        %gather3A_442 = vector.shape_cast %broadcast_in_dim3A_441 : vector<16x1xi32> to vector<16xi32>
        %gather3A_443 = tpu.dynamic_gather %gather3A_401[%gather3A_442] in [0] : vector<16xi32>, vector<16xi32> -> vector<16xi32>
        %broadcast_in_dim3A_444 = vector.shape_cast %and3A_440 : vector<16xi32> to vector<16x1xi32>
        %gather3A_445 = vector.shape_cast %broadcast_in_dim3A_444 : vector<16x1xi32> to vector<16xi32>
        %gather3A_446 = tpu.dynamic_gather %gather3A_406[%gather3A_445] in [0] : vector<16xf32>, vector<16xi32> -> vector<16xf32>
        %eq3A_447 = arith.cmpi eq, %gather3A_443, %gather3A_401 : vector<16xi32>
        %select_n3A_448 = arith.select %eq3A_447, %gather3A_446, %gather3A_406 : vector<16xi1>, vector<16xf32>
        %max3A_449 = arith.maximumf %gather3A_406, %select_n3A_420 : vector<16xf32>
        %max3A_450 = arith.maximumf %select_n3A_434, %select_n3A_448 : vector<16xf32>
        %max3A_451 = arith.maximumf %max3A_449, %max3A_450 : vector<16xf32>
        %shift_left3A_452 = arith.constant 2 : i32
        %shift_left3A_453 = vector.broadcast %shift_left3A_452 : i32 to vector<16xi32>
        %shift_left3A_454 = arith.shli %gather3A_401, %shift_left3A_453 : vector<16xi32>
        %or3A_455 = arith.ori %shift_left3A_454, %and3A_2 : vector<16xi32>
        %gather3A_456 = tpu.vector_load_idx %arg8[%or3A_455] : memref<40000xf32, #tpu.memory_space<vmem>>[vector<16xi32>], vector<16xf32>,
        %max3A_457 = arith.maximumf %gather3A_456, %max3A_451 : vector<16xf32>
        tpu.vector_store_idx %arg8[%or3A_455], %max3A_457 : memref<40000xf32, #tpu.memory_space<vmem>>[vector<16xi32>], vector<16xf32>,
        %add3A_458 = arith.constant 24 : i32
        %add3A_459 = arith.addi %scan3A_54#1, %add3A_458 : i32
        %add3A_460 = vector.broadcast %add3A_459 : i32 to vector<16xi32>
        %add3A_461 = arith.addi %add3A_460, %shift_right_arithmetic3A_4 : vector<16xi32>
        %gather3A_462 = tpu.vector_load_idx %arg9[%add3A_461] : memref<4000xi32, #tpu.memory_space<vmem>>[vector<16xi32>], vector<16xi32>,
        %gather3A_463 = tpu.vector_load_idx %arg10[%add3A_461] : memref<4000xi32, #tpu.memory_space<vmem>>[vector<16xi32>], vector<16xi32>,
        %shift_left3A_464 = arith.constant 2 : i32
        %shift_left3A_465 = vector.broadcast %shift_left3A_464 : i32 to vector<16xi32>
        %shift_left3A_466 = arith.shli %gather3A_462, %shift_left3A_465 : vector<16xi32>
        %or3A_467 = arith.ori %shift_left3A_466, %and3A_2 : vector<16xi32>
        %gather3A_468 = tpu.vector_load_idx %arg7[%or3A_467] : memref<40000xf32, #tpu.memory_space<vmem>>[vector<16xi32>], vector<16xf32>,
        %add3A_469 = arith.constant 4 : i32
        %add3A_470 = vector.broadcast %add3A_469 : i32 to vector<16xi32>
        %add3A_471 = arith.addi %iota3A, %add3A_470 : vector<16xi32>
        %and3A_472 = arith.constant 15 : i32
        %and3A_473 = vector.broadcast %and3A_472 : i32 to vector<16xi32>
        %and3A_474 = arith.andi %add3A_471, %and3A_473 : vector<16xi32>
        %broadcast_in_dim3A_475 = vector.shape_cast %and3A_474 : vector<16xi32> to vector<16x1xi32>
        %gather3A_476 = vector.shape_cast %broadcast_in_dim3A_475 : vector<16x1xi32> to vector<16xi32>
        %gather3A_477 = tpu.dynamic_gather %gather3A_463[%gather3A_476] in [0] : vector<16xi32>, vector<16xi32> -> vector<16xi32>
        %broadcast_in_dim3A_478 = vector.shape_cast %and3A_474 : vector<16xi32> to vector<16x1xi32>
        %gather3A_479 = vector.shape_cast %broadcast_in_dim3A_478 : vector<16x1xi32> to vector<16xi32>
        %gather3A_480 = tpu.dynamic_gather %gather3A_468[%gather3A_479] in [0] : vector<16xf32>, vector<16xi32> -> vector<16xf32>
        %eq3A_481 = arith.cmpi eq, %gather3A_477, %gather3A_463 : vector<16xi32>
        %select_n3A_482 = arith.select %eq3A_481, %gather3A_480, %gather3A_468 : vector<16xi1>, vector<16xf32>
        %add3A_483 = arith.constant 8 : i32
        %add3A_484 = vector.broadcast %add3A_483 : i32 to vector<16xi32>
        %add3A_485 = arith.addi %iota3A, %add3A_484 : vector<16xi32>
        %and3A_486 = arith.constant 15 : i32
        %and3A_487 = vector.broadcast %and3A_486 : i32 to vector<16xi32>
        %and3A_488 = arith.andi %add3A_485, %and3A_487 : vector<16xi32>
        %broadcast_in_dim3A_489 = vector.shape_cast %and3A_488 : vector<16xi32> to vector<16x1xi32>
        %gather3A_490 = vector.shape_cast %broadcast_in_dim3A_489 : vector<16x1xi32> to vector<16xi32>
        %gather3A_491 = tpu.dynamic_gather %gather3A_463[%gather3A_490] in [0] : vector<16xi32>, vector<16xi32> -> vector<16xi32>
        %broadcast_in_dim3A_492 = vector.shape_cast %and3A_488 : vector<16xi32> to vector<16x1xi32>
        %gather3A_493 = vector.shape_cast %broadcast_in_dim3A_492 : vector<16x1xi32> to vector<16xi32>
        %gather3A_494 = tpu.dynamic_gather %gather3A_468[%gather3A_493] in [0] : vector<16xf32>, vector<16xi32> -> vector<16xf32>
        %eq3A_495 = arith.cmpi eq, %gather3A_491, %gather3A_463 : vector<16xi32>
        %select_n3A_496 = arith.select %eq3A_495, %gather3A_494, %gather3A_468 : vector<16xi1>, vector<16xf32>
        %add3A_497 = arith.constant 12 : i32
        %add3A_498 = vector.broadcast %add3A_497 : i32 to vector<16xi32>
        %add3A_499 = arith.addi %iota3A, %add3A_498 : vector<16xi32>
        %and3A_500 = arith.constant 15 : i32
        %and3A_501 = vector.broadcast %and3A_500 : i32 to vector<16xi32>
        %and3A_502 = arith.andi %add3A_499, %and3A_501 : vector<16xi32>
        %broadcast_in_dim3A_503 = vector.shape_cast %and3A_502 : vector<16xi32> to vector<16x1xi32>
        %gather3A_504 = vector.shape_cast %broadcast_in_dim3A_503 : vector<16x1xi32> to vector<16xi32>
        %gather3A_505 = tpu.dynamic_gather %gather3A_463[%gather3A_504] in [0] : vector<16xi32>, vector<16xi32> -> vector<16xi32>
        %broadcast_in_dim3A_506 = vector.shape_cast %and3A_502 : vector<16xi32> to vector<16x1xi32>
        %gather3A_507 = vector.shape_cast %broadcast_in_dim3A_506 : vector<16x1xi32> to vector<16xi32>
        %gather3A_508 = tpu.dynamic_gather %gather3A_468[%gather3A_507] in [0] : vector<16xf32>, vector<16xi32> -> vector<16xf32>
        %eq3A_509 = arith.cmpi eq, %gather3A_505, %gather3A_463 : vector<16xi32>
        %select_n3A_510 = arith.select %eq3A_509, %gather3A_508, %gather3A_468 : vector<16xi1>, vector<16xf32>
        %max3A_511 = arith.maximumf %gather3A_468, %select_n3A_482 : vector<16xf32>
        %max3A_512 = arith.maximumf %select_n3A_496, %select_n3A_510 : vector<16xf32>
        %max3A_513 = arith.maximumf %max3A_511, %max3A_512 : vector<16xf32>
        %shift_left3A_514 = arith.constant 2 : i32
        %shift_left3A_515 = vector.broadcast %shift_left3A_514 : i32 to vector<16xi32>
        %shift_left3A_516 = arith.shli %gather3A_463, %shift_left3A_515 : vector<16xi32>
        %or3A_517 = arith.ori %shift_left3A_516, %and3A_2 : vector<16xi32>
        %gather3A_518 = tpu.vector_load_idx %arg8[%or3A_517] : memref<40000xf32, #tpu.memory_space<vmem>>[vector<16xi32>], vector<16xf32>,
        %max3A_519 = arith.maximumf %gather3A_518, %max3A_513 : vector<16xf32>
        tpu.vector_store_idx %arg8[%or3A_517], %max3A_519 : memref<40000xf32, #tpu.memory_space<vmem>>[vector<16xi32>], vector<16xf32>,
        %add3A_520 = arith.constant 28 : i32
        %add3A_521 = arith.addi %scan3A_54#1, %add3A_520 : i32
        %add3A_522 = vector.broadcast %add3A_521 : i32 to vector<16xi32>
        %add3A_523 = arith.addi %add3A_522, %shift_right_arithmetic3A_4 : vector<16xi32>
        %gather3A_524 = tpu.vector_load_idx %arg9[%add3A_523] : memref<4000xi32, #tpu.memory_space<vmem>>[vector<16xi32>], vector<16xi32>,
        %gather3A_525 = tpu.vector_load_idx %arg10[%add3A_523] : memref<4000xi32, #tpu.memory_space<vmem>>[vector<16xi32>], vector<16xi32>,
        %shift_left3A_526 = arith.constant 2 : i32
        %shift_left3A_527 = vector.broadcast %shift_left3A_526 : i32 to vector<16xi32>
        %shift_left3A_528 = arith.shli %gather3A_524, %shift_left3A_527 : vector<16xi32>
        %or3A_529 = arith.ori %shift_left3A_528, %and3A_2 : vector<16xi32>
        %gather3A_530 = tpu.vector_load_idx %arg7[%or3A_529] : memref<40000xf32, #tpu.memory_space<vmem>>[vector<16xi32>], vector<16xf32>,
        %add3A_531 = arith.constant 4 : i32
        %add3A_532 = vector.broadcast %add3A_531 : i32 to vector<16xi32>
        %add3A_533 = arith.addi %iota3A, %add3A_532 : vector<16xi32>
        %and3A_534 = arith.constant 15 : i32
        %and3A_535 = vector.broadcast %and3A_534 : i32 to vector<16xi32>
        %and3A_536 = arith.andi %add3A_533, %and3A_535 : vector<16xi32>
        %broadcast_in_dim3A_537 = vector.shape_cast %and3A_536 : vector<16xi32> to vector<16x1xi32>
        %gather3A_538 = vector.shape_cast %broadcast_in_dim3A_537 : vector<16x1xi32> to vector<16xi32>
        %gather3A_539 = tpu.dynamic_gather %gather3A_525[%gather3A_538] in [0] : vector<16xi32>, vector<16xi32> -> vector<16xi32>
        %broadcast_in_dim3A_540 = vector.shape_cast %and3A_536 : vector<16xi32> to vector<16x1xi32>
        %gather3A_541 = vector.shape_cast %broadcast_in_dim3A_540 : vector<16x1xi32> to vector<16xi32>
        %gather3A_542 = tpu.dynamic_gather %gather3A_530[%gather3A_541] in [0] : vector<16xf32>, vector<16xi32> -> vector<16xf32>
        %eq3A_543 = arith.cmpi eq, %gather3A_539, %gather3A_525 : vector<16xi32>
        %select_n3A_544 = arith.select %eq3A_543, %gather3A_542, %gather3A_530 : vector<16xi1>, vector<16xf32>
        %add3A_545 = arith.constant 8 : i32
        %add3A_546 = vector.broadcast %add3A_545 : i32 to vector<16xi32>
        %add3A_547 = arith.addi %iota3A, %add3A_546 : vector<16xi32>
        %and3A_548 = arith.constant 15 : i32
        %and3A_549 = vector.broadcast %and3A_548 : i32 to vector<16xi32>
        %and3A_550 = arith.andi %add3A_547, %and3A_549 : vector<16xi32>
        %broadcast_in_dim3A_551 = vector.shape_cast %and3A_550 : vector<16xi32> to vector<16x1xi32>
        %gather3A_552 = vector.shape_cast %broadcast_in_dim3A_551 : vector<16x1xi32> to vector<16xi32>
        %gather3A_553 = tpu.dynamic_gather %gather3A_525[%gather3A_552] in [0] : vector<16xi32>, vector<16xi32> -> vector<16xi32>
        %broadcast_in_dim3A_554 = vector.shape_cast %and3A_550 : vector<16xi32> to vector<16x1xi32>
        %gather3A_555 = vector.shape_cast %broadcast_in_dim3A_554 : vector<16x1xi32> to vector<16xi32>
        %gather3A_556 = tpu.dynamic_gather %gather3A_530[%gather3A_555] in [0] : vector<16xf32>, vector<16xi32> -> vector<16xf32>
        %eq3A_557 = arith.cmpi eq, %gather3A_553, %gather3A_525 : vector<16xi32>
        %select_n3A_558 = arith.select %eq3A_557, %gather3A_556, %gather3A_530 : vector<16xi1>, vector<16xf32>
        %add3A_559 = arith.constant 12 : i32
        %add3A_560 = vector.broadcast %add3A_559 : i32 to vector<16xi32>
        %add3A_561 = arith.addi %iota3A, %add3A_560 : vector<16xi32>
        %and3A_562 = arith.constant 15 : i32
        %and3A_563 = vector.broadcast %and3A_562 : i32 to vector<16xi32>
        %and3A_564 = arith.andi %add3A_561, %and3A_563 : vector<16xi32>
        %broadcast_in_dim3A_565 = vector.shape_cast %and3A_564 : vector<16xi32> to vector<16x1xi32>
        %gather3A_566 = vector.shape_cast %broadcast_in_dim3A_565 : vector<16x1xi32> to vector<16xi32>
        %gather3A_567 = tpu.dynamic_gather %gather3A_525[%gather3A_566] in [0] : vector<16xi32>, vector<16xi32> -> vector<16xi32>
        %broadcast_in_dim3A_568 = vector.shape_cast %and3A_564 : vector<16xi32> to vector<16x1xi32>
        %gather3A_569 = vector.shape_cast %broadcast_in_dim3A_568 : vector<16x1xi32> to vector<16xi32>
        %gather3A_570 = tpu.dynamic_gather %gather3A_530[%gather3A_569] in [0] : vector<16xf32>, vector<16xi32> -> vector<16xf32>
        %eq3A_571 = arith.cmpi eq, %gather3A_567, %gather3A_525 : vector<16xi32>
        %select_n3A_572 = arith.select %eq3A_571, %gather3A_570, %gather3A_530 : vector<16xi1>, vector<16xf32>
        %max3A_573 = arith.maximumf %gather3A_530, %select_n3A_544 : vector<16xf32>
        %max3A_574 = arith.maximumf %select_n3A_558, %select_n3A_572 : vector<16xf32>
        %max3A_575 = arith.maximumf %max3A_573, %max3A_574 : vector<16xf32>
        %shift_left3A_576 = arith.constant 2 : i32
        %shift_left3A_577 = vector.broadcast %shift_left3A_576 : i32 to vector<16xi32>
        %shift_left3A_578 = arith.shli %gather3A_525, %shift_left3A_577 : vector<16xi32>
        %or3A_579 = arith.ori %shift_left3A_578, %and3A_2 : vector<16xi32>
        %gather3A_580 = tpu.vector_load_idx %arg8[%or3A_579] : memref<40000xf32, #tpu.memory_space<vmem>>[vector<16xi32>], vector<16xf32>,
        %max3A_581 = arith.maximumf %gather3A_580, %max3A_575 : vector<16xf32>
        tpu.vector_store_idx %arg8[%or3A_579], %max3A_581 : memref<40000xf32, #tpu.memory_space<vmem>>[vector<16xi32>], vector<16xf32>,
      } else {
      }
      %add3A_61 = arith.constant 2 : i32
      %add3A_62 = arith.addi %mul3A_31, %add3A_61 : i32
      %lt3A = arith.constant 80 : i32
      %lt3A_63 = arith.cmpi slt, %add3A_62, %lt3A : i32
      %convert_element_type3A_64 = arith.extui %lt3A_63 : i1 to i32
      %cond3A_65 = arith.constant 0 : i32
      %cond3A_66 = arith.cmpi ne, %convert_element_type3A_64, %cond3A_65 : i32
      scf.if %cond3A_66 {
        %add3A_92 = arith.constant 2 : i32
        %add3A_93 = arith.addi %mul3A_31, %add3A_92 : i32
        %mul3A_94 = arith.constant 4000 : i32
        %mul3A_95 = arith.muli %add3A_93, %mul3A_94 : i32
        %dma_start3A_96 = tpu.memref_slice %arg3[%mul3A_95] : memref<320000xi32, #tpu.memory_space<hbm>> -> memref<4000xi32, #tpu.memory_space<hbm>>
        %dma_start3A_97 = tpu.memref_slice %arg3[%mul3A_95] : memref<320000xi32, #tpu.memory_space<hbm>> -> memref<4000xi32, #tpu.memory_space<hbm>>
        tpu.enqueue_dma source(%dma_start3A_97 : memref<4000xi32, #tpu.memory_space<hbm>>) target(%arg9 : memref<4000xi32, #tpu.memory_space<vmem>>) target_semaphore(%arg13 : memref<!tpu.dma_semaphore, #tpu.memory_space<semaphore_mem>>)
        %mul3A_98 = arith.constant 4000 : i32
        %mul3A_99 = arith.muli %add3A_93, %mul3A_98 : i32
        %dma_start3A_100 = tpu.memref_slice %arg4[%mul3A_99] : memref<320000xi32, #tpu.memory_space<hbm>> -> memref<4000xi32, #tpu.memory_space<hbm>>
        %dma_start3A_101 = tpu.memref_slice %arg4[%mul3A_99] : memref<320000xi32, #tpu.memory_space<hbm>> -> memref<4000xi32, #tpu.memory_space<hbm>>
        tpu.enqueue_dma source(%dma_start3A_101 : memref<4000xi32, #tpu.memory_space<hbm>>) target(%arg10 : memref<4000xi32, #tpu.memory_space<vmem>>) target_semaphore(%arg13 : memref<!tpu.dma_semaphore, #tpu.memory_space<semaphore_mem>>)
      } else {
      }
      %dma_wait3A_67 = arith.constant 0 : i32
      %dma_wait3A_68 = tpu.memref_slice %arg3[%dma_wait3A_67] : memref<320000xi32, #tpu.memory_space<hbm>> -> memref<4000xi32, #tpu.memory_space<hbm>>
      %dma_wait3A_69 = arith.constant 0 : i32
      %dma_wait3A_70 = tpu.memref_slice %arg3[%dma_wait3A_69] : memref<320000xi32, #tpu.memory_space<hbm>> -> memref<4000xi32, #tpu.memory_space<hbm>>
      tpu.wait_dma2 semaphore(%arg14 : memref<!tpu.dma_semaphore, #tpu.memory_space<semaphore_mem>>) src(%dma_wait3A_70 : memref<4000xi32, #tpu.memory_space<hbm>>) dst(%arg11 : memref<4000xi32, #tpu.memory_space<vmem>>)
      %dma_wait3A_71 = arith.constant 0 : i32
      %dma_wait3A_72 = tpu.memref_slice %arg4[%dma_wait3A_71] : memref<320000xi32, #tpu.memory_space<hbm>> -> memref<4000xi32, #tpu.memory_space<hbm>>
      %dma_wait3A_73 = arith.constant 0 : i32
      %dma_wait3A_74 = tpu.memref_slice %arg4[%dma_wait3A_73] : memref<320000xi32, #tpu.memory_space<hbm>> -> memref<4000xi32, #tpu.memory_space<hbm>>
      tpu.wait_dma2 semaphore(%arg14 : memref<!tpu.dma_semaphore, #tpu.memory_space<semaphore_mem>>) src(%dma_wait3A_74 : memref<4000xi32, #tpu.memory_space<hbm>>) dst(%arg12 : memref<4000xi32, #tpu.memory_space<vmem>>)
      %scan3A_75 = arith.constant 0 : i32
      %scan3A_76 = arith.constant 0 : i32
      %scan3A_77 = arith.constant 125 : i32
      %scan3A_78 = arith.addi %scan3A_76, %scan3A_77 : i32
      %scan3A_79 = arith.constant 1 : i32
      %scan3A_80:2 = scf.for %scan3A_92 = %scan3A_76 to %scan3A_78 step %scan3A_79 iter_args(%scan3A_93 = %broadcast_in_dim3A_14, %scan3A_94 = %scan3A_75) -> (vector<16xf32>, i32)  : i32 {
        %mul3A_95 = arith.constant 32 : i32
        %mul3A_96 = arith.muli %scan3A_92, %mul3A_95 : i32
        %reduce_max3A_97 = arith.constant true
        %reduce_max3A_98 = vector.broadcast %reduce_max3A_97 : i1 to vector<16xi1>
        %reduce_max3A_99 = tpu.scan <max>, %scan3A_93 masked %reduce_max3A_98 : vector<16xf32>, vector<16xi1> -> vector<16xf32>
        %reduce_max3A_100 = vector.extract %reduce_max3A_99[15] : f32 from vector<16xf32>
        %gt3A_101 = arith.constant 0.000000e+00 : f32
        %gt3A_102 = arith.cmpf ogt, %reduce_max3A_100, %gt3A_101 : f32
        %get3A = arith.index_cast %mul3A_96 : i32 to index
        %get3A_103 = tpu.vector_load %arg11[%get3A] {strides = array<i32>} : memref<4000xi32, #tpu.memory_space<vmem>>, vector<16xi32>,
        %shift_left3A = arith.constant 2 : i32
        %shift_left3A_104 = vector.broadcast %shift_left3A : i32 to vector<16xi32>
        %shift_left3A_105 = arith.shli %get3A_103, %shift_left3A_104 : vector<16xi32>
        %add3A_106 = arith.constant 16 : i32
        %add3A_107 = arith.addi %mul3A_96, %add3A_106 : i32
        %get3A_108 = arith.index_cast %add3A_107 : i32 to index
        %get3A_109 = tpu.vector_load %arg11[%get3A_108] {strides = array<i32>} : memref<4000xi32, #tpu.memory_space<vmem>>, vector<16xi32>,
        %shift_left3A_110 = arith.constant 2 : i32
        %shift_left3A_111 = vector.broadcast %shift_left3A_110 : i32 to vector<16xi32>
        %shift_left3A_112 = arith.shli %get3A_109, %shift_left3A_111 : vector<16xi32>
        %get3A_113 = arith.index_cast %mul3A_96 : i32 to index
        %get3A_114 = tpu.vector_load %arg12[%get3A_113] {strides = array<i32>} : memref<4000xi32, #tpu.memory_space<vmem>>, vector<16xi32>,
        %shift_left3A_115 = arith.constant 2 : i32
        %shift_left3A_116 = vector.broadcast %shift_left3A_115 : i32 to vector<16xi32>
        %shift_left3A_117 = arith.shli %get3A_114, %shift_left3A_116 : vector<16xi32>
        %add3A_118 = arith.constant 16 : i32
        %add3A_119 = arith.addi %mul3A_96, %add3A_118 : i32
        %get3A_120 = arith.index_cast %add3A_119 : i32 to index
        %get3A_121 = tpu.vector_load %arg12[%get3A_120] {strides = array<i32>} : memref<4000xi32, #tpu.memory_space<vmem>>, vector<16xi32>,
        %shift_left3A_122 = arith.constant 2 : i32
        %shift_left3A_123 = vector.broadcast %shift_left3A_122 : i32 to vector<16xi32>
        %shift_left3A_124 = arith.shli %get3A_121, %shift_left3A_123 : vector<16xi32>
        %broadcast_in_dim3A_125 = vector.shape_cast %shift_right_arithmetic3A_4 : vector<16xi32> to vector<16x1xi32>
        %gather3A = vector.shape_cast %broadcast_in_dim3A_125 : vector<16x1xi32> to vector<16xi32>
        %gather3A_126 = tpu.dynamic_gather %shift_left3A_105[%gather3A] in [0] : vector<16xi32>, vector<16xi32> -> vector<16xi32>
        %broadcast_in_dim3A_127 = vector.shape_cast %shift_right_arithmetic3A_4 : vector<16xi32> to vector<16x1xi32>
        %gather3A_128 = vector.shape_cast %broadcast_in_dim3A_127 : vector<16x1xi32> to vector<16xi32>
        %gather3A_129 = tpu.dynamic_gather %shift_left3A_117[%gather3A_128] in [0] : vector<16xi32>, vector<16xi32> -> vector<16xi32>
        %or3A = arith.ori %gather3A_126, %and3A_2 : vector<16xi32>
        %gather3A_130 = tpu.vector_load_idx %arg7[%or3A] : memref<40000xf32, #tpu.memory_space<vmem>>[vector<16xi32>], vector<16xf32>,
        %or3A_131 = arith.ori %gather3A_129, %and3A_2 : vector<16xi32>
        %gather3A_132 = tpu.vector_load_idx %arg8[%or3A_131] : memref<40000xf32, #tpu.memory_space<vmem>>[vector<16xi32>], vector<16xf32>,
        %max3A = arith.maximumf %gather3A_132, %gather3A_130 : vector<16xf32>
        %broadcast_in_dim3A_133 = vector.shape_cast %add3A_7 : vector<16xi32> to vector<16x1xi32>
        %gather3A_134 = vector.shape_cast %broadcast_in_dim3A_133 : vector<16x1xi32> to vector<16xi32>
        %gather3A_135 = tpu.dynamic_gather %shift_left3A_105[%gather3A_134] in [0] : vector<16xi32>, vector<16xi32> -> vector<16xi32>
        %broadcast_in_dim3A_136 = vector.shape_cast %add3A_7 : vector<16xi32> to vector<16x1xi32>
        %gather3A_137 = vector.shape_cast %broadcast_in_dim3A_136 : vector<16x1xi32> to vector<16xi32>
        %gather3A_138 = tpu.dynamic_gather %shift_left3A_117[%gather3A_137] in [0] : vector<16xi32>, vector<16xi32> -> vector<16xi32>
        %or3A_139 = arith.ori %gather3A_135, %and3A_2 : vector<16xi32>
        %gather3A_140 = tpu.vector_load_idx %arg7[%or3A_139] : memref<40000xf32, #tpu.memory_space<vmem>>[vector<16xi32>], vector<16xf32>,
        %or3A_141 = arith.ori %gather3A_138, %and3A_2 : vector<16xi32>
        %gather3A_142 = tpu.vector_load_idx %arg8[%or3A_141] : memref<40000xf32, #tpu.memory_space<vmem>>[vector<16xi32>], vector<16xf32>,
        %max3A_143 = arith.maximumf %gather3A_142, %gather3A_140 : vector<16xf32>
        %broadcast_in_dim3A_144 = vector.shape_cast %add3A_10 : vector<16xi32> to vector<16x1xi32>
        %gather3A_145 = vector.shape_cast %broadcast_in_dim3A_144 : vector<16x1xi32> to vector<16xi32>
        %gather3A_146 = tpu.dynamic_gather %shift_left3A_105[%gather3A_145] in [0] : vector<16xi32>, vector<16xi32> -> vector<16xi32>
        %broadcast_in_dim3A_147 = vector.shape_cast %add3A_10 : vector<16xi32> to vector<16x1xi32>
        %gather3A_148 = vector.shape_cast %broadcast_in_dim3A_147 : vector<16x1xi32> to vector<16xi32>
        %gather3A_149 = tpu.dynamic_gather %shift_left3A_117[%gather3A_148] in [0] : vector<16xi32>, vector<16xi32> -> vector<16xi32>
        %or3A_150 = arith.ori %gather3A_146, %and3A_2 : vector<16xi32>
        %gather3A_151 = tpu.vector_load_idx %arg7[%or3A_150] : memref<40000xf32, #tpu.memory_space<vmem>>[vector<16xi32>], vector<16xf32>,
        %or3A_152 = arith.ori %gather3A_149, %and3A_2 : vector<16xi32>
        %gather3A_153 = tpu.vector_load_idx %arg8[%or3A_152] : memref<40000xf32, #tpu.memory_space<vmem>>[vector<16xi32>], vector<16xf32>,
        %max3A_154 = arith.maximumf %gather3A_153, %gather3A_151 : vector<16xf32>
        %broadcast_in_dim3A_155 = vector.shape_cast %add3A_13 : vector<16xi32> to vector<16x1xi32>
        %gather3A_156 = vector.shape_cast %broadcast_in_dim3A_155 : vector<16x1xi32> to vector<16xi32>
        %gather3A_157 = tpu.dynamic_gather %shift_left3A_105[%gather3A_156] in [0] : vector<16xi32>, vector<16xi32> -> vector<16xi32>
        %broadcast_in_dim3A_158 = vector.shape_cast %add3A_13 : vector<16xi32> to vector<16x1xi32>
        %gather3A_159 = vector.shape_cast %broadcast_in_dim3A_158 : vector<16x1xi32> to vector<16xi32>
        %gather3A_160 = tpu.dynamic_gather %shift_left3A_117[%gather3A_159] in [0] : vector<16xi32>, vector<16xi32> -> vector<16xi32>
        %or3A_161 = arith.ori %gather3A_157, %and3A_2 : vector<16xi32>
        %gather3A_162 = tpu.vector_load_idx %arg7[%or3A_161] : memref<40000xf32, #tpu.memory_space<vmem>>[vector<16xi32>], vector<16xf32>,
        %or3A_163 = arith.ori %gather3A_160, %and3A_2 : vector<16xi32>
        %gather3A_164 = tpu.vector_load_idx %arg8[%or3A_163] : memref<40000xf32, #tpu.memory_space<vmem>>[vector<16xi32>], vector<16xf32>,
        %max3A_165 = arith.maximumf %gather3A_164, %gather3A_162 : vector<16xf32>
        %broadcast_in_dim3A_166 = vector.shape_cast %shift_right_arithmetic3A_4 : vector<16xi32> to vector<16x1xi32>
        %gather3A_167 = vector.shape_cast %broadcast_in_dim3A_166 : vector<16x1xi32> to vector<16xi32>
        %gather3A_168 = tpu.dynamic_gather %shift_left3A_112[%gather3A_167] in [0] : vector<16xi32>, vector<16xi32> -> vector<16xi32>
        %broadcast_in_dim3A_169 = vector.shape_cast %shift_right_arithmetic3A_4 : vector<16xi32> to vector<16x1xi32>
        %gather3A_170 = vector.shape_cast %broadcast_in_dim3A_169 : vector<16x1xi32> to vector<16xi32>
        %gather3A_171 = tpu.dynamic_gather %shift_left3A_124[%gather3A_170] in [0] : vector<16xi32>, vector<16xi32> -> vector<16xi32>
        %or3A_172 = arith.ori %gather3A_168, %and3A_2 : vector<16xi32>
        %gather3A_173 = tpu.vector_load_idx %arg7[%or3A_172] : memref<40000xf32, #tpu.memory_space<vmem>>[vector<16xi32>], vector<16xf32>,
        %or3A_174 = arith.ori %gather3A_171, %and3A_2 : vector<16xi32>
        %gather3A_175 = tpu.vector_load_idx %arg8[%or3A_174] : memref<40000xf32, #tpu.memory_space<vmem>>[vector<16xi32>], vector<16xf32>,
        %max3A_176 = arith.maximumf %gather3A_175, %gather3A_173 : vector<16xf32>
        %broadcast_in_dim3A_177 = vector.shape_cast %add3A_7 : vector<16xi32> to vector<16x1xi32>
        %gather3A_178 = vector.shape_cast %broadcast_in_dim3A_177 : vector<16x1xi32> to vector<16xi32>
        %gather3A_179 = tpu.dynamic_gather %shift_left3A_112[%gather3A_178] in [0] : vector<16xi32>, vector<16xi32> -> vector<16xi32>
        %broadcast_in_dim3A_180 = vector.shape_cast %add3A_7 : vector<16xi32> to vector<16x1xi32>
        %gather3A_181 = vector.shape_cast %broadcast_in_dim3A_180 : vector<16x1xi32> to vector<16xi32>
        %gather3A_182 = tpu.dynamic_gather %shift_left3A_124[%gather3A_181] in [0] : vector<16xi32>, vector<16xi32> -> vector<16xi32>
        %or3A_183 = arith.ori %gather3A_179, %and3A_2 : vector<16xi32>
        %gather3A_184 = tpu.vector_load_idx %arg7[%or3A_183] : memref<40000xf32, #tpu.memory_space<vmem>>[vector<16xi32>], vector<16xf32>,
        %or3A_185 = arith.ori %gather3A_182, %and3A_2 : vector<16xi32>
        %gather3A_186 = tpu.vector_load_idx %arg8[%or3A_185] : memref<40000xf32, #tpu.memory_space<vmem>>[vector<16xi32>], vector<16xf32>,
        %max3A_187 = arith.maximumf %gather3A_186, %gather3A_184 : vector<16xf32>
        %broadcast_in_dim3A_188 = vector.shape_cast %add3A_10 : vector<16xi32> to vector<16x1xi32>
        %gather3A_189 = vector.shape_cast %broadcast_in_dim3A_188 : vector<16x1xi32> to vector<16xi32>
        %gather3A_190 = tpu.dynamic_gather %shift_left3A_112[%gather3A_189] in [0] : vector<16xi32>, vector<16xi32> -> vector<16xi32>
        %broadcast_in_dim3A_191 = vector.shape_cast %add3A_10 : vector<16xi32> to vector<16x1xi32>
        %gather3A_192 = vector.shape_cast %broadcast_in_dim3A_191 : vector<16x1xi32> to vector<16xi32>
        %gather3A_193 = tpu.dynamic_gather %shift_left3A_124[%gather3A_192] in [0] : vector<16xi32>, vector<16xi32> -> vector<16xi32>
        %or3A_194 = arith.ori %gather3A_190, %and3A_2 : vector<16xi32>
        %gather3A_195 = tpu.vector_load_idx %arg7[%or3A_194] : memref<40000xf32, #tpu.memory_space<vmem>>[vector<16xi32>], vector<16xf32>,
        %or3A_196 = arith.ori %gather3A_193, %and3A_2 : vector<16xi32>
        %gather3A_197 = tpu.vector_load_idx %arg8[%or3A_196] : memref<40000xf32, #tpu.memory_space<vmem>>[vector<16xi32>], vector<16xf32>,
        %max3A_198 = arith.maximumf %gather3A_197, %gather3A_195 : vector<16xf32>
        %broadcast_in_dim3A_199 = vector.shape_cast %add3A_13 : vector<16xi32> to vector<16x1xi32>
        %gather3A_200 = vector.shape_cast %broadcast_in_dim3A_199 : vector<16x1xi32> to vector<16xi32>
        %gather3A_201 = tpu.dynamic_gather %shift_left3A_112[%gather3A_200] in [0] : vector<16xi32>, vector<16xi32> -> vector<16xi32>
        %broadcast_in_dim3A_202 = vector.shape_cast %add3A_13 : vector<16xi32> to vector<16x1xi32>
        %gather3A_203 = vector.shape_cast %broadcast_in_dim3A_202 : vector<16x1xi32> to vector<16xi32>
        %gather3A_204 = tpu.dynamic_gather %shift_left3A_124[%gather3A_203] in [0] : vector<16xi32>, vector<16xi32> -> vector<16xi32>
        %or3A_205 = arith.ori %gather3A_201, %and3A_2 : vector<16xi32>
        %gather3A_206 = tpu.vector_load_idx %arg7[%or3A_205] : memref<40000xf32, #tpu.memory_space<vmem>>[vector<16xi32>], vector<16xf32>,
        %or3A_207 = arith.ori %gather3A_204, %and3A_2 : vector<16xi32>
        %gather3A_208 = tpu.vector_load_idx %arg8[%or3A_207] : memref<40000xf32, #tpu.memory_space<vmem>>[vector<16xi32>], vector<16xf32>,
        %max3A_209 = arith.maximumf %gather3A_208, %gather3A_206 : vector<16xf32>
        tpu.vector_store_idx %arg8[%or3A_131], %max3A : memref<40000xf32, #tpu.memory_space<vmem>>[vector<16xi32>], vector<16xf32>,
        tpu.vector_store_idx %arg8[%or3A_141], %max3A_143 : memref<40000xf32, #tpu.memory_space<vmem>>[vector<16xi32>], vector<16xf32>,
        tpu.vector_store_idx %arg8[%or3A_152], %max3A_154 : memref<40000xf32, #tpu.memory_space<vmem>>[vector<16xi32>], vector<16xf32>,
        tpu.vector_store_idx %arg8[%or3A_163], %max3A_165 : memref<40000xf32, #tpu.memory_space<vmem>>[vector<16xi32>], vector<16xf32>,
        tpu.vector_store_idx %arg8[%or3A_174], %max3A_176 : memref<40000xf32, #tpu.memory_space<vmem>>[vector<16xi32>], vector<16xf32>,
        tpu.vector_store_idx %arg8[%or3A_185], %max3A_187 : memref<40000xf32, #tpu.memory_space<vmem>>[vector<16xi32>], vector<16xf32>,
        tpu.vector_store_idx %arg8[%or3A_196], %max3A_198 : memref<40000xf32, #tpu.memory_space<vmem>>[vector<16xi32>], vector<16xf32>,
        tpu.vector_store_idx %arg8[%or3A_207], %max3A_209 : memref<40000xf32, #tpu.memory_space<vmem>>[vector<16xi32>], vector<16xf32>,
        %gather3A_210 = tpu.vector_load_idx %arg8[%or3A_131] : memref<40000xf32, #tpu.memory_space<vmem>>[vector<16xi32>], vector<16xf32>,
        %lt3A_211 = arith.cmpf olt, %gather3A_210, %gather3A_130 : vector<16xf32>
        %gather3A_212 = tpu.vector_load_idx %arg8[%or3A_141] : memref<40000xf32, #tpu.memory_space<vmem>>[vector<16xi32>], vector<16xf32>,
        %lt3A_213 = arith.cmpf olt, %gather3A_212, %gather3A_140 : vector<16xf32>
        %or3A_214 = arith.ori %lt3A_211, %lt3A_213 : vector<16xi1>
        %gather3A_215 = tpu.vector_load_idx %arg8[%or3A_152] : memref<40000xf32, #tpu.memory_space<vmem>>[vector<16xi32>], vector<16xf32>,
        %lt3A_216 = arith.cmpf olt, %gather3A_215, %gather3A_151 : vector<16xf32>
        %or3A_217 = arith.ori %or3A_214, %lt3A_216 : vector<16xi1>
        %gather3A_218 = tpu.vector_load_idx %arg8[%or3A_163] : memref<40000xf32, #tpu.memory_space<vmem>>[vector<16xi32>], vector<16xf32>,
        %lt3A_219 = arith.cmpf olt, %gather3A_218, %gather3A_162 : vector<16xf32>
        %or3A_220 = arith.ori %or3A_217, %lt3A_219 : vector<16xi1>
        %gather3A_221 = tpu.vector_load_idx %arg8[%or3A_174] : memref<40000xf32, #tpu.memory_space<vmem>>[vector<16xi32>], vector<16xf32>,
        %lt3A_222 = arith.cmpf olt, %gather3A_221, %gather3A_173 : vector<16xf32>
        %or3A_223 = arith.ori %or3A_220, %lt3A_222 : vector<16xi1>
        %gather3A_224 = tpu.vector_load_idx %arg8[%or3A_185] : memref<40000xf32, #tpu.memory_space<vmem>>[vector<16xi32>], vector<16xf32>,
        %lt3A_225 = arith.cmpf olt, %gather3A_224, %gather3A_184 : vector<16xf32>
        %or3A_226 = arith.ori %or3A_223, %lt3A_225 : vector<16xi1>
        %gather3A_227 = tpu.vector_load_idx %arg8[%or3A_196] : memref<40000xf32, #tpu.memory_space<vmem>>[vector<16xi32>], vector<16xf32>,
        %lt3A_228 = arith.cmpf olt, %gather3A_227, %gather3A_195 : vector<16xf32>
        %or3A_229 = arith.ori %or3A_226, %lt3A_228 : vector<16xi1>
        %gather3A_230 = tpu.vector_load_idx %arg8[%or3A_207] : memref<40000xf32, #tpu.memory_space<vmem>>[vector<16xi32>], vector<16xf32>,
        %lt3A_231 = arith.cmpf olt, %gather3A_230, %gather3A_206 : vector<16xf32>
        %or3A_232 = arith.ori %or3A_229, %lt3A_231 : vector<16xi1>
        %jit3A = arith.constant 1.000000e+00 : f32
        %jit3A_233 = arith.constant 0.000000e+00 : f32
        %broadcast_in_dim3A_234 = vector.broadcast %jit3A : f32 to vector<16xf32>
        %broadcast_in_dim3A_235 = vector.broadcast %jit3A_233 : f32 to vector<16xf32>
        %select_n3A = arith.select %or3A_232, %broadcast_in_dim3A_234, %broadcast_in_dim3A_235 : vector<16xi1>, vector<16xf32>
        %convert_element_type3A_236 = arith.extui %gt3A_102 : i1 to i32
        %cond3A_237 = arith.constant 0 : i32
        %cond3A_238 = arith.cmpi ne, %convert_element_type3A_236, %cond3A_237 : i32
        scf.if %cond3A_238 {
          %add3A_239 = arith.constant 0 : i32
          %add3A_240 = arith.addi %scan3A_94, %add3A_239 : i32
          %add3A_241 = vector.broadcast %add3A_240 : i32 to vector<16xi32>
          %add3A_242 = arith.addi %add3A_241, %shift_right_arithmetic3A_4 : vector<16xi32>
          %gather3A_243 = tpu.vector_load_idx %arg11[%add3A_242] : memref<4000xi32, #tpu.memory_space<vmem>>[vector<16xi32>], vector<16xi32>,
          %gather3A_244 = tpu.vector_load_idx %arg12[%add3A_242] : memref<4000xi32, #tpu.memory_space<vmem>>[vector<16xi32>], vector<16xi32>,
          %shift_left3A_245 = arith.constant 2 : i32
          %shift_left3A_246 = vector.broadcast %shift_left3A_245 : i32 to vector<16xi32>
          %shift_left3A_247 = arith.shli %gather3A_243, %shift_left3A_246 : vector<16xi32>
          %or3A_248 = arith.ori %shift_left3A_247, %and3A_2 : vector<16xi32>
          %gather3A_249 = tpu.vector_load_idx %arg7[%or3A_248] : memref<40000xf32, #tpu.memory_space<vmem>>[vector<16xi32>], vector<16xf32>,
          %add3A_250 = arith.constant 4 : i32
          %add3A_251 = vector.broadcast %add3A_250 : i32 to vector<16xi32>
          %add3A_252 = arith.addi %iota3A, %add3A_251 : vector<16xi32>
          %and3A_253 = arith.constant 15 : i32
          %and3A_254 = vector.broadcast %and3A_253 : i32 to vector<16xi32>
          %and3A_255 = arith.andi %add3A_252, %and3A_254 : vector<16xi32>
          %broadcast_in_dim3A_256 = vector.shape_cast %and3A_255 : vector<16xi32> to vector<16x1xi32>
          %gather3A_257 = vector.shape_cast %broadcast_in_dim3A_256 : vector<16x1xi32> to vector<16xi32>
          %gather3A_258 = tpu.dynamic_gather %gather3A_244[%gather3A_257] in [0] : vector<16xi32>, vector<16xi32> -> vector<16xi32>
          %broadcast_in_dim3A_259 = vector.shape_cast %and3A_255 : vector<16xi32> to vector<16x1xi32>
          %gather3A_260 = vector.shape_cast %broadcast_in_dim3A_259 : vector<16x1xi32> to vector<16xi32>
          %gather3A_261 = tpu.dynamic_gather %gather3A_249[%gather3A_260] in [0] : vector<16xf32>, vector<16xi32> -> vector<16xf32>
          %eq3A = arith.cmpi eq, %gather3A_258, %gather3A_244 : vector<16xi32>
          %select_n3A_262 = arith.select %eq3A, %gather3A_261, %gather3A_249 : vector<16xi1>, vector<16xf32>
          %add3A_263 = arith.constant 8 : i32
          %add3A_264 = vector.broadcast %add3A_263 : i32 to vector<16xi32>
          %add3A_265 = arith.addi %iota3A, %add3A_264 : vector<16xi32>
          %and3A_266 = arith.constant 15 : i32
          %and3A_267 = vector.broadcast %and3A_266 : i32 to vector<16xi32>
          %and3A_268 = arith.andi %add3A_265, %and3A_267 : vector<16xi32>
          %broadcast_in_dim3A_269 = vector.shape_cast %and3A_268 : vector<16xi32> to vector<16x1xi32>
          %gather3A_270 = vector.shape_cast %broadcast_in_dim3A_269 : vector<16x1xi32> to vector<16xi32>
          %gather3A_271 = tpu.dynamic_gather %gather3A_244[%gather3A_270] in [0] : vector<16xi32>, vector<16xi32> -> vector<16xi32>
          %broadcast_in_dim3A_272 = vector.shape_cast %and3A_268 : vector<16xi32> to vector<16x1xi32>
          %gather3A_273 = vector.shape_cast %broadcast_in_dim3A_272 : vector<16x1xi32> to vector<16xi32>
          %gather3A_274 = tpu.dynamic_gather %gather3A_249[%gather3A_273] in [0] : vector<16xf32>, vector<16xi32> -> vector<16xf32>
          %eq3A_275 = arith.cmpi eq, %gather3A_271, %gather3A_244 : vector<16xi32>
          %select_n3A_276 = arith.select %eq3A_275, %gather3A_274, %gather3A_249 : vector<16xi1>, vector<16xf32>
          %add3A_277 = arith.constant 12 : i32
          %add3A_278 = vector.broadcast %add3A_277 : i32 to vector<16xi32>
          %add3A_279 = arith.addi %iota3A, %add3A_278 : vector<16xi32>
          %and3A_280 = arith.constant 15 : i32
          %and3A_281 = vector.broadcast %and3A_280 : i32 to vector<16xi32>
          %and3A_282 = arith.andi %add3A_279, %and3A_281 : vector<16xi32>
          %broadcast_in_dim3A_283 = vector.shape_cast %and3A_282 : vector<16xi32> to vector<16x1xi32>
          %gather3A_284 = vector.shape_cast %broadcast_in_dim3A_283 : vector<16x1xi32> to vector<16xi32>
          %gather3A_285 = tpu.dynamic_gather %gather3A_244[%gather3A_284] in [0] : vector<16xi32>, vector<16xi32> -> vector<16xi32>
          %broadcast_in_dim3A_286 = vector.shape_cast %and3A_282 : vector<16xi32> to vector<16x1xi32>
          %gather3A_287 = vector.shape_cast %broadcast_in_dim3A_286 : vector<16x1xi32> to vector<16xi32>
          %gather3A_288 = tpu.dynamic_gather %gather3A_249[%gather3A_287] in [0] : vector<16xf32>, vector<16xi32> -> vector<16xf32>
          %eq3A_289 = arith.cmpi eq, %gather3A_285, %gather3A_244 : vector<16xi32>
          %select_n3A_290 = arith.select %eq3A_289, %gather3A_288, %gather3A_249 : vector<16xi1>, vector<16xf32>
          %max3A_291 = arith.maximumf %gather3A_249, %select_n3A_262 : vector<16xf32>
          %max3A_292 = arith.maximumf %select_n3A_276, %select_n3A_290 : vector<16xf32>
          %max3A_293 = arith.maximumf %max3A_291, %max3A_292 : vector<16xf32>
          %shift_left3A_294 = arith.constant 2 : i32
          %shift_left3A_295 = vector.broadcast %shift_left3A_294 : i32 to vector<16xi32>
          %shift_left3A_296 = arith.shli %gather3A_244, %shift_left3A_295 : vector<16xi32>
          %or3A_297 = arith.ori %shift_left3A_296, %and3A_2 : vector<16xi32>
          %gather3A_298 = tpu.vector_load_idx %arg8[%or3A_297] : memref<40000xf32, #tpu.memory_space<vmem>>[vector<16xi32>], vector<16xf32>,
          %max3A_299 = arith.maximumf %gather3A_298, %max3A_293 : vector<16xf32>
          tpu.vector_store_idx %arg8[%or3A_297], %max3A_299 : memref<40000xf32, #tpu.memory_space<vmem>>[vector<16xi32>], vector<16xf32>,
          %add3A_300 = arith.constant 4 : i32
          %add3A_301 = arith.addi %scan3A_94, %add3A_300 : i32
          %add3A_302 = vector.broadcast %add3A_301 : i32 to vector<16xi32>
          %add3A_303 = arith.addi %add3A_302, %shift_right_arithmetic3A_4 : vector<16xi32>
          %gather3A_304 = tpu.vector_load_idx %arg11[%add3A_303] : memref<4000xi32, #tpu.memory_space<vmem>>[vector<16xi32>], vector<16xi32>,
          %gather3A_305 = tpu.vector_load_idx %arg12[%add3A_303] : memref<4000xi32, #tpu.memory_space<vmem>>[vector<16xi32>], vector<16xi32>,
          %shift_left3A_306 = arith.constant 2 : i32
          %shift_left3A_307 = vector.broadcast %shift_left3A_306 : i32 to vector<16xi32>
          %shift_left3A_308 = arith.shli %gather3A_304, %shift_left3A_307 : vector<16xi32>
          %or3A_309 = arith.ori %shift_left3A_308, %and3A_2 : vector<16xi32>
          %gather3A_310 = tpu.vector_load_idx %arg7[%or3A_309] : memref<40000xf32, #tpu.memory_space<vmem>>[vector<16xi32>], vector<16xf32>,
          %add3A_311 = arith.constant 4 : i32
          %add3A_312 = vector.broadcast %add3A_311 : i32 to vector<16xi32>
          %add3A_313 = arith.addi %iota3A, %add3A_312 : vector<16xi32>
          %and3A_314 = arith.constant 15 : i32
          %and3A_315 = vector.broadcast %and3A_314 : i32 to vector<16xi32>
          %and3A_316 = arith.andi %add3A_313, %and3A_315 : vector<16xi32>
          %broadcast_in_dim3A_317 = vector.shape_cast %and3A_316 : vector<16xi32> to vector<16x1xi32>
          %gather3A_318 = vector.shape_cast %broadcast_in_dim3A_317 : vector<16x1xi32> to vector<16xi32>
          %gather3A_319 = tpu.dynamic_gather %gather3A_305[%gather3A_318] in [0] : vector<16xi32>, vector<16xi32> -> vector<16xi32>
          %broadcast_in_dim3A_320 = vector.shape_cast %and3A_316 : vector<16xi32> to vector<16x1xi32>
          %gather3A_321 = vector.shape_cast %broadcast_in_dim3A_320 : vector<16x1xi32> to vector<16xi32>
          %gather3A_322 = tpu.dynamic_gather %gather3A_310[%gather3A_321] in [0] : vector<16xf32>, vector<16xi32> -> vector<16xf32>
          %eq3A_323 = arith.cmpi eq, %gather3A_319, %gather3A_305 : vector<16xi32>
          %select_n3A_324 = arith.select %eq3A_323, %gather3A_322, %gather3A_310 : vector<16xi1>, vector<16xf32>
          %add3A_325 = arith.constant 8 : i32
          %add3A_326 = vector.broadcast %add3A_325 : i32 to vector<16xi32>
          %add3A_327 = arith.addi %iota3A, %add3A_326 : vector<16xi32>
          %and3A_328 = arith.constant 15 : i32
          %and3A_329 = vector.broadcast %and3A_328 : i32 to vector<16xi32>
          %and3A_330 = arith.andi %add3A_327, %and3A_329 : vector<16xi32>
          %broadcast_in_dim3A_331 = vector.shape_cast %and3A_330 : vector<16xi32> to vector<16x1xi32>
          %gather3A_332 = vector.shape_cast %broadcast_in_dim3A_331 : vector<16x1xi32> to vector<16xi32>
          %gather3A_333 = tpu.dynamic_gather %gather3A_305[%gather3A_332] in [0] : vector<16xi32>, vector<16xi32> -> vector<16xi32>
          %broadcast_in_dim3A_334 = vector.shape_cast %and3A_330 : vector<16xi32> to vector<16x1xi32>
          %gather3A_335 = vector.shape_cast %broadcast_in_dim3A_334 : vector<16x1xi32> to vector<16xi32>
          %gather3A_336 = tpu.dynamic_gather %gather3A_310[%gather3A_335] in [0] : vector<16xf32>, vector<16xi32> -> vector<16xf32>
          %eq3A_337 = arith.cmpi eq, %gather3A_333, %gather3A_305 : vector<16xi32>
          %select_n3A_338 = arith.select %eq3A_337, %gather3A_336, %gather3A_310 : vector<16xi1>, vector<16xf32>
          %add3A_339 = arith.constant 12 : i32
          %add3A_340 = vector.broadcast %add3A_339 : i32 to vector<16xi32>
          %add3A_341 = arith.addi %iota3A, %add3A_340 : vector<16xi32>
          %and3A_342 = arith.constant 15 : i32
          %and3A_343 = vector.broadcast %and3A_342 : i32 to vector<16xi32>
          %and3A_344 = arith.andi %add3A_341, %and3A_343 : vector<16xi32>
          %broadcast_in_dim3A_345 = vector.shape_cast %and3A_344 : vector<16xi32> to vector<16x1xi32>
          %gather3A_346 = vector.shape_cast %broadcast_in_dim3A_345 : vector<16x1xi32> to vector<16xi32>
          %gather3A_347 = tpu.dynamic_gather %gather3A_305[%gather3A_346] in [0] : vector<16xi32>, vector<16xi32> -> vector<16xi32>
          %broadcast_in_dim3A_348 = vector.shape_cast %and3A_344 : vector<16xi32> to vector<16x1xi32>
          %gather3A_349 = vector.shape_cast %broadcast_in_dim3A_348 : vector<16x1xi32> to vector<16xi32>
          %gather3A_350 = tpu.dynamic_gather %gather3A_310[%gather3A_349] in [0] : vector<16xf32>, vector<16xi32> -> vector<16xf32>
          %eq3A_351 = arith.cmpi eq, %gather3A_347, %gather3A_305 : vector<16xi32>
          %select_n3A_352 = arith.select %eq3A_351, %gather3A_350, %gather3A_310 : vector<16xi1>, vector<16xf32>
          %max3A_353 = arith.maximumf %gather3A_310, %select_n3A_324 : vector<16xf32>
          %max3A_354 = arith.maximumf %select_n3A_338, %select_n3A_352 : vector<16xf32>
          %max3A_355 = arith.maximumf %max3A_353, %max3A_354 : vector<16xf32>
          %shift_left3A_356 = arith.constant 2 : i32
          %shift_left3A_357 = vector.broadcast %shift_left3A_356 : i32 to vector<16xi32>
          %shift_left3A_358 = arith.shli %gather3A_305, %shift_left3A_357 : vector<16xi32>
          %or3A_359 = arith.ori %shift_left3A_358, %and3A_2 : vector<16xi32>
          %gather3A_360 = tpu.vector_load_idx %arg8[%or3A_359] : memref<40000xf32, #tpu.memory_space<vmem>>[vector<16xi32>], vector<16xf32>,
          %max3A_361 = arith.maximumf %gather3A_360, %max3A_355 : vector<16xf32>
          tpu.vector_store_idx %arg8[%or3A_359], %max3A_361 : memref<40000xf32, #tpu.memory_space<vmem>>[vector<16xi32>], vector<16xf32>,
          %add3A_362 = arith.constant 8 : i32
          %add3A_363 = arith.addi %scan3A_94, %add3A_362 : i32
          %add3A_364 = vector.broadcast %add3A_363 : i32 to vector<16xi32>
          %add3A_365 = arith.addi %add3A_364, %shift_right_arithmetic3A_4 : vector<16xi32>
          %gather3A_366 = tpu.vector_load_idx %arg11[%add3A_365] : memref<4000xi32, #tpu.memory_space<vmem>>[vector<16xi32>], vector<16xi32>,
          %gather3A_367 = tpu.vector_load_idx %arg12[%add3A_365] : memref<4000xi32, #tpu.memory_space<vmem>>[vector<16xi32>], vector<16xi32>,
          %shift_left3A_368 = arith.constant 2 : i32
          %shift_left3A_369 = vector.broadcast %shift_left3A_368 : i32 to vector<16xi32>
          %shift_left3A_370 = arith.shli %gather3A_366, %shift_left3A_369 : vector<16xi32>
          %or3A_371 = arith.ori %shift_left3A_370, %and3A_2 : vector<16xi32>
          %gather3A_372 = tpu.vector_load_idx %arg7[%or3A_371] : memref<40000xf32, #tpu.memory_space<vmem>>[vector<16xi32>], vector<16xf32>,
          %add3A_373 = arith.constant 4 : i32
          %add3A_374 = vector.broadcast %add3A_373 : i32 to vector<16xi32>
          %add3A_375 = arith.addi %iota3A, %add3A_374 : vector<16xi32>
          %and3A_376 = arith.constant 15 : i32
          %and3A_377 = vector.broadcast %and3A_376 : i32 to vector<16xi32>
          %and3A_378 = arith.andi %add3A_375, %and3A_377 : vector<16xi32>
          %broadcast_in_dim3A_379 = vector.shape_cast %and3A_378 : vector<16xi32> to vector<16x1xi32>
          %gather3A_380 = vector.shape_cast %broadcast_in_dim3A_379 : vector<16x1xi32> to vector<16xi32>
          %gather3A_381 = tpu.dynamic_gather %gather3A_367[%gather3A_380] in [0] : vector<16xi32>, vector<16xi32> -> vector<16xi32>
          %broadcast_in_dim3A_382 = vector.shape_cast %and3A_378 : vector<16xi32> to vector<16x1xi32>
          %gather3A_383 = vector.shape_cast %broadcast_in_dim3A_382 : vector<16x1xi32> to vector<16xi32>
          %gather3A_384 = tpu.dynamic_gather %gather3A_372[%gather3A_383] in [0] : vector<16xf32>, vector<16xi32> -> vector<16xf32>
          %eq3A_385 = arith.cmpi eq, %gather3A_381, %gather3A_367 : vector<16xi32>
          %select_n3A_386 = arith.select %eq3A_385, %gather3A_384, %gather3A_372 : vector<16xi1>, vector<16xf32>
          %add3A_387 = arith.constant 8 : i32
          %add3A_388 = vector.broadcast %add3A_387 : i32 to vector<16xi32>
          %add3A_389 = arith.addi %iota3A, %add3A_388 : vector<16xi32>
          %and3A_390 = arith.constant 15 : i32
          %and3A_391 = vector.broadcast %and3A_390 : i32 to vector<16xi32>
          %and3A_392 = arith.andi %add3A_389, %and3A_391 : vector<16xi32>
          %broadcast_in_dim3A_393 = vector.shape_cast %and3A_392 : vector<16xi32> to vector<16x1xi32>
          %gather3A_394 = vector.shape_cast %broadcast_in_dim3A_393 : vector<16x1xi32> to vector<16xi32>
          %gather3A_395 = tpu.dynamic_gather %gather3A_367[%gather3A_394] in [0] : vector<16xi32>, vector<16xi32> -> vector<16xi32>
          %broadcast_in_dim3A_396 = vector.shape_cast %and3A_392 : vector<16xi32> to vector<16x1xi32>
          %gather3A_397 = vector.shape_cast %broadcast_in_dim3A_396 : vector<16x1xi32> to vector<16xi32>
          %gather3A_398 = tpu.dynamic_gather %gather3A_372[%gather3A_397] in [0] : vector<16xf32>, vector<16xi32> -> vector<16xf32>
          %eq3A_399 = arith.cmpi eq, %gather3A_395, %gather3A_367 : vector<16xi32>
          %select_n3A_400 = arith.select %eq3A_399, %gather3A_398, %gather3A_372 : vector<16xi1>, vector<16xf32>
          %add3A_401 = arith.constant 12 : i32
          %add3A_402 = vector.broadcast %add3A_401 : i32 to vector<16xi32>
          %add3A_403 = arith.addi %iota3A, %add3A_402 : vector<16xi32>
          %and3A_404 = arith.constant 15 : i32
          %and3A_405 = vector.broadcast %and3A_404 : i32 to vector<16xi32>
          %and3A_406 = arith.andi %add3A_403, %and3A_405 : vector<16xi32>
          %broadcast_in_dim3A_407 = vector.shape_cast %and3A_406 : vector<16xi32> to vector<16x1xi32>
          %gather3A_408 = vector.shape_cast %broadcast_in_dim3A_407 : vector<16x1xi32> to vector<16xi32>
          %gather3A_409 = tpu.dynamic_gather %gather3A_367[%gather3A_408] in [0] : vector<16xi32>, vector<16xi32> -> vector<16xi32>
          %broadcast_in_dim3A_410 = vector.shape_cast %and3A_406 : vector<16xi32> to vector<16x1xi32>
          %gather3A_411 = vector.shape_cast %broadcast_in_dim3A_410 : vector<16x1xi32> to vector<16xi32>
          %gather3A_412 = tpu.dynamic_gather %gather3A_372[%gather3A_411] in [0] : vector<16xf32>, vector<16xi32> -> vector<16xf32>
          %eq3A_413 = arith.cmpi eq, %gather3A_409, %gather3A_367 : vector<16xi32>
          %select_n3A_414 = arith.select %eq3A_413, %gather3A_412, %gather3A_372 : vector<16xi1>, vector<16xf32>
          %max3A_415 = arith.maximumf %gather3A_372, %select_n3A_386 : vector<16xf32>
          %max3A_416 = arith.maximumf %select_n3A_400, %select_n3A_414 : vector<16xf32>
          %max3A_417 = arith.maximumf %max3A_415, %max3A_416 : vector<16xf32>
          %shift_left3A_418 = arith.constant 2 : i32
          %shift_left3A_419 = vector.broadcast %shift_left3A_418 : i32 to vector<16xi32>
          %shift_left3A_420 = arith.shli %gather3A_367, %shift_left3A_419 : vector<16xi32>
          %or3A_421 = arith.ori %shift_left3A_420, %and3A_2 : vector<16xi32>
          %gather3A_422 = tpu.vector_load_idx %arg8[%or3A_421] : memref<40000xf32, #tpu.memory_space<vmem>>[vector<16xi32>], vector<16xf32>,
          %max3A_423 = arith.maximumf %gather3A_422, %max3A_417 : vector<16xf32>
          tpu.vector_store_idx %arg8[%or3A_421], %max3A_423 : memref<40000xf32, #tpu.memory_space<vmem>>[vector<16xi32>], vector<16xf32>,
          %add3A_424 = arith.constant 12 : i32
          %add3A_425 = arith.addi %scan3A_94, %add3A_424 : i32
          %add3A_426 = vector.broadcast %add3A_425 : i32 to vector<16xi32>
          %add3A_427 = arith.addi %add3A_426, %shift_right_arithmetic3A_4 : vector<16xi32>
          %gather3A_428 = tpu.vector_load_idx %arg11[%add3A_427] : memref<4000xi32, #tpu.memory_space<vmem>>[vector<16xi32>], vector<16xi32>,
          %gather3A_429 = tpu.vector_load_idx %arg12[%add3A_427] : memref<4000xi32, #tpu.memory_space<vmem>>[vector<16xi32>], vector<16xi32>,
          %shift_left3A_430 = arith.constant 2 : i32
          %shift_left3A_431 = vector.broadcast %shift_left3A_430 : i32 to vector<16xi32>
          %shift_left3A_432 = arith.shli %gather3A_428, %shift_left3A_431 : vector<16xi32>
          %or3A_433 = arith.ori %shift_left3A_432, %and3A_2 : vector<16xi32>
          %gather3A_434 = tpu.vector_load_idx %arg7[%or3A_433] : memref<40000xf32, #tpu.memory_space<vmem>>[vector<16xi32>], vector<16xf32>,
          %add3A_435 = arith.constant 4 : i32
          %add3A_436 = vector.broadcast %add3A_435 : i32 to vector<16xi32>
          %add3A_437 = arith.addi %iota3A, %add3A_436 : vector<16xi32>
          %and3A_438 = arith.constant 15 : i32
          %and3A_439 = vector.broadcast %and3A_438 : i32 to vector<16xi32>
          %and3A_440 = arith.andi %add3A_437, %and3A_439 : vector<16xi32>
          %broadcast_in_dim3A_441 = vector.shape_cast %and3A_440 : vector<16xi32> to vector<16x1xi32>
          %gather3A_442 = vector.shape_cast %broadcast_in_dim3A_441 : vector<16x1xi32> to vector<16xi32>
          %gather3A_443 = tpu.dynamic_gather %gather3A_429[%gather3A_442] in [0] : vector<16xi32>, vector<16xi32> -> vector<16xi32>
          %broadcast_in_dim3A_444 = vector.shape_cast %and3A_440 : vector<16xi32> to vector<16x1xi32>
          %gather3A_445 = vector.shape_cast %broadcast_in_dim3A_444 : vector<16x1xi32> to vector<16xi32>
          %gather3A_446 = tpu.dynamic_gather %gather3A_434[%gather3A_445] in [0] : vector<16xf32>, vector<16xi32> -> vector<16xf32>
          %eq3A_447 = arith.cmpi eq, %gather3A_443, %gather3A_429 : vector<16xi32>
          %select_n3A_448 = arith.select %eq3A_447, %gather3A_446, %gather3A_434 : vector<16xi1>, vector<16xf32>
          %add3A_449 = arith.constant 8 : i32
          %add3A_450 = vector.broadcast %add3A_449 : i32 to vector<16xi32>
          %add3A_451 = arith.addi %iota3A, %add3A_450 : vector<16xi32>
          %and3A_452 = arith.constant 15 : i32
          %and3A_453 = vector.broadcast %and3A_452 : i32 to vector<16xi32>
          %and3A_454 = arith.andi %add3A_451, %and3A_453 : vector<16xi32>
          %broadcast_in_dim3A_455 = vector.shape_cast %and3A_454 : vector<16xi32> to vector<16x1xi32>
          %gather3A_456 = vector.shape_cast %broadcast_in_dim3A_455 : vector<16x1xi32> to vector<16xi32>
          %gather3A_457 = tpu.dynamic_gather %gather3A_429[%gather3A_456] in [0] : vector<16xi32>, vector<16xi32> -> vector<16xi32>
          %broadcast_in_dim3A_458 = vector.shape_cast %and3A_454 : vector<16xi32> to vector<16x1xi32>
          %gather3A_459 = vector.shape_cast %broadcast_in_dim3A_458 : vector<16x1xi32> to vector<16xi32>
          %gather3A_460 = tpu.dynamic_gather %gather3A_434[%gather3A_459] in [0] : vector<16xf32>, vector<16xi32> -> vector<16xf32>
          %eq3A_461 = arith.cmpi eq, %gather3A_457, %gather3A_429 : vector<16xi32>
          %select_n3A_462 = arith.select %eq3A_461, %gather3A_460, %gather3A_434 : vector<16xi1>, vector<16xf32>
          %add3A_463 = arith.constant 12 : i32
          %add3A_464 = vector.broadcast %add3A_463 : i32 to vector<16xi32>
          %add3A_465 = arith.addi %iota3A, %add3A_464 : vector<16xi32>
          %and3A_466 = arith.constant 15 : i32
          %and3A_467 = vector.broadcast %and3A_466 : i32 to vector<16xi32>
          %and3A_468 = arith.andi %add3A_465, %and3A_467 : vector<16xi32>
          %broadcast_in_dim3A_469 = vector.shape_cast %and3A_468 : vector<16xi32> to vector<16x1xi32>
          %gather3A_470 = vector.shape_cast %broadcast_in_dim3A_469 : vector<16x1xi32> to vector<16xi32>
          %gather3A_471 = tpu.dynamic_gather %gather3A_429[%gather3A_470] in [0] : vector<16xi32>, vector<16xi32> -> vector<16xi32>
          %broadcast_in_dim3A_472 = vector.shape_cast %and3A_468 : vector<16xi32> to vector<16x1xi32>
          %gather3A_473 = vector.shape_cast %broadcast_in_dim3A_472 : vector<16x1xi32> to vector<16xi32>
          %gather3A_474 = tpu.dynamic_gather %gather3A_434[%gather3A_473] in [0] : vector<16xf32>, vector<16xi32> -> vector<16xf32>
          %eq3A_475 = arith.cmpi eq, %gather3A_471, %gather3A_429 : vector<16xi32>
          %select_n3A_476 = arith.select %eq3A_475, %gather3A_474, %gather3A_434 : vector<16xi1>, vector<16xf32>
          %max3A_477 = arith.maximumf %gather3A_434, %select_n3A_448 : vector<16xf32>
          %max3A_478 = arith.maximumf %select_n3A_462, %select_n3A_476 : vector<16xf32>
          %max3A_479 = arith.maximumf %max3A_477, %max3A_478 : vector<16xf32>
          %shift_left3A_480 = arith.constant 2 : i32
          %shift_left3A_481 = vector.broadcast %shift_left3A_480 : i32 to vector<16xi32>
          %shift_left3A_482 = arith.shli %gather3A_429, %shift_left3A_481 : vector<16xi32>
          %or3A_483 = arith.ori %shift_left3A_482, %and3A_2 : vector<16xi32>
          %gather3A_484 = tpu.vector_load_idx %arg8[%or3A_483] : memref<40000xf32, #tpu.memory_space<vmem>>[vector<16xi32>], vector<16xf32>,
          %max3A_485 = arith.maximumf %gather3A_484, %max3A_479 : vector<16xf32>
          tpu.vector_store_idx %arg8[%or3A_483], %max3A_485 : memref<40000xf32, #tpu.memory_space<vmem>>[vector<16xi32>], vector<16xf32>,
          %add3A_486 = arith.constant 16 : i32
          %add3A_487 = arith.addi %scan3A_94, %add3A_486 : i32
          %add3A_488 = vector.broadcast %add3A_487 : i32 to vector<16xi32>
          %add3A_489 = arith.addi %add3A_488, %shift_right_arithmetic3A_4 : vector<16xi32>
          %gather3A_490 = tpu.vector_load_idx %arg11[%add3A_489] : memref<4000xi32, #tpu.memory_space<vmem>>[vector<16xi32>], vector<16xi32>,
          %gather3A_491 = tpu.vector_load_idx %arg12[%add3A_489] : memref<4000xi32, #tpu.memory_space<vmem>>[vector<16xi32>], vector<16xi32>,
          %shift_left3A_492 = arith.constant 2 : i32
          %shift_left3A_493 = vector.broadcast %shift_left3A_492 : i32 to vector<16xi32>
          %shift_left3A_494 = arith.shli %gather3A_490, %shift_left3A_493 : vector<16xi32>
          %or3A_495 = arith.ori %shift_left3A_494, %and3A_2 : vector<16xi32>
          %gather3A_496 = tpu.vector_load_idx %arg7[%or3A_495] : memref<40000xf32, #tpu.memory_space<vmem>>[vector<16xi32>], vector<16xf32>,
          %add3A_497 = arith.constant 4 : i32
          %add3A_498 = vector.broadcast %add3A_497 : i32 to vector<16xi32>
          %add3A_499 = arith.addi %iota3A, %add3A_498 : vector<16xi32>
          %and3A_500 = arith.constant 15 : i32
          %and3A_501 = vector.broadcast %and3A_500 : i32 to vector<16xi32>
          %and3A_502 = arith.andi %add3A_499, %and3A_501 : vector<16xi32>
          %broadcast_in_dim3A_503 = vector.shape_cast %and3A_502 : vector<16xi32> to vector<16x1xi32>
          %gather3A_504 = vector.shape_cast %broadcast_in_dim3A_503 : vector<16x1xi32> to vector<16xi32>
          %gather3A_505 = tpu.dynamic_gather %gather3A_491[%gather3A_504] in [0] : vector<16xi32>, vector<16xi32> -> vector<16xi32>
          %broadcast_in_dim3A_506 = vector.shape_cast %and3A_502 : vector<16xi32> to vector<16x1xi32>
          %gather3A_507 = vector.shape_cast %broadcast_in_dim3A_506 : vector<16x1xi32> to vector<16xi32>
          %gather3A_508 = tpu.dynamic_gather %gather3A_496[%gather3A_507] in [0] : vector<16xf32>, vector<16xi32> -> vector<16xf32>
          %eq3A_509 = arith.cmpi eq, %gather3A_505, %gather3A_491 : vector<16xi32>
          %select_n3A_510 = arith.select %eq3A_509, %gather3A_508, %gather3A_496 : vector<16xi1>, vector<16xf32>
          %add3A_511 = arith.constant 8 : i32
          %add3A_512 = vector.broadcast %add3A_511 : i32 to vector<16xi32>
          %add3A_513 = arith.addi %iota3A, %add3A_512 : vector<16xi32>
          %and3A_514 = arith.constant 15 : i32
          %and3A_515 = vector.broadcast %and3A_514 : i32 to vector<16xi32>
          %and3A_516 = arith.andi %add3A_513, %and3A_515 : vector<16xi32>
          %broadcast_in_dim3A_517 = vector.shape_cast %and3A_516 : vector<16xi32> to vector<16x1xi32>
          %gather3A_518 = vector.shape_cast %broadcast_in_dim3A_517 : vector<16x1xi32> to vector<16xi32>
          %gather3A_519 = tpu.dynamic_gather %gather3A_491[%gather3A_518] in [0] : vector<16xi32>, vector<16xi32> -> vector<16xi32>
          %broadcast_in_dim3A_520 = vector.shape_cast %and3A_516 : vector<16xi32> to vector<16x1xi32>
          %gather3A_521 = vector.shape_cast %broadcast_in_dim3A_520 : vector<16x1xi32> to vector<16xi32>
          %gather3A_522 = tpu.dynamic_gather %gather3A_496[%gather3A_521] in [0] : vector<16xf32>, vector<16xi32> -> vector<16xf32>
          %eq3A_523 = arith.cmpi eq, %gather3A_519, %gather3A_491 : vector<16xi32>
          %select_n3A_524 = arith.select %eq3A_523, %gather3A_522, %gather3A_496 : vector<16xi1>, vector<16xf32>
          %add3A_525 = arith.constant 12 : i32
          %add3A_526 = vector.broadcast %add3A_525 : i32 to vector<16xi32>
          %add3A_527 = arith.addi %iota3A, %add3A_526 : vector<16xi32>
          %and3A_528 = arith.constant 15 : i32
          %and3A_529 = vector.broadcast %and3A_528 : i32 to vector<16xi32>
          %and3A_530 = arith.andi %add3A_527, %and3A_529 : vector<16xi32>
          %broadcast_in_dim3A_531 = vector.shape_cast %and3A_530 : vector<16xi32> to vector<16x1xi32>
          %gather3A_532 = vector.shape_cast %broadcast_in_dim3A_531 : vector<16x1xi32> to vector<16xi32>
          %gather3A_533 = tpu.dynamic_gather %gather3A_491[%gather3A_532] in [0] : vector<16xi32>, vector<16xi32> -> vector<16xi32>
          %broadcast_in_dim3A_534 = vector.shape_cast %and3A_530 : vector<16xi32> to vector<16x1xi32>
          %gather3A_535 = vector.shape_cast %broadcast_in_dim3A_534 : vector<16x1xi32> to vector<16xi32>
          %gather3A_536 = tpu.dynamic_gather %gather3A_496[%gather3A_535] in [0] : vector<16xf32>, vector<16xi32> -> vector<16xf32>
          %eq3A_537 = arith.cmpi eq, %gather3A_533, %gather3A_491 : vector<16xi32>
          %select_n3A_538 = arith.select %eq3A_537, %gather3A_536, %gather3A_496 : vector<16xi1>, vector<16xf32>
          %max3A_539 = arith.maximumf %gather3A_496, %select_n3A_510 : vector<16xf32>
          %max3A_540 = arith.maximumf %select_n3A_524, %select_n3A_538 : vector<16xf32>
          %max3A_541 = arith.maximumf %max3A_539, %max3A_540 : vector<16xf32>
          %shift_left3A_542 = arith.constant 2 : i32
          %shift_left3A_543 = vector.broadcast %shift_left3A_542 : i32 to vector<16xi32>
          %shift_left3A_544 = arith.shli %gather3A_491, %shift_left3A_543 : vector<16xi32>
          %or3A_545 = arith.ori %shift_left3A_544, %and3A_2 : vector<16xi32>
          %gather3A_546 = tpu.vector_load_idx %arg8[%or3A_545] : memref<40000xf32, #tpu.memory_space<vmem>>[vector<16xi32>], vector<16xf32>,
          %max3A_547 = arith.maximumf %gather3A_546, %max3A_541 : vector<16xf32>
          tpu.vector_store_idx %arg8[%or3A_545], %max3A_547 : memref<40000xf32, #tpu.memory_space<vmem>>[vector<16xi32>], vector<16xf32>,
          %add3A_548 = arith.constant 20 : i32
          %add3A_549 = arith.addi %scan3A_94, %add3A_548 : i32
          %add3A_550 = vector.broadcast %add3A_549 : i32 to vector<16xi32>
          %add3A_551 = arith.addi %add3A_550, %shift_right_arithmetic3A_4 : vector<16xi32>
          %gather3A_552 = tpu.vector_load_idx %arg11[%add3A_551] : memref<4000xi32, #tpu.memory_space<vmem>>[vector<16xi32>], vector<16xi32>,
          %gather3A_553 = tpu.vector_load_idx %arg12[%add3A_551] : memref<4000xi32, #tpu.memory_space<vmem>>[vector<16xi32>], vector<16xi32>,
          %shift_left3A_554 = arith.constant 2 : i32
          %shift_left3A_555 = vector.broadcast %shift_left3A_554 : i32 to vector<16xi32>
          %shift_left3A_556 = arith.shli %gather3A_552, %shift_left3A_555 : vector<16xi32>
          %or3A_557 = arith.ori %shift_left3A_556, %and3A_2 : vector<16xi32>
          %gather3A_558 = tpu.vector_load_idx %arg7[%or3A_557] : memref<40000xf32, #tpu.memory_space<vmem>>[vector<16xi32>], vector<16xf32>,
          %add3A_559 = arith.constant 4 : i32
          %add3A_560 = vector.broadcast %add3A_559 : i32 to vector<16xi32>
          %add3A_561 = arith.addi %iota3A, %add3A_560 : vector<16xi32>
          %and3A_562 = arith.constant 15 : i32
          %and3A_563 = vector.broadcast %and3A_562 : i32 to vector<16xi32>
          %and3A_564 = arith.andi %add3A_561, %and3A_563 : vector<16xi32>
          %broadcast_in_dim3A_565 = vector.shape_cast %and3A_564 : vector<16xi32> to vector<16x1xi32>
          %gather3A_566 = vector.shape_cast %broadcast_in_dim3A_565 : vector<16x1xi32> to vector<16xi32>
          %gather3A_567 = tpu.dynamic_gather %gather3A_553[%gather3A_566] in [0] : vector<16xi32>, vector<16xi32> -> vector<16xi32>
          %broadcast_in_dim3A_568 = vector.shape_cast %and3A_564 : vector<16xi32> to vector<16x1xi32>
          %gather3A_569 = vector.shape_cast %broadcast_in_dim3A_568 : vector<16x1xi32> to vector<16xi32>
          %gather3A_570 = tpu.dynamic_gather %gather3A_558[%gather3A_569] in [0] : vector<16xf32>, vector<16xi32> -> vector<16xf32>
          %eq3A_571 = arith.cmpi eq, %gather3A_567, %gather3A_553 : vector<16xi32>
          %select_n3A_572 = arith.select %eq3A_571, %gather3A_570, %gather3A_558 : vector<16xi1>, vector<16xf32>
          %add3A_573 = arith.constant 8 : i32
          %add3A_574 = vector.broadcast %add3A_573 : i32 to vector<16xi32>
          %add3A_575 = arith.addi %iota3A, %add3A_574 : vector<16xi32>
          %and3A_576 = arith.constant 15 : i32
          %and3A_577 = vector.broadcast %and3A_576 : i32 to vector<16xi32>
          %and3A_578 = arith.andi %add3A_575, %and3A_577 : vector<16xi32>
          %broadcast_in_dim3A_579 = vector.shape_cast %and3A_578 : vector<16xi32> to vector<16x1xi32>
          %gather3A_580 = vector.shape_cast %broadcast_in_dim3A_579 : vector<16x1xi32> to vector<16xi32>
          %gather3A_581 = tpu.dynamic_gather %gather3A_553[%gather3A_580] in [0] : vector<16xi32>, vector<16xi32> -> vector<16xi32>
          %broadcast_in_dim3A_582 = vector.shape_cast %and3A_578 : vector<16xi32> to vector<16x1xi32>
          %gather3A_583 = vector.shape_cast %broadcast_in_dim3A_582 : vector<16x1xi32> to vector<16xi32>
          %gather3A_584 = tpu.dynamic_gather %gather3A_558[%gather3A_583] in [0] : vector<16xf32>, vector<16xi32> -> vector<16xf32>
          %eq3A_585 = arith.cmpi eq, %gather3A_581, %gather3A_553 : vector<16xi32>
          %select_n3A_586 = arith.select %eq3A_585, %gather3A_584, %gather3A_558 : vector<16xi1>, vector<16xf32>
          %add3A_587 = arith.constant 12 : i32
          %add3A_588 = vector.broadcast %add3A_587 : i32 to vector<16xi32>
          %add3A_589 = arith.addi %iota3A, %add3A_588 : vector<16xi32>
          %and3A_590 = arith.constant 15 : i32
          %and3A_591 = vector.broadcast %and3A_590 : i32 to vector<16xi32>
          %and3A_592 = arith.andi %add3A_589, %and3A_591 : vector<16xi32>
          %broadcast_in_dim3A_593 = vector.shape_cast %and3A_592 : vector<16xi32> to vector<16x1xi32>
          %gather3A_594 = vector.shape_cast %broadcast_in_dim3A_593 : vector<16x1xi32> to vector<16xi32>
          %gather3A_595 = tpu.dynamic_gather %gather3A_553[%gather3A_594] in [0] : vector<16xi32>, vector<16xi32> -> vector<16xi32>
          %broadcast_in_dim3A_596 = vector.shape_cast %and3A_592 : vector<16xi32> to vector<16x1xi32>
          %gather3A_597 = vector.shape_cast %broadcast_in_dim3A_596 : vector<16x1xi32> to vector<16xi32>
          %gather3A_598 = tpu.dynamic_gather %gather3A_558[%gather3A_597] in [0] : vector<16xf32>, vector<16xi32> -> vector<16xf32>
          %eq3A_599 = arith.cmpi eq, %gather3A_595, %gather3A_553 : vector<16xi32>
          %select_n3A_600 = arith.select %eq3A_599, %gather3A_598, %gather3A_558 : vector<16xi1>, vector<16xf32>
          %max3A_601 = arith.maximumf %gather3A_558, %select_n3A_572 : vector<16xf32>
          %max3A_602 = arith.maximumf %select_n3A_586, %select_n3A_600 : vector<16xf32>
          %max3A_603 = arith.maximumf %max3A_601, %max3A_602 : vector<16xf32>
          %shift_left3A_604 = arith.constant 2 : i32
          %shift_left3A_605 = vector.broadcast %shift_left3A_604 : i32 to vector<16xi32>
          %shift_left3A_606 = arith.shli %gather3A_553, %shift_left3A_605 : vector<16xi32>
          %or3A_607 = arith.ori %shift_left3A_606, %and3A_2 : vector<16xi32>
          %gather3A_608 = tpu.vector_load_idx %arg8[%or3A_607] : memref<40000xf32, #tpu.memory_space<vmem>>[vector<16xi32>], vector<16xf32>,
          %max3A_609 = arith.maximumf %gather3A_608, %max3A_603 : vector<16xf32>
          tpu.vector_store_idx %arg8[%or3A_607], %max3A_609 : memref<40000xf32, #tpu.memory_space<vmem>>[vector<16xi32>], vector<16xf32>,
          %add3A_610 = arith.constant 24 : i32
          %add3A_611 = arith.addi %scan3A_94, %add3A_610 : i32
          %add3A_612 = vector.broadcast %add3A_611 : i32 to vector<16xi32>
          %add3A_613 = arith.addi %add3A_612, %shift_right_arithmetic3A_4 : vector<16xi32>
          %gather3A_614 = tpu.vector_load_idx %arg11[%add3A_613] : memref<4000xi32, #tpu.memory_space<vmem>>[vector<16xi32>], vector<16xi32>,
          %gather3A_615 = tpu.vector_load_idx %arg12[%add3A_613] : memref<4000xi32, #tpu.memory_space<vmem>>[vector<16xi32>], vector<16xi32>,
          %shift_left3A_616 = arith.constant 2 : i32
          %shift_left3A_617 = vector.broadcast %shift_left3A_616 : i32 to vector<16xi32>
          %shift_left3A_618 = arith.shli %gather3A_614, %shift_left3A_617 : vector<16xi32>
          %or3A_619 = arith.ori %shift_left3A_618, %and3A_2 : vector<16xi32>
          %gather3A_620 = tpu.vector_load_idx %arg7[%or3A_619] : memref<40000xf32, #tpu.memory_space<vmem>>[vector<16xi32>], vector<16xf32>,
          %add3A_621 = arith.constant 4 : i32
          %add3A_622 = vector.broadcast %add3A_621 : i32 to vector<16xi32>
          %add3A_623 = arith.addi %iota3A, %add3A_622 : vector<16xi32>
          %and3A_624 = arith.constant 15 : i32
          %and3A_625 = vector.broadcast %and3A_624 : i32 to vector<16xi32>
          %and3A_626 = arith.andi %add3A_623, %and3A_625 : vector<16xi32>
          %broadcast_in_dim3A_627 = vector.shape_cast %and3A_626 : vector<16xi32> to vector<16x1xi32>
          %gather3A_628 = vector.shape_cast %broadcast_in_dim3A_627 : vector<16x1xi32> to vector<16xi32>
          %gather3A_629 = tpu.dynamic_gather %gather3A_615[%gather3A_628] in [0] : vector<16xi32>, vector<16xi32> -> vector<16xi32>
          %broadcast_in_dim3A_630 = vector.shape_cast %and3A_626 : vector<16xi32> to vector<16x1xi32>
          %gather3A_631 = vector.shape_cast %broadcast_in_dim3A_630 : vector<16x1xi32> to vector<16xi32>
          %gather3A_632 = tpu.dynamic_gather %gather3A_620[%gather3A_631] in [0] : vector<16xf32>, vector<16xi32> -> vector<16xf32>
          %eq3A_633 = arith.cmpi eq, %gather3A_629, %gather3A_615 : vector<16xi32>
          %select_n3A_634 = arith.select %eq3A_633, %gather3A_632, %gather3A_620 : vector<16xi1>, vector<16xf32>
          %add3A_635 = arith.constant 8 : i32
          %add3A_636 = vector.broadcast %add3A_635 : i32 to vector<16xi32>
          %add3A_637 = arith.addi %iota3A, %add3A_636 : vector<16xi32>
          %and3A_638 = arith.constant 15 : i32
          %and3A_639 = vector.broadcast %and3A_638 : i32 to vector<16xi32>
          %and3A_640 = arith.andi %add3A_637, %and3A_639 : vector<16xi32>
          %broadcast_in_dim3A_641 = vector.shape_cast %and3A_640 : vector<16xi32> to vector<16x1xi32>
          %gather3A_642 = vector.shape_cast %broadcast_in_dim3A_641 : vector<16x1xi32> to vector<16xi32>
          %gather3A_643 = tpu.dynamic_gather %gather3A_615[%gather3A_642] in [0] : vector<16xi32>, vector<16xi32> -> vector<16xi32>
          %broadcast_in_dim3A_644 = vector.shape_cast %and3A_640 : vector<16xi32> to vector<16x1xi32>
          %gather3A_645 = vector.shape_cast %broadcast_in_dim3A_644 : vector<16x1xi32> to vector<16xi32>
          %gather3A_646 = tpu.dynamic_gather %gather3A_620[%gather3A_645] in [0] : vector<16xf32>, vector<16xi32> -> vector<16xf32>
          %eq3A_647 = arith.cmpi eq, %gather3A_643, %gather3A_615 : vector<16xi32>
          %select_n3A_648 = arith.select %eq3A_647, %gather3A_646, %gather3A_620 : vector<16xi1>, vector<16xf32>
          %add3A_649 = arith.constant 12 : i32
          %add3A_650 = vector.broadcast %add3A_649 : i32 to vector<16xi32>
          %add3A_651 = arith.addi %iota3A, %add3A_650 : vector<16xi32>
          %and3A_652 = arith.constant 15 : i32
          %and3A_653 = vector.broadcast %and3A_652 : i32 to vector<16xi32>
          %and3A_654 = arith.andi %add3A_651, %and3A_653 : vector<16xi32>
          %broadcast_in_dim3A_655 = vector.shape_cast %and3A_654 : vector<16xi32> to vector<16x1xi32>
          %gather3A_656 = vector.shape_cast %broadcast_in_dim3A_655 : vector<16x1xi32> to vector<16xi32>
          %gather3A_657 = tpu.dynamic_gather %gather3A_615[%gather3A_656] in [0] : vector<16xi32>, vector<16xi32> -> vector<16xi32>
          %broadcast_in_dim3A_658 = vector.shape_cast %and3A_654 : vector<16xi32> to vector<16x1xi32>
          %gather3A_659 = vector.shape_cast %broadcast_in_dim3A_658 : vector<16x1xi32> to vector<16xi32>
          %gather3A_660 = tpu.dynamic_gather %gather3A_620[%gather3A_659] in [0] : vector<16xf32>, vector<16xi32> -> vector<16xf32>
          %eq3A_661 = arith.cmpi eq, %gather3A_657, %gather3A_615 : vector<16xi32>
          %select_n3A_662 = arith.select %eq3A_661, %gather3A_660, %gather3A_620 : vector<16xi1>, vector<16xf32>
          %max3A_663 = arith.maximumf %gather3A_620, %select_n3A_634 : vector<16xf32>
          %max3A_664 = arith.maximumf %select_n3A_648, %select_n3A_662 : vector<16xf32>
          %max3A_665 = arith.maximumf %max3A_663, %max3A_664 : vector<16xf32>
          %shift_left3A_666 = arith.constant 2 : i32
          %shift_left3A_667 = vector.broadcast %shift_left3A_666 : i32 to vector<16xi32>
          %shift_left3A_668 = arith.shli %gather3A_615, %shift_left3A_667 : vector<16xi32>
          %or3A_669 = arith.ori %shift_left3A_668, %and3A_2 : vector<16xi32>
          %gather3A_670 = tpu.vector_load_idx %arg8[%or3A_669] : memref<40000xf32, #tpu.memory_space<vmem>>[vector<16xi32>], vector<16xf32>,
          %max3A_671 = arith.maximumf %gather3A_670, %max3A_665 : vector<16xf32>
          tpu.vector_store_idx %arg8[%or3A_669], %max3A_671 : memref<40000xf32, #tpu.memory_space<vmem>>[vector<16xi32>], vector<16xf32>,
          %add3A_672 = arith.constant 28 : i32
          %add3A_673 = arith.addi %scan3A_94, %add3A_672 : i32
          %add3A_674 = vector.broadcast %add3A_673 : i32 to vector<16xi32>
          %add3A_675 = arith.addi %add3A_674, %shift_right_arithmetic3A_4 : vector<16xi32>
          %gather3A_676 = tpu.vector_load_idx %arg11[%add3A_675] : memref<4000xi32, #tpu.memory_space<vmem>>[vector<16xi32>], vector<16xi32>,
          %gather3A_677 = tpu.vector_load_idx %arg12[%add3A_675] : memref<4000xi32, #tpu.memory_space<vmem>>[vector<16xi32>], vector<16xi32>,
          %shift_left3A_678 = arith.constant 2 : i32
          %shift_left3A_679 = vector.broadcast %shift_left3A_678 : i32 to vector<16xi32>
          %shift_left3A_680 = arith.shli %gather3A_676, %shift_left3A_679 : vector<16xi32>
          %or3A_681 = arith.ori %shift_left3A_680, %and3A_2 : vector<16xi32>
          %gather3A_682 = tpu.vector_load_idx %arg7[%or3A_681] : memref<40000xf32, #tpu.memory_space<vmem>>[vector<16xi32>], vector<16xf32>,
          %add3A_683 = arith.constant 4 : i32
          %add3A_684 = vector.broadcast %add3A_683 : i32 to vector<16xi32>
          %add3A_685 = arith.addi %iota3A, %add3A_684 : vector<16xi32>
          %and3A_686 = arith.constant 15 : i32
          %and3A_687 = vector.broadcast %and3A_686 : i32 to vector<16xi32>
          %and3A_688 = arith.andi %add3A_685, %and3A_687 : vector<16xi32>
          %broadcast_in_dim3A_689 = vector.shape_cast %and3A_688 : vector<16xi32> to vector<16x1xi32>
          %gather3A_690 = vector.shape_cast %broadcast_in_dim3A_689 : vector<16x1xi32> to vector<16xi32>
          %gather3A_691 = tpu.dynamic_gather %gather3A_677[%gather3A_690] in [0] : vector<16xi32>, vector<16xi32> -> vector<16xi32>
          %broadcast_in_dim3A_692 = vector.shape_cast %and3A_688 : vector<16xi32> to vector<16x1xi32>
          %gather3A_693 = vector.shape_cast %broadcast_in_dim3A_692 : vector<16x1xi32> to vector<16xi32>
          %gather3A_694 = tpu.dynamic_gather %gather3A_682[%gather3A_693] in [0] : vector<16xf32>, vector<16xi32> -> vector<16xf32>
          %eq3A_695 = arith.cmpi eq, %gather3A_691, %gather3A_677 : vector<16xi32>
          %select_n3A_696 = arith.select %eq3A_695, %gather3A_694, %gather3A_682 : vector<16xi1>, vector<16xf32>
          %add3A_697 = arith.constant 8 : i32
          %add3A_698 = vector.broadcast %add3A_697 : i32 to vector<16xi32>
          %add3A_699 = arith.addi %iota3A, %add3A_698 : vector<16xi32>
          %and3A_700 = arith.constant 15 : i32
          %and3A_701 = vector.broadcast %and3A_700 : i32 to vector<16xi32>
          %and3A_702 = arith.andi %add3A_699, %and3A_701 : vector<16xi32>
          %broadcast_in_dim3A_703 = vector.shape_cast %and3A_702 : vector<16xi32> to vector<16x1xi32>
          %gather3A_704 = vector.shape_cast %broadcast_in_dim3A_703 : vector<16x1xi32> to vector<16xi32>
          %gather3A_705 = tpu.dynamic_gather %gather3A_677[%gather3A_704] in [0] : vector<16xi32>, vector<16xi32> -> vector<16xi32>
          %broadcast_in_dim3A_706 = vector.shape_cast %and3A_702 : vector<16xi32> to vector<16x1xi32>
          %gather3A_707 = vector.shape_cast %broadcast_in_dim3A_706 : vector<16x1xi32> to vector<16xi32>
          %gather3A_708 = tpu.dynamic_gather %gather3A_682[%gather3A_707] in [0] : vector<16xf32>, vector<16xi32> -> vector<16xf32>
          %eq3A_709 = arith.cmpi eq, %gather3A_705, %gather3A_677 : vector<16xi32>
          %select_n3A_710 = arith.select %eq3A_709, %gather3A_708, %gather3A_682 : vector<16xi1>, vector<16xf32>
          %add3A_711 = arith.constant 12 : i32
          %add3A_712 = vector.broadcast %add3A_711 : i32 to vector<16xi32>
          %add3A_713 = arith.addi %iota3A, %add3A_712 : vector<16xi32>
          %and3A_714 = arith.constant 15 : i32
          %and3A_715 = vector.broadcast %and3A_714 : i32 to vector<16xi32>
          %and3A_716 = arith.andi %add3A_713, %and3A_715 : vector<16xi32>
          %broadcast_in_dim3A_717 = vector.shape_cast %and3A_716 : vector<16xi32> to vector<16x1xi32>
          %gather3A_718 = vector.shape_cast %broadcast_in_dim3A_717 : vector<16x1xi32> to vector<16xi32>
          %gather3A_719 = tpu.dynamic_gather %gather3A_677[%gather3A_718] in [0] : vector<16xi32>, vector<16xi32> -> vector<16xi32>
          %broadcast_in_dim3A_720 = vector.shape_cast %and3A_716 : vector<16xi32> to vector<16x1xi32>
          %gather3A_721 = vector.shape_cast %broadcast_in_dim3A_720 : vector<16x1xi32> to vector<16xi32>
          %gather3A_722 = tpu.dynamic_gather %gather3A_682[%gather3A_721] in [0] : vector<16xf32>, vector<16xi32> -> vector<16xf32>
          %eq3A_723 = arith.cmpi eq, %gather3A_719, %gather3A_677 : vector<16xi32>
          %select_n3A_724 = arith.select %eq3A_723, %gather3A_722, %gather3A_682 : vector<16xi1>, vector<16xf32>
          %max3A_725 = arith.maximumf %gather3A_682, %select_n3A_696 : vector<16xf32>
          %max3A_726 = arith.maximumf %select_n3A_710, %select_n3A_724 : vector<16xf32>
          %max3A_727 = arith.maximumf %max3A_725, %max3A_726 : vector<16xf32>
          %shift_left3A_728 = arith.constant 2 : i32
          %shift_left3A_729 = vector.broadcast %shift_left3A_728 : i32 to vector<16xi32>
          %shift_left3A_730 = arith.shli %gather3A_677, %shift_left3A_729 : vector<16xi32>
          %or3A_731 = arith.ori %shift_left3A_730, %and3A_2 : vector<16xi32>
          %gather3A_732 = tpu.vector_load_idx %arg8[%or3A_731] : memref<40000xf32, #tpu.memory_space<vmem>>[vector<16xi32>], vector<16xf32>,
          %max3A_733 = arith.maximumf %gather3A_732, %max3A_727 : vector<16xf32>
          tpu.vector_store_idx %arg8[%or3A_731], %max3A_733 : memref<40000xf32, #tpu.memory_space<vmem>>[vector<16xi32>], vector<16xf32>,
        } else {
        }
        scf.yield %select_n3A, %mul3A_96 : vector<16xf32>, i32
      }
      %scan3A_81 = arith.constant 125 : i32
      %reduce_max3A_82 = arith.constant true
      %reduce_max3A_83 = vector.broadcast %reduce_max3A_82 : i1 to vector<16xi1>
      %reduce_max3A_84 = tpu.scan <max>, %scan3A_80#0 masked %reduce_max3A_83 : vector<16xf32>, vector<16xi1> -> vector<16xf32>
      %reduce_max3A_85 = vector.extract %reduce_max3A_84[15] : f32 from vector<16xf32>
      %gt3A_86 = arith.constant 0.000000e+00 : f32
      %gt3A_87 = arith.cmpf ogt, %reduce_max3A_85, %gt3A_86 : f32
      %convert_element_type3A_88 = arith.extui %gt3A_87 : i1 to i32
      %cond3A_89 = arith.constant 0 : i32
      %cond3A_90 = arith.cmpi ne, %convert_element_type3A_88, %cond3A_89 : i32
      scf.if %cond3A_90 {
        %add3A_92 = arith.constant 0 : i32
        %add3A_93 = arith.addi %scan3A_80#1, %add3A_92 : i32
        %add3A_94 = vector.broadcast %add3A_93 : i32 to vector<16xi32>
        %add3A_95 = arith.addi %add3A_94, %shift_right_arithmetic3A_4 : vector<16xi32>
        %gather3A = tpu.vector_load_idx %arg11[%add3A_95] : memref<4000xi32, #tpu.memory_space<vmem>>[vector<16xi32>], vector<16xi32>,
        %gather3A_96 = tpu.vector_load_idx %arg12[%add3A_95] : memref<4000xi32, #tpu.memory_space<vmem>>[vector<16xi32>], vector<16xi32>,
        %shift_left3A = arith.constant 2 : i32
        %shift_left3A_97 = vector.broadcast %shift_left3A : i32 to vector<16xi32>
        %shift_left3A_98 = arith.shli %gather3A, %shift_left3A_97 : vector<16xi32>
        %or3A = arith.ori %shift_left3A_98, %and3A_2 : vector<16xi32>
        %gather3A_99 = tpu.vector_load_idx %arg7[%or3A] : memref<40000xf32, #tpu.memory_space<vmem>>[vector<16xi32>], vector<16xf32>,
        %add3A_100 = arith.constant 4 : i32
        %add3A_101 = vector.broadcast %add3A_100 : i32 to vector<16xi32>
        %add3A_102 = arith.addi %iota3A, %add3A_101 : vector<16xi32>
        %and3A_103 = arith.constant 15 : i32
        %and3A_104 = vector.broadcast %and3A_103 : i32 to vector<16xi32>
        %and3A_105 = arith.andi %add3A_102, %and3A_104 : vector<16xi32>
        %broadcast_in_dim3A_106 = vector.shape_cast %and3A_105 : vector<16xi32> to vector<16x1xi32>
        %gather3A_107 = vector.shape_cast %broadcast_in_dim3A_106 : vector<16x1xi32> to vector<16xi32>
        %gather3A_108 = tpu.dynamic_gather %gather3A_96[%gather3A_107] in [0] : vector<16xi32>, vector<16xi32> -> vector<16xi32>
        %broadcast_in_dim3A_109 = vector.shape_cast %and3A_105 : vector<16xi32> to vector<16x1xi32>
        %gather3A_110 = vector.shape_cast %broadcast_in_dim3A_109 : vector<16x1xi32> to vector<16xi32>
        %gather3A_111 = tpu.dynamic_gather %gather3A_99[%gather3A_110] in [0] : vector<16xf32>, vector<16xi32> -> vector<16xf32>
        %eq3A = arith.cmpi eq, %gather3A_108, %gather3A_96 : vector<16xi32>
        %select_n3A = arith.select %eq3A, %gather3A_111, %gather3A_99 : vector<16xi1>, vector<16xf32>
        %add3A_112 = arith.constant 8 : i32
        %add3A_113 = vector.broadcast %add3A_112 : i32 to vector<16xi32>
        %add3A_114 = arith.addi %iota3A, %add3A_113 : vector<16xi32>
        %and3A_115 = arith.constant 15 : i32
        %and3A_116 = vector.broadcast %and3A_115 : i32 to vector<16xi32>
        %and3A_117 = arith.andi %add3A_114, %and3A_116 : vector<16xi32>
        %broadcast_in_dim3A_118 = vector.shape_cast %and3A_117 : vector<16xi32> to vector<16x1xi32>
        %gather3A_119 = vector.shape_cast %broadcast_in_dim3A_118 : vector<16x1xi32> to vector<16xi32>
        %gather3A_120 = tpu.dynamic_gather %gather3A_96[%gather3A_119] in [0] : vector<16xi32>, vector<16xi32> -> vector<16xi32>
        %broadcast_in_dim3A_121 = vector.shape_cast %and3A_117 : vector<16xi32> to vector<16x1xi32>
        %gather3A_122 = vector.shape_cast %broadcast_in_dim3A_121 : vector<16x1xi32> to vector<16xi32>
        %gather3A_123 = tpu.dynamic_gather %gather3A_99[%gather3A_122] in [0] : vector<16xf32>, vector<16xi32> -> vector<16xf32>
        %eq3A_124 = arith.cmpi eq, %gather3A_120, %gather3A_96 : vector<16xi32>
        %select_n3A_125 = arith.select %eq3A_124, %gather3A_123, %gather3A_99 : vector<16xi1>, vector<16xf32>
        %add3A_126 = arith.constant 12 : i32
        %add3A_127 = vector.broadcast %add3A_126 : i32 to vector<16xi32>
        %add3A_128 = arith.addi %iota3A, %add3A_127 : vector<16xi32>
        %and3A_129 = arith.constant 15 : i32
        %and3A_130 = vector.broadcast %and3A_129 : i32 to vector<16xi32>
        %and3A_131 = arith.andi %add3A_128, %and3A_130 : vector<16xi32>
        %broadcast_in_dim3A_132 = vector.shape_cast %and3A_131 : vector<16xi32> to vector<16x1xi32>
        %gather3A_133 = vector.shape_cast %broadcast_in_dim3A_132 : vector<16x1xi32> to vector<16xi32>
        %gather3A_134 = tpu.dynamic_gather %gather3A_96[%gather3A_133] in [0] : vector<16xi32>, vector<16xi32> -> vector<16xi32>
        %broadcast_in_dim3A_135 = vector.shape_cast %and3A_131 : vector<16xi32> to vector<16x1xi32>
        %gather3A_136 = vector.shape_cast %broadcast_in_dim3A_135 : vector<16x1xi32> to vector<16xi32>
        %gather3A_137 = tpu.dynamic_gather %gather3A_99[%gather3A_136] in [0] : vector<16xf32>, vector<16xi32> -> vector<16xf32>
        %eq3A_138 = arith.cmpi eq, %gather3A_134, %gather3A_96 : vector<16xi32>
        %select_n3A_139 = arith.select %eq3A_138, %gather3A_137, %gather3A_99 : vector<16xi1>, vector<16xf32>
        %max3A = arith.maximumf %gather3A_99, %select_n3A : vector<16xf32>
        %max3A_140 = arith.maximumf %select_n3A_125, %select_n3A_139 : vector<16xf32>
        %max3A_141 = arith.maximumf %max3A, %max3A_140 : vector<16xf32>
        %shift_left3A_142 = arith.constant 2 : i32
        %shift_left3A_143 = vector.broadcast %shift_left3A_142 : i32 to vector<16xi32>
        %shift_left3A_144 = arith.shli %gather3A_96, %shift_left3A_143 : vector<16xi32>
        %or3A_145 = arith.ori %shift_left3A_144, %and3A_2 : vector<16xi32>
        %gather3A_146 = tpu.vector_load_idx %arg8[%or3A_145] : memref<40000xf32, #tpu.memory_space<vmem>>[vector<16xi32>], vector<16xf32>,
        %max3A_147 = arith.maximumf %gather3A_146, %max3A_141 : vector<16xf32>
        tpu.vector_store_idx %arg8[%or3A_145], %max3A_147 : memref<40000xf32, #tpu.memory_space<vmem>>[vector<16xi32>], vector<16xf32>,
        %add3A_148 = arith.constant 4 : i32
        %add3A_149 = arith.addi %scan3A_80#1, %add3A_148 : i32
        %add3A_150 = vector.broadcast %add3A_149 : i32 to vector<16xi32>
        %add3A_151 = arith.addi %add3A_150, %shift_right_arithmetic3A_4 : vector<16xi32>
        %gather3A_152 = tpu.vector_load_idx %arg11[%add3A_151] : memref<4000xi32, #tpu.memory_space<vmem>>[vector<16xi32>], vector<16xi32>,
        %gather3A_153 = tpu.vector_load_idx %arg12[%add3A_151] : memref<4000xi32, #tpu.memory_space<vmem>>[vector<16xi32>], vector<16xi32>,
        %shift_left3A_154 = arith.constant 2 : i32
        %shift_left3A_155 = vector.broadcast %shift_left3A_154 : i32 to vector<16xi32>
        %shift_left3A_156 = arith.shli %gather3A_152, %shift_left3A_155 : vector<16xi32>
        %or3A_157 = arith.ori %shift_left3A_156, %and3A_2 : vector<16xi32>
        %gather3A_158 = tpu.vector_load_idx %arg7[%or3A_157] : memref<40000xf32, #tpu.memory_space<vmem>>[vector<16xi32>], vector<16xf32>,
        %add3A_159 = arith.constant 4 : i32
        %add3A_160 = vector.broadcast %add3A_159 : i32 to vector<16xi32>
        %add3A_161 = arith.addi %iota3A, %add3A_160 : vector<16xi32>
        %and3A_162 = arith.constant 15 : i32
        %and3A_163 = vector.broadcast %and3A_162 : i32 to vector<16xi32>
        %and3A_164 = arith.andi %add3A_161, %and3A_163 : vector<16xi32>
        %broadcast_in_dim3A_165 = vector.shape_cast %and3A_164 : vector<16xi32> to vector<16x1xi32>
        %gather3A_166 = vector.shape_cast %broadcast_in_dim3A_165 : vector<16x1xi32> to vector<16xi32>
        %gather3A_167 = tpu.dynamic_gather %gather3A_153[%gather3A_166] in [0] : vector<16xi32>, vector<16xi32> -> vector<16xi32>
        %broadcast_in_dim3A_168 = vector.shape_cast %and3A_164 : vector<16xi32> to vector<16x1xi32>
        %gather3A_169 = vector.shape_cast %broadcast_in_dim3A_168 : vector<16x1xi32> to vector<16xi32>
        %gather3A_170 = tpu.dynamic_gather %gather3A_158[%gather3A_169] in [0] : vector<16xf32>, vector<16xi32> -> vector<16xf32>
        %eq3A_171 = arith.cmpi eq, %gather3A_167, %gather3A_153 : vector<16xi32>
        %select_n3A_172 = arith.select %eq3A_171, %gather3A_170, %gather3A_158 : vector<16xi1>, vector<16xf32>
        %add3A_173 = arith.constant 8 : i32
        %add3A_174 = vector.broadcast %add3A_173 : i32 to vector<16xi32>
        %add3A_175 = arith.addi %iota3A, %add3A_174 : vector<16xi32>
        %and3A_176 = arith.constant 15 : i32
        %and3A_177 = vector.broadcast %and3A_176 : i32 to vector<16xi32>
        %and3A_178 = arith.andi %add3A_175, %and3A_177 : vector<16xi32>
        %broadcast_in_dim3A_179 = vector.shape_cast %and3A_178 : vector<16xi32> to vector<16x1xi32>
        %gather3A_180 = vector.shape_cast %broadcast_in_dim3A_179 : vector<16x1xi32> to vector<16xi32>
        %gather3A_181 = tpu.dynamic_gather %gather3A_153[%gather3A_180] in [0] : vector<16xi32>, vector<16xi32> -> vector<16xi32>
        %broadcast_in_dim3A_182 = vector.shape_cast %and3A_178 : vector<16xi32> to vector<16x1xi32>
        %gather3A_183 = vector.shape_cast %broadcast_in_dim3A_182 : vector<16x1xi32> to vector<16xi32>
        %gather3A_184 = tpu.dynamic_gather %gather3A_158[%gather3A_183] in [0] : vector<16xf32>, vector<16xi32> -> vector<16xf32>
        %eq3A_185 = arith.cmpi eq, %gather3A_181, %gather3A_153 : vector<16xi32>
        %select_n3A_186 = arith.select %eq3A_185, %gather3A_184, %gather3A_158 : vector<16xi1>, vector<16xf32>
        %add3A_187 = arith.constant 12 : i32
        %add3A_188 = vector.broadcast %add3A_187 : i32 to vector<16xi32>
        %add3A_189 = arith.addi %iota3A, %add3A_188 : vector<16xi32>
        %and3A_190 = arith.constant 15 : i32
        %and3A_191 = vector.broadcast %and3A_190 : i32 to vector<16xi32>
        %and3A_192 = arith.andi %add3A_189, %and3A_191 : vector<16xi32>
        %broadcast_in_dim3A_193 = vector.shape_cast %and3A_192 : vector<16xi32> to vector<16x1xi32>
        %gather3A_194 = vector.shape_cast %broadcast_in_dim3A_193 : vector<16x1xi32> to vector<16xi32>
        %gather3A_195 = tpu.dynamic_gather %gather3A_153[%gather3A_194] in [0] : vector<16xi32>, vector<16xi32> -> vector<16xi32>
        %broadcast_in_dim3A_196 = vector.shape_cast %and3A_192 : vector<16xi32> to vector<16x1xi32>
        %gather3A_197 = vector.shape_cast %broadcast_in_dim3A_196 : vector<16x1xi32> to vector<16xi32>
        %gather3A_198 = tpu.dynamic_gather %gather3A_158[%gather3A_197] in [0] : vector<16xf32>, vector<16xi32> -> vector<16xf32>
        %eq3A_199 = arith.cmpi eq, %gather3A_195, %gather3A_153 : vector<16xi32>
        %select_n3A_200 = arith.select %eq3A_199, %gather3A_198, %gather3A_158 : vector<16xi1>, vector<16xf32>
        %max3A_201 = arith.maximumf %gather3A_158, %select_n3A_172 : vector<16xf32>
        %max3A_202 = arith.maximumf %select_n3A_186, %select_n3A_200 : vector<16xf32>
        %max3A_203 = arith.maximumf %max3A_201, %max3A_202 : vector<16xf32>
        %shift_left3A_204 = arith.constant 2 : i32
        %shift_left3A_205 = vector.broadcast %shift_left3A_204 : i32 to vector<16xi32>
        %shift_left3A_206 = arith.shli %gather3A_153, %shift_left3A_205 : vector<16xi32>
        %or3A_207 = arith.ori %shift_left3A_206, %and3A_2 : vector<16xi32>
        %gather3A_208 = tpu.vector_load_idx %arg8[%or3A_207] : memref<40000xf32, #tpu.memory_space<vmem>>[vector<16xi32>], vector<16xf32>,
        %max3A_209 = arith.maximumf %gather3A_208, %max3A_203 : vector<16xf32>
        tpu.vector_store_idx %arg8[%or3A_207], %max3A_209 : memref<40000xf32, #tpu.memory_space<vmem>>[vector<16xi32>], vector<16xf32>,
        %add3A_210 = arith.constant 8 : i32
        %add3A_211 = arith.addi %scan3A_80#1, %add3A_210 : i32
        %add3A_212 = vector.broadcast %add3A_211 : i32 to vector<16xi32>
        %add3A_213 = arith.addi %add3A_212, %shift_right_arithmetic3A_4 : vector<16xi32>
        %gather3A_214 = tpu.vector_load_idx %arg11[%add3A_213] : memref<4000xi32, #tpu.memory_space<vmem>>[vector<16xi32>], vector<16xi32>,
        %gather3A_215 = tpu.vector_load_idx %arg12[%add3A_213] : memref<4000xi32, #tpu.memory_space<vmem>>[vector<16xi32>], vector<16xi32>,
        %shift_left3A_216 = arith.constant 2 : i32
        %shift_left3A_217 = vector.broadcast %shift_left3A_216 : i32 to vector<16xi32>
        %shift_left3A_218 = arith.shli %gather3A_214, %shift_left3A_217 : vector<16xi32>
        %or3A_219 = arith.ori %shift_left3A_218, %and3A_2 : vector<16xi32>
        %gather3A_220 = tpu.vector_load_idx %arg7[%or3A_219] : memref<40000xf32, #tpu.memory_space<vmem>>[vector<16xi32>], vector<16xf32>,
        %add3A_221 = arith.constant 4 : i32
        %add3A_222 = vector.broadcast %add3A_221 : i32 to vector<16xi32>
        %add3A_223 = arith.addi %iota3A, %add3A_222 : vector<16xi32>
        %and3A_224 = arith.constant 15 : i32
        %and3A_225 = vector.broadcast %and3A_224 : i32 to vector<16xi32>
        %and3A_226 = arith.andi %add3A_223, %and3A_225 : vector<16xi32>
        %broadcast_in_dim3A_227 = vector.shape_cast %and3A_226 : vector<16xi32> to vector<16x1xi32>
        %gather3A_228 = vector.shape_cast %broadcast_in_dim3A_227 : vector<16x1xi32> to vector<16xi32>
        %gather3A_229 = tpu.dynamic_gather %gather3A_215[%gather3A_228] in [0] : vector<16xi32>, vector<16xi32> -> vector<16xi32>
        %broadcast_in_dim3A_230 = vector.shape_cast %and3A_226 : vector<16xi32> to vector<16x1xi32>
        %gather3A_231 = vector.shape_cast %broadcast_in_dim3A_230 : vector<16x1xi32> to vector<16xi32>
        %gather3A_232 = tpu.dynamic_gather %gather3A_220[%gather3A_231] in [0] : vector<16xf32>, vector<16xi32> -> vector<16xf32>
        %eq3A_233 = arith.cmpi eq, %gather3A_229, %gather3A_215 : vector<16xi32>
        %select_n3A_234 = arith.select %eq3A_233, %gather3A_232, %gather3A_220 : vector<16xi1>, vector<16xf32>
        %add3A_235 = arith.constant 8 : i32
        %add3A_236 = vector.broadcast %add3A_235 : i32 to vector<16xi32>
        %add3A_237 = arith.addi %iota3A, %add3A_236 : vector<16xi32>
        %and3A_238 = arith.constant 15 : i32
        %and3A_239 = vector.broadcast %and3A_238 : i32 to vector<16xi32>
        %and3A_240 = arith.andi %add3A_237, %and3A_239 : vector<16xi32>
        %broadcast_in_dim3A_241 = vector.shape_cast %and3A_240 : vector<16xi32> to vector<16x1xi32>
        %gather3A_242 = vector.shape_cast %broadcast_in_dim3A_241 : vector<16x1xi32> to vector<16xi32>
        %gather3A_243 = tpu.dynamic_gather %gather3A_215[%gather3A_242] in [0] : vector<16xi32>, vector<16xi32> -> vector<16xi32>
        %broadcast_in_dim3A_244 = vector.shape_cast %and3A_240 : vector<16xi32> to vector<16x1xi32>
        %gather3A_245 = vector.shape_cast %broadcast_in_dim3A_244 : vector<16x1xi32> to vector<16xi32>
        %gather3A_246 = tpu.dynamic_gather %gather3A_220[%gather3A_245] in [0] : vector<16xf32>, vector<16xi32> -> vector<16xf32>
        %eq3A_247 = arith.cmpi eq, %gather3A_243, %gather3A_215 : vector<16xi32>
        %select_n3A_248 = arith.select %eq3A_247, %gather3A_246, %gather3A_220 : vector<16xi1>, vector<16xf32>
        %add3A_249 = arith.constant 12 : i32
        %add3A_250 = vector.broadcast %add3A_249 : i32 to vector<16xi32>
        %add3A_251 = arith.addi %iota3A, %add3A_250 : vector<16xi32>
        %and3A_252 = arith.constant 15 : i32
        %and3A_253 = vector.broadcast %and3A_252 : i32 to vector<16xi32>
        %and3A_254 = arith.andi %add3A_251, %and3A_253 : vector<16xi32>
        %broadcast_in_dim3A_255 = vector.shape_cast %and3A_254 : vector<16xi32> to vector<16x1xi32>
        %gather3A_256 = vector.shape_cast %broadcast_in_dim3A_255 : vector<16x1xi32> to vector<16xi32>
        %gather3A_257 = tpu.dynamic_gather %gather3A_215[%gather3A_256] in [0] : vector<16xi32>, vector<16xi32> -> vector<16xi32>
        %broadcast_in_dim3A_258 = vector.shape_cast %and3A_254 : vector<16xi32> to vector<16x1xi32>
        %gather3A_259 = vector.shape_cast %broadcast_in_dim3A_258 : vector<16x1xi32> to vector<16xi32>
        %gather3A_260 = tpu.dynamic_gather %gather3A_220[%gather3A_259] in [0] : vector<16xf32>, vector<16xi32> -> vector<16xf32>
        %eq3A_261 = arith.cmpi eq, %gather3A_257, %gather3A_215 : vector<16xi32>
        %select_n3A_262 = arith.select %eq3A_261, %gather3A_260, %gather3A_220 : vector<16xi1>, vector<16xf32>
        %max3A_263 = arith.maximumf %gather3A_220, %select_n3A_234 : vector<16xf32>
        %max3A_264 = arith.maximumf %select_n3A_248, %select_n3A_262 : vector<16xf32>
        %max3A_265 = arith.maximumf %max3A_263, %max3A_264 : vector<16xf32>
        %shift_left3A_266 = arith.constant 2 : i32
        %shift_left3A_267 = vector.broadcast %shift_left3A_266 : i32 to vector<16xi32>
        %shift_left3A_268 = arith.shli %gather3A_215, %shift_left3A_267 : vector<16xi32>
        %or3A_269 = arith.ori %shift_left3A_268, %and3A_2 : vector<16xi32>
        %gather3A_270 = tpu.vector_load_idx %arg8[%or3A_269] : memref<40000xf32, #tpu.memory_space<vmem>>[vector<16xi32>], vector<16xf32>,
        %max3A_271 = arith.maximumf %gather3A_270, %max3A_265 : vector<16xf32>
        tpu.vector_store_idx %arg8[%or3A_269], %max3A_271 : memref<40000xf32, #tpu.memory_space<vmem>>[vector<16xi32>], vector<16xf32>,
        %add3A_272 = arith.constant 12 : i32
        %add3A_273 = arith.addi %scan3A_80#1, %add3A_272 : i32
        %add3A_274 = vector.broadcast %add3A_273 : i32 to vector<16xi32>
        %add3A_275 = arith.addi %add3A_274, %shift_right_arithmetic3A_4 : vector<16xi32>
        %gather3A_276 = tpu.vector_load_idx %arg11[%add3A_275] : memref<4000xi32, #tpu.memory_space<vmem>>[vector<16xi32>], vector<16xi32>,
        %gather3A_277 = tpu.vector_load_idx %arg12[%add3A_275] : memref<4000xi32, #tpu.memory_space<vmem>>[vector<16xi32>], vector<16xi32>,
        %shift_left3A_278 = arith.constant 2 : i32
        %shift_left3A_279 = vector.broadcast %shift_left3A_278 : i32 to vector<16xi32>
        %shift_left3A_280 = arith.shli %gather3A_276, %shift_left3A_279 : vector<16xi32>
        %or3A_281 = arith.ori %shift_left3A_280, %and3A_2 : vector<16xi32>
        %gather3A_282 = tpu.vector_load_idx %arg7[%or3A_281] : memref<40000xf32, #tpu.memory_space<vmem>>[vector<16xi32>], vector<16xf32>,
        %add3A_283 = arith.constant 4 : i32
        %add3A_284 = vector.broadcast %add3A_283 : i32 to vector<16xi32>
        %add3A_285 = arith.addi %iota3A, %add3A_284 : vector<16xi32>
        %and3A_286 = arith.constant 15 : i32
        %and3A_287 = vector.broadcast %and3A_286 : i32 to vector<16xi32>
        %and3A_288 = arith.andi %add3A_285, %and3A_287 : vector<16xi32>
        %broadcast_in_dim3A_289 = vector.shape_cast %and3A_288 : vector<16xi32> to vector<16x1xi32>
        %gather3A_290 = vector.shape_cast %broadcast_in_dim3A_289 : vector<16x1xi32> to vector<16xi32>
        %gather3A_291 = tpu.dynamic_gather %gather3A_277[%gather3A_290] in [0] : vector<16xi32>, vector<16xi32> -> vector<16xi32>
        %broadcast_in_dim3A_292 = vector.shape_cast %and3A_288 : vector<16xi32> to vector<16x1xi32>
        %gather3A_293 = vector.shape_cast %broadcast_in_dim3A_292 : vector<16x1xi32> to vector<16xi32>
        %gather3A_294 = tpu.dynamic_gather %gather3A_282[%gather3A_293] in [0] : vector<16xf32>, vector<16xi32> -> vector<16xf32>
        %eq3A_295 = arith.cmpi eq, %gather3A_291, %gather3A_277 : vector<16xi32>
        %select_n3A_296 = arith.select %eq3A_295, %gather3A_294, %gather3A_282 : vector<16xi1>, vector<16xf32>
        %add3A_297 = arith.constant 8 : i32
        %add3A_298 = vector.broadcast %add3A_297 : i32 to vector<16xi32>
        %add3A_299 = arith.addi %iota3A, %add3A_298 : vector<16xi32>
        %and3A_300 = arith.constant 15 : i32
        %and3A_301 = vector.broadcast %and3A_300 : i32 to vector<16xi32>
        %and3A_302 = arith.andi %add3A_299, %and3A_301 : vector<16xi32>
        %broadcast_in_dim3A_303 = vector.shape_cast %and3A_302 : vector<16xi32> to vector<16x1xi32>
        %gather3A_304 = vector.shape_cast %broadcast_in_dim3A_303 : vector<16x1xi32> to vector<16xi32>
        %gather3A_305 = tpu.dynamic_gather %gather3A_277[%gather3A_304] in [0] : vector<16xi32>, vector<16xi32> -> vector<16xi32>
        %broadcast_in_dim3A_306 = vector.shape_cast %and3A_302 : vector<16xi32> to vector<16x1xi32>
        %gather3A_307 = vector.shape_cast %broadcast_in_dim3A_306 : vector<16x1xi32> to vector<16xi32>
        %gather3A_308 = tpu.dynamic_gather %gather3A_282[%gather3A_307] in [0] : vector<16xf32>, vector<16xi32> -> vector<16xf32>
        %eq3A_309 = arith.cmpi eq, %gather3A_305, %gather3A_277 : vector<16xi32>
        %select_n3A_310 = arith.select %eq3A_309, %gather3A_308, %gather3A_282 : vector<16xi1>, vector<16xf32>
        %add3A_311 = arith.constant 12 : i32
        %add3A_312 = vector.broadcast %add3A_311 : i32 to vector<16xi32>
        %add3A_313 = arith.addi %iota3A, %add3A_312 : vector<16xi32>
        %and3A_314 = arith.constant 15 : i32
        %and3A_315 = vector.broadcast %and3A_314 : i32 to vector<16xi32>
        %and3A_316 = arith.andi %add3A_313, %and3A_315 : vector<16xi32>
        %broadcast_in_dim3A_317 = vector.shape_cast %and3A_316 : vector<16xi32> to vector<16x1xi32>
        %gather3A_318 = vector.shape_cast %broadcast_in_dim3A_317 : vector<16x1xi32> to vector<16xi32>
        %gather3A_319 = tpu.dynamic_gather %gather3A_277[%gather3A_318] in [0] : vector<16xi32>, vector<16xi32> -> vector<16xi32>
        %broadcast_in_dim3A_320 = vector.shape_cast %and3A_316 : vector<16xi32> to vector<16x1xi32>
        %gather3A_321 = vector.shape_cast %broadcast_in_dim3A_320 : vector<16x1xi32> to vector<16xi32>
        %gather3A_322 = tpu.dynamic_gather %gather3A_282[%gather3A_321] in [0] : vector<16xf32>, vector<16xi32> -> vector<16xf32>
        %eq3A_323 = arith.cmpi eq, %gather3A_319, %gather3A_277 : vector<16xi32>
        %select_n3A_324 = arith.select %eq3A_323, %gather3A_322, %gather3A_282 : vector<16xi1>, vector<16xf32>
        %max3A_325 = arith.maximumf %gather3A_282, %select_n3A_296 : vector<16xf32>
        %max3A_326 = arith.maximumf %select_n3A_310, %select_n3A_324 : vector<16xf32>
        %max3A_327 = arith.maximumf %max3A_325, %max3A_326 : vector<16xf32>
        %shift_left3A_328 = arith.constant 2 : i32
        %shift_left3A_329 = vector.broadcast %shift_left3A_328 : i32 to vector<16xi32>
        %shift_left3A_330 = arith.shli %gather3A_277, %shift_left3A_329 : vector<16xi32>
        %or3A_331 = arith.ori %shift_left3A_330, %and3A_2 : vector<16xi32>
        %gather3A_332 = tpu.vector_load_idx %arg8[%or3A_331] : memref<40000xf32, #tpu.memory_space<vmem>>[vector<16xi32>], vector<16xf32>,
        %max3A_333 = arith.maximumf %gather3A_332, %max3A_327 : vector<16xf32>
        tpu.vector_store_idx %arg8[%or3A_331], %max3A_333 : memref<40000xf32, #tpu.memory_space<vmem>>[vector<16xi32>], vector<16xf32>,
        %add3A_334 = arith.constant 16 : i32
        %add3A_335 = arith.addi %scan3A_80#1, %add3A_334 : i32
        %add3A_336 = vector.broadcast %add3A_335 : i32 to vector<16xi32>
        %add3A_337 = arith.addi %add3A_336, %shift_right_arithmetic3A_4 : vector<16xi32>
        %gather3A_338 = tpu.vector_load_idx %arg11[%add3A_337] : memref<4000xi32, #tpu.memory_space<vmem>>[vector<16xi32>], vector<16xi32>,
        %gather3A_339 = tpu.vector_load_idx %arg12[%add3A_337] : memref<4000xi32, #tpu.memory_space<vmem>>[vector<16xi32>], vector<16xi32>,
        %shift_left3A_340 = arith.constant 2 : i32
        %shift_left3A_341 = vector.broadcast %shift_left3A_340 : i32 to vector<16xi32>
        %shift_left3A_342 = arith.shli %gather3A_338, %shift_left3A_341 : vector<16xi32>
        %or3A_343 = arith.ori %shift_left3A_342, %and3A_2 : vector<16xi32>
        %gather3A_344 = tpu.vector_load_idx %arg7[%or3A_343] : memref<40000xf32, #tpu.memory_space<vmem>>[vector<16xi32>], vector<16xf32>,
        %add3A_345 = arith.constant 4 : i32
        %add3A_346 = vector.broadcast %add3A_345 : i32 to vector<16xi32>
        %add3A_347 = arith.addi %iota3A, %add3A_346 : vector<16xi32>
        %and3A_348 = arith.constant 15 : i32
        %and3A_349 = vector.broadcast %and3A_348 : i32 to vector<16xi32>
        %and3A_350 = arith.andi %add3A_347, %and3A_349 : vector<16xi32>
        %broadcast_in_dim3A_351 = vector.shape_cast %and3A_350 : vector<16xi32> to vector<16x1xi32>
        %gather3A_352 = vector.shape_cast %broadcast_in_dim3A_351 : vector<16x1xi32> to vector<16xi32>
        %gather3A_353 = tpu.dynamic_gather %gather3A_339[%gather3A_352] in [0] : vector<16xi32>, vector<16xi32> -> vector<16xi32>
        %broadcast_in_dim3A_354 = vector.shape_cast %and3A_350 : vector<16xi32> to vector<16x1xi32>
        %gather3A_355 = vector.shape_cast %broadcast_in_dim3A_354 : vector<16x1xi32> to vector<16xi32>
        %gather3A_356 = tpu.dynamic_gather %gather3A_344[%gather3A_355] in [0] : vector<16xf32>, vector<16xi32> -> vector<16xf32>
        %eq3A_357 = arith.cmpi eq, %gather3A_353, %gather3A_339 : vector<16xi32>
        %select_n3A_358 = arith.select %eq3A_357, %gather3A_356, %gather3A_344 : vector<16xi1>, vector<16xf32>
        %add3A_359 = arith.constant 8 : i32
        %add3A_360 = vector.broadcast %add3A_359 : i32 to vector<16xi32>
        %add3A_361 = arith.addi %iota3A, %add3A_360 : vector<16xi32>
        %and3A_362 = arith.constant 15 : i32
        %and3A_363 = vector.broadcast %and3A_362 : i32 to vector<16xi32>
        %and3A_364 = arith.andi %add3A_361, %and3A_363 : vector<16xi32>
        %broadcast_in_dim3A_365 = vector.shape_cast %and3A_364 : vector<16xi32> to vector<16x1xi32>
        %gather3A_366 = vector.shape_cast %broadcast_in_dim3A_365 : vector<16x1xi32> to vector<16xi32>
        %gather3A_367 = tpu.dynamic_gather %gather3A_339[%gather3A_366] in [0] : vector<16xi32>, vector<16xi32> -> vector<16xi32>
        %broadcast_in_dim3A_368 = vector.shape_cast %and3A_364 : vector<16xi32> to vector<16x1xi32>
        %gather3A_369 = vector.shape_cast %broadcast_in_dim3A_368 : vector<16x1xi32> to vector<16xi32>
        %gather3A_370 = tpu.dynamic_gather %gather3A_344[%gather3A_369] in [0] : vector<16xf32>, vector<16xi32> -> vector<16xf32>
        %eq3A_371 = arith.cmpi eq, %gather3A_367, %gather3A_339 : vector<16xi32>
        %select_n3A_372 = arith.select %eq3A_371, %gather3A_370, %gather3A_344 : vector<16xi1>, vector<16xf32>
        %add3A_373 = arith.constant 12 : i32
        %add3A_374 = vector.broadcast %add3A_373 : i32 to vector<16xi32>
        %add3A_375 = arith.addi %iota3A, %add3A_374 : vector<16xi32>
        %and3A_376 = arith.constant 15 : i32
        %and3A_377 = vector.broadcast %and3A_376 : i32 to vector<16xi32>
        %and3A_378 = arith.andi %add3A_375, %and3A_377 : vector<16xi32>
        %broadcast_in_dim3A_379 = vector.shape_cast %and3A_378 : vector<16xi32> to vector<16x1xi32>
        %gather3A_380 = vector.shape_cast %broadcast_in_dim3A_379 : vector<16x1xi32> to vector<16xi32>
        %gather3A_381 = tpu.dynamic_gather %gather3A_339[%gather3A_380] in [0] : vector<16xi32>, vector<16xi32> -> vector<16xi32>
        %broadcast_in_dim3A_382 = vector.shape_cast %and3A_378 : vector<16xi32> to vector<16x1xi32>
        %gather3A_383 = vector.shape_cast %broadcast_in_dim3A_382 : vector<16x1xi32> to vector<16xi32>
        %gather3A_384 = tpu.dynamic_gather %gather3A_344[%gather3A_383] in [0] : vector<16xf32>, vector<16xi32> -> vector<16xf32>
        %eq3A_385 = arith.cmpi eq, %gather3A_381, %gather3A_339 : vector<16xi32>
        %select_n3A_386 = arith.select %eq3A_385, %gather3A_384, %gather3A_344 : vector<16xi1>, vector<16xf32>
        %max3A_387 = arith.maximumf %gather3A_344, %select_n3A_358 : vector<16xf32>
        %max3A_388 = arith.maximumf %select_n3A_372, %select_n3A_386 : vector<16xf32>
        %max3A_389 = arith.maximumf %max3A_387, %max3A_388 : vector<16xf32>
        %shift_left3A_390 = arith.constant 2 : i32
        %shift_left3A_391 = vector.broadcast %shift_left3A_390 : i32 to vector<16xi32>
        %shift_left3A_392 = arith.shli %gather3A_339, %shift_left3A_391 : vector<16xi32>
        %or3A_393 = arith.ori %shift_left3A_392, %and3A_2 : vector<16xi32>
        %gather3A_394 = tpu.vector_load_idx %arg8[%or3A_393] : memref<40000xf32, #tpu.memory_space<vmem>>[vector<16xi32>], vector<16xf32>,
        %max3A_395 = arith.maximumf %gather3A_394, %max3A_389 : vector<16xf32>
        tpu.vector_store_idx %arg8[%or3A_393], %max3A_395 : memref<40000xf32, #tpu.memory_space<vmem>>[vector<16xi32>], vector<16xf32>,
        %add3A_396 = arith.constant 20 : i32
        %add3A_397 = arith.addi %scan3A_80#1, %add3A_396 : i32
        %add3A_398 = vector.broadcast %add3A_397 : i32 to vector<16xi32>
        %add3A_399 = arith.addi %add3A_398, %shift_right_arithmetic3A_4 : vector<16xi32>
        %gather3A_400 = tpu.vector_load_idx %arg11[%add3A_399] : memref<4000xi32, #tpu.memory_space<vmem>>[vector<16xi32>], vector<16xi32>,
        %gather3A_401 = tpu.vector_load_idx %arg12[%add3A_399] : memref<4000xi32, #tpu.memory_space<vmem>>[vector<16xi32>], vector<16xi32>,
        %shift_left3A_402 = arith.constant 2 : i32
        %shift_left3A_403 = vector.broadcast %shift_left3A_402 : i32 to vector<16xi32>
        %shift_left3A_404 = arith.shli %gather3A_400, %shift_left3A_403 : vector<16xi32>
        %or3A_405 = arith.ori %shift_left3A_404, %and3A_2 : vector<16xi32>
        %gather3A_406 = tpu.vector_load_idx %arg7[%or3A_405] : memref<40000xf32, #tpu.memory_space<vmem>>[vector<16xi32>], vector<16xf32>,
        %add3A_407 = arith.constant 4 : i32
        %add3A_408 = vector.broadcast %add3A_407 : i32 to vector<16xi32>
        %add3A_409 = arith.addi %iota3A, %add3A_408 : vector<16xi32>
        %and3A_410 = arith.constant 15 : i32
        %and3A_411 = vector.broadcast %and3A_410 : i32 to vector<16xi32>
        %and3A_412 = arith.andi %add3A_409, %and3A_411 : vector<16xi32>
        %broadcast_in_dim3A_413 = vector.shape_cast %and3A_412 : vector<16xi32> to vector<16x1xi32>
        %gather3A_414 = vector.shape_cast %broadcast_in_dim3A_413 : vector<16x1xi32> to vector<16xi32>
        %gather3A_415 = tpu.dynamic_gather %gather3A_401[%gather3A_414] in [0] : vector<16xi32>, vector<16xi32> -> vector<16xi32>
        %broadcast_in_dim3A_416 = vector.shape_cast %and3A_412 : vector<16xi32> to vector<16x1xi32>
        %gather3A_417 = vector.shape_cast %broadcast_in_dim3A_416 : vector<16x1xi32> to vector<16xi32>
        %gather3A_418 = tpu.dynamic_gather %gather3A_406[%gather3A_417] in [0] : vector<16xf32>, vector<16xi32> -> vector<16xf32>
        %eq3A_419 = arith.cmpi eq, %gather3A_415, %gather3A_401 : vector<16xi32>
        %select_n3A_420 = arith.select %eq3A_419, %gather3A_418, %gather3A_406 : vector<16xi1>, vector<16xf32>
        %add3A_421 = arith.constant 8 : i32
        %add3A_422 = vector.broadcast %add3A_421 : i32 to vector<16xi32>
        %add3A_423 = arith.addi %iota3A, %add3A_422 : vector<16xi32>
        %and3A_424 = arith.constant 15 : i32
        %and3A_425 = vector.broadcast %and3A_424 : i32 to vector<16xi32>
        %and3A_426 = arith.andi %add3A_423, %and3A_425 : vector<16xi32>
        %broadcast_in_dim3A_427 = vector.shape_cast %and3A_426 : vector<16xi32> to vector<16x1xi32>
        %gather3A_428 = vector.shape_cast %broadcast_in_dim3A_427 : vector<16x1xi32> to vector<16xi32>
        %gather3A_429 = tpu.dynamic_gather %gather3A_401[%gather3A_428] in [0] : vector<16xi32>, vector<16xi32> -> vector<16xi32>
        %broadcast_in_dim3A_430 = vector.shape_cast %and3A_426 : vector<16xi32> to vector<16x1xi32>
        %gather3A_431 = vector.shape_cast %broadcast_in_dim3A_430 : vector<16x1xi32> to vector<16xi32>
        %gather3A_432 = tpu.dynamic_gather %gather3A_406[%gather3A_431] in [0] : vector<16xf32>, vector<16xi32> -> vector<16xf32>
        %eq3A_433 = arith.cmpi eq, %gather3A_429, %gather3A_401 : vector<16xi32>
        %select_n3A_434 = arith.select %eq3A_433, %gather3A_432, %gather3A_406 : vector<16xi1>, vector<16xf32>
        %add3A_435 = arith.constant 12 : i32
        %add3A_436 = vector.broadcast %add3A_435 : i32 to vector<16xi32>
        %add3A_437 = arith.addi %iota3A, %add3A_436 : vector<16xi32>
        %and3A_438 = arith.constant 15 : i32
        %and3A_439 = vector.broadcast %and3A_438 : i32 to vector<16xi32>
        %and3A_440 = arith.andi %add3A_437, %and3A_439 : vector<16xi32>
        %broadcast_in_dim3A_441 = vector.shape_cast %and3A_440 : vector<16xi32> to vector<16x1xi32>
        %gather3A_442 = vector.shape_cast %broadcast_in_dim3A_441 : vector<16x1xi32> to vector<16xi32>
        %gather3A_443 = tpu.dynamic_gather %gather3A_401[%gather3A_442] in [0] : vector<16xi32>, vector<16xi32> -> vector<16xi32>
        %broadcast_in_dim3A_444 = vector.shape_cast %and3A_440 : vector<16xi32> to vector<16x1xi32>
        %gather3A_445 = vector.shape_cast %broadcast_in_dim3A_444 : vector<16x1xi32> to vector<16xi32>
        %gather3A_446 = tpu.dynamic_gather %gather3A_406[%gather3A_445] in [0] : vector<16xf32>, vector<16xi32> -> vector<16xf32>
        %eq3A_447 = arith.cmpi eq, %gather3A_443, %gather3A_401 : vector<16xi32>
        %select_n3A_448 = arith.select %eq3A_447, %gather3A_446, %gather3A_406 : vector<16xi1>, vector<16xf32>
        %max3A_449 = arith.maximumf %gather3A_406, %select_n3A_420 : vector<16xf32>
        %max3A_450 = arith.maximumf %select_n3A_434, %select_n3A_448 : vector<16xf32>
        %max3A_451 = arith.maximumf %max3A_449, %max3A_450 : vector<16xf32>
        %shift_left3A_452 = arith.constant 2 : i32
        %shift_left3A_453 = vector.broadcast %shift_left3A_452 : i32 to vector<16xi32>
        %shift_left3A_454 = arith.shli %gather3A_401, %shift_left3A_453 : vector<16xi32>
        %or3A_455 = arith.ori %shift_left3A_454, %and3A_2 : vector<16xi32>
        %gather3A_456 = tpu.vector_load_idx %arg8[%or3A_455] : memref<40000xf32, #tpu.memory_space<vmem>>[vector<16xi32>], vector<16xf32>,
        %max3A_457 = arith.maximumf %gather3A_456, %max3A_451 : vector<16xf32>
        tpu.vector_store_idx %arg8[%or3A_455], %max3A_457 : memref<40000xf32, #tpu.memory_space<vmem>>[vector<16xi32>], vector<16xf32>,
        %add3A_458 = arith.constant 24 : i32
        %add3A_459 = arith.addi %scan3A_80#1, %add3A_458 : i32
        %add3A_460 = vector.broadcast %add3A_459 : i32 to vector<16xi32>
        %add3A_461 = arith.addi %add3A_460, %shift_right_arithmetic3A_4 : vector<16xi32>
        %gather3A_462 = tpu.vector_load_idx %arg11[%add3A_461] : memref<4000xi32, #tpu.memory_space<vmem>>[vector<16xi32>], vector<16xi32>,
        %gather3A_463 = tpu.vector_load_idx %arg12[%add3A_461] : memref<4000xi32, #tpu.memory_space<vmem>>[vector<16xi32>], vector<16xi32>,
        %shift_left3A_464 = arith.constant 2 : i32
        %shift_left3A_465 = vector.broadcast %shift_left3A_464 : i32 to vector<16xi32>
        %shift_left3A_466 = arith.shli %gather3A_462, %shift_left3A_465 : vector<16xi32>
        %or3A_467 = arith.ori %shift_left3A_466, %and3A_2 : vector<16xi32>
        %gather3A_468 = tpu.vector_load_idx %arg7[%or3A_467] : memref<40000xf32, #tpu.memory_space<vmem>>[vector<16xi32>], vector<16xf32>,
        %add3A_469 = arith.constant 4 : i32
        %add3A_470 = vector.broadcast %add3A_469 : i32 to vector<16xi32>
        %add3A_471 = arith.addi %iota3A, %add3A_470 : vector<16xi32>
        %and3A_472 = arith.constant 15 : i32
        %and3A_473 = vector.broadcast %and3A_472 : i32 to vector<16xi32>
        %and3A_474 = arith.andi %add3A_471, %and3A_473 : vector<16xi32>
        %broadcast_in_dim3A_475 = vector.shape_cast %and3A_474 : vector<16xi32> to vector<16x1xi32>
        %gather3A_476 = vector.shape_cast %broadcast_in_dim3A_475 : vector<16x1xi32> to vector<16xi32>
        %gather3A_477 = tpu.dynamic_gather %gather3A_463[%gather3A_476] in [0] : vector<16xi32>, vector<16xi32> -> vector<16xi32>
        %broadcast_in_dim3A_478 = vector.shape_cast %and3A_474 : vector<16xi32> to vector<16x1xi32>
        %gather3A_479 = vector.shape_cast %broadcast_in_dim3A_478 : vector<16x1xi32> to vector<16xi32>
        %gather3A_480 = tpu.dynamic_gather %gather3A_468[%gather3A_479] in [0] : vector<16xf32>, vector<16xi32> -> vector<16xf32>
        %eq3A_481 = arith.cmpi eq, %gather3A_477, %gather3A_463 : vector<16xi32>
        %select_n3A_482 = arith.select %eq3A_481, %gather3A_480, %gather3A_468 : vector<16xi1>, vector<16xf32>
        %add3A_483 = arith.constant 8 : i32
        %add3A_484 = vector.broadcast %add3A_483 : i32 to vector<16xi32>
        %add3A_485 = arith.addi %iota3A, %add3A_484 : vector<16xi32>
        %and3A_486 = arith.constant 15 : i32
        %and3A_487 = vector.broadcast %and3A_486 : i32 to vector<16xi32>
        %and3A_488 = arith.andi %add3A_485, %and3A_487 : vector<16xi32>
        %broadcast_in_dim3A_489 = vector.shape_cast %and3A_488 : vector<16xi32> to vector<16x1xi32>
        %gather3A_490 = vector.shape_cast %broadcast_in_dim3A_489 : vector<16x1xi32> to vector<16xi32>
        %gather3A_491 = tpu.dynamic_gather %gather3A_463[%gather3A_490] in [0] : vector<16xi32>, vector<16xi32> -> vector<16xi32>
        %broadcast_in_dim3A_492 = vector.shape_cast %and3A_488 : vector<16xi32> to vector<16x1xi32>
        %gather3A_493 = vector.shape_cast %broadcast_in_dim3A_492 : vector<16x1xi32> to vector<16xi32>
        %gather3A_494 = tpu.dynamic_gather %gather3A_468[%gather3A_493] in [0] : vector<16xf32>, vector<16xi32> -> vector<16xf32>
        %eq3A_495 = arith.cmpi eq, %gather3A_491, %gather3A_463 : vector<16xi32>
        %select_n3A_496 = arith.select %eq3A_495, %gather3A_494, %gather3A_468 : vector<16xi1>, vector<16xf32>
        %add3A_497 = arith.constant 12 : i32
        %add3A_498 = vector.broadcast %add3A_497 : i32 to vector<16xi32>
        %add3A_499 = arith.addi %iota3A, %add3A_498 : vector<16xi32>
        %and3A_500 = arith.constant 15 : i32
        %and3A_501 = vector.broadcast %and3A_500 : i32 to vector<16xi32>
        %and3A_502 = arith.andi %add3A_499, %and3A_501 : vector<16xi32>
        %broadcast_in_dim3A_503 = vector.shape_cast %and3A_502 : vector<16xi32> to vector<16x1xi32>
        %gather3A_504 = vector.shape_cast %broadcast_in_dim3A_503 : vector<16x1xi32> to vector<16xi32>
        %gather3A_505 = tpu.dynamic_gather %gather3A_463[%gather3A_504] in [0] : vector<16xi32>, vector<16xi32> -> vector<16xi32>
        %broadcast_in_dim3A_506 = vector.shape_cast %and3A_502 : vector<16xi32> to vector<16x1xi32>
        %gather3A_507 = vector.shape_cast %broadcast_in_dim3A_506 : vector<16x1xi32> to vector<16xi32>
        %gather3A_508 = tpu.dynamic_gather %gather3A_468[%gather3A_507] in [0] : vector<16xf32>, vector<16xi32> -> vector<16xf32>
        %eq3A_509 = arith.cmpi eq, %gather3A_505, %gather3A_463 : vector<16xi32>
        %select_n3A_510 = arith.select %eq3A_509, %gather3A_508, %gather3A_468 : vector<16xi1>, vector<16xf32>
        %max3A_511 = arith.maximumf %gather3A_468, %select_n3A_482 : vector<16xf32>
        %max3A_512 = arith.maximumf %select_n3A_496, %select_n3A_510 : vector<16xf32>
        %max3A_513 = arith.maximumf %max3A_511, %max3A_512 : vector<16xf32>
        %shift_left3A_514 = arith.constant 2 : i32
        %shift_left3A_515 = vector.broadcast %shift_left3A_514 : i32 to vector<16xi32>
        %shift_left3A_516 = arith.shli %gather3A_463, %shift_left3A_515 : vector<16xi32>
        %or3A_517 = arith.ori %shift_left3A_516, %and3A_2 : vector<16xi32>
        %gather3A_518 = tpu.vector_load_idx %arg8[%or3A_517] : memref<40000xf32, #tpu.memory_space<vmem>>[vector<16xi32>], vector<16xf32>,
        %max3A_519 = arith.maximumf %gather3A_518, %max3A_513 : vector<16xf32>
        tpu.vector_store_idx %arg8[%or3A_517], %max3A_519 : memref<40000xf32, #tpu.memory_space<vmem>>[vector<16xi32>], vector<16xf32>,
        %add3A_520 = arith.constant 28 : i32
        %add3A_521 = arith.addi %scan3A_80#1, %add3A_520 : i32
        %add3A_522 = vector.broadcast %add3A_521 : i32 to vector<16xi32>
        %add3A_523 = arith.addi %add3A_522, %shift_right_arithmetic3A_4 : vector<16xi32>
        %gather3A_524 = tpu.vector_load_idx %arg11[%add3A_523] : memref<4000xi32, #tpu.memory_space<vmem>>[vector<16xi32>], vector<16xi32>,
        %gather3A_525 = tpu.vector_load_idx %arg12[%add3A_523] : memref<4000xi32, #tpu.memory_space<vmem>>[vector<16xi32>], vector<16xi32>,
        %shift_left3A_526 = arith.constant 2 : i32
        %shift_left3A_527 = vector.broadcast %shift_left3A_526 : i32 to vector<16xi32>
        %shift_left3A_528 = arith.shli %gather3A_524, %shift_left3A_527 : vector<16xi32>
        %or3A_529 = arith.ori %shift_left3A_528, %and3A_2 : vector<16xi32>
        %gather3A_530 = tpu.vector_load_idx %arg7[%or3A_529] : memref<40000xf32, #tpu.memory_space<vmem>>[vector<16xi32>], vector<16xf32>,
        %add3A_531 = arith.constant 4 : i32
        %add3A_532 = vector.broadcast %add3A_531 : i32 to vector<16xi32>
        %add3A_533 = arith.addi %iota3A, %add3A_532 : vector<16xi32>
        %and3A_534 = arith.constant 15 : i32
        %and3A_535 = vector.broadcast %and3A_534 : i32 to vector<16xi32>
        %and3A_536 = arith.andi %add3A_533, %and3A_535 : vector<16xi32>
        %broadcast_in_dim3A_537 = vector.shape_cast %and3A_536 : vector<16xi32> to vector<16x1xi32>
        %gather3A_538 = vector.shape_cast %broadcast_in_dim3A_537 : vector<16x1xi32> to vector<16xi32>
        %gather3A_539 = tpu.dynamic_gather %gather3A_525[%gather3A_538] in [0] : vector<16xi32>, vector<16xi32> -> vector<16xi32>
        %broadcast_in_dim3A_540 = vector.shape_cast %and3A_536 : vector<16xi32> to vector<16x1xi32>
        %gather3A_541 = vector.shape_cast %broadcast_in_dim3A_540 : vector<16x1xi32> to vector<16xi32>
        %gather3A_542 = tpu.dynamic_gather %gather3A_530[%gather3A_541] in [0] : vector<16xf32>, vector<16xi32> -> vector<16xf32>
        %eq3A_543 = arith.cmpi eq, %gather3A_539, %gather3A_525 : vector<16xi32>
        %select_n3A_544 = arith.select %eq3A_543, %gather3A_542, %gather3A_530 : vector<16xi1>, vector<16xf32>
        %add3A_545 = arith.constant 8 : i32
        %add3A_546 = vector.broadcast %add3A_545 : i32 to vector<16xi32>
        %add3A_547 = arith.addi %iota3A, %add3A_546 : vector<16xi32>
        %and3A_548 = arith.constant 15 : i32
        %and3A_549 = vector.broadcast %and3A_548 : i32 to vector<16xi32>
        %and3A_550 = arith.andi %add3A_547, %and3A_549 : vector<16xi32>
        %broadcast_in_dim3A_551 = vector.shape_cast %and3A_550 : vector<16xi32> to vector<16x1xi32>
        %gather3A_552 = vector.shape_cast %broadcast_in_dim3A_551 : vector<16x1xi32> to vector<16xi32>
        %gather3A_553 = tpu.dynamic_gather %gather3A_525[%gather3A_552] in [0] : vector<16xi32>, vector<16xi32> -> vector<16xi32>
        %broadcast_in_dim3A_554 = vector.shape_cast %and3A_550 : vector<16xi32> to vector<16x1xi32>
        %gather3A_555 = vector.shape_cast %broadcast_in_dim3A_554 : vector<16x1xi32> to vector<16xi32>
        %gather3A_556 = tpu.dynamic_gather %gather3A_530[%gather3A_555] in [0] : vector<16xf32>, vector<16xi32> -> vector<16xf32>
        %eq3A_557 = arith.cmpi eq, %gather3A_553, %gather3A_525 : vector<16xi32>
        %select_n3A_558 = arith.select %eq3A_557, %gather3A_556, %gather3A_530 : vector<16xi1>, vector<16xf32>
        %add3A_559 = arith.constant 12 : i32
        %add3A_560 = vector.broadcast %add3A_559 : i32 to vector<16xi32>
        %add3A_561 = arith.addi %iota3A, %add3A_560 : vector<16xi32>
        %and3A_562 = arith.constant 15 : i32
        %and3A_563 = vector.broadcast %and3A_562 : i32 to vector<16xi32>
        %and3A_564 = arith.andi %add3A_561, %and3A_563 : vector<16xi32>
        %broadcast_in_dim3A_565 = vector.shape_cast %and3A_564 : vector<16xi32> to vector<16x1xi32>
        %gather3A_566 = vector.shape_cast %broadcast_in_dim3A_565 : vector<16x1xi32> to vector<16xi32>
        %gather3A_567 = tpu.dynamic_gather %gather3A_525[%gather3A_566] in [0] : vector<16xi32>, vector<16xi32> -> vector<16xi32>
        %broadcast_in_dim3A_568 = vector.shape_cast %and3A_564 : vector<16xi32> to vector<16x1xi32>
        %gather3A_569 = vector.shape_cast %broadcast_in_dim3A_568 : vector<16x1xi32> to vector<16xi32>
        %gather3A_570 = tpu.dynamic_gather %gather3A_530[%gather3A_569] in [0] : vector<16xf32>, vector<16xi32> -> vector<16xf32>
        %eq3A_571 = arith.cmpi eq, %gather3A_567, %gather3A_525 : vector<16xi32>
        %select_n3A_572 = arith.select %eq3A_571, %gather3A_570, %gather3A_530 : vector<16xi1>, vector<16xf32>
        %max3A_573 = arith.maximumf %gather3A_530, %select_n3A_544 : vector<16xf32>
        %max3A_574 = arith.maximumf %select_n3A_558, %select_n3A_572 : vector<16xf32>
        %max3A_575 = arith.maximumf %max3A_573, %max3A_574 : vector<16xf32>
        %shift_left3A_576 = arith.constant 2 : i32
        %shift_left3A_577 = vector.broadcast %shift_left3A_576 : i32 to vector<16xi32>
        %shift_left3A_578 = arith.shli %gather3A_525, %shift_left3A_577 : vector<16xi32>
        %or3A_579 = arith.ori %shift_left3A_578, %and3A_2 : vector<16xi32>
        %gather3A_580 = tpu.vector_load_idx %arg8[%or3A_579] : memref<40000xf32, #tpu.memory_space<vmem>>[vector<16xi32>], vector<16xf32>,
        %max3A_581 = arith.maximumf %gather3A_580, %max3A_575 : vector<16xf32>
        tpu.vector_store_idx %arg8[%or3A_579], %max3A_581 : memref<40000xf32, #tpu.memory_space<vmem>>[vector<16xi32>], vector<16xf32>,
      } else {
      }
      %scan3A_91 = arith.constant 0 : i32
      scf.yield %scan3A_91 : i32
    }
    %scan3A_27 = arith.constant 40 : i32
    "tpu.region"() ({
      %run_scoped3A = tpu.sem_alloc : memref<!tpu.dma_semaphore, #tpu.memory_space<semaphore_mem>>
      %dma_start3A_28 = arith.constant 0 : i32
      %dma_start3A_29 = tpu.memref_slice %arg6[%add3A, %dma_start3A_28] : memref<32x40000xf32, #tpu.memory_space<hbm>> -> memref<1x40000xf32, #tpu.memory_space<hbm>>
      %dma_start3A_30 = tpu.memref_squeeze %dma_start3A_29 : memref<1x40000xf32, #tpu.memory_space<hbm>> -> memref<40000xf32, #tpu.memory_space<hbm>>
      %dma_start3A_31 = arith.constant 0 : i32
      %dma_start3A_32 = tpu.memref_slice %arg6[%add3A, %dma_start3A_31] : memref<32x40000xf32, #tpu.memory_space<hbm>> -> memref<1x40000xf32, #tpu.memory_space<hbm>>
      %dma_start3A_33 = tpu.memref_squeeze %dma_start3A_32 : memref<1x40000xf32, #tpu.memory_space<hbm>> -> memref<40000xf32, #tpu.memory_space<hbm>>
      tpu.enqueue_dma source(%arg8 : memref<40000xf32, #tpu.memory_space<vmem>>) target(%dma_start3A_33 : memref<40000xf32, #tpu.memory_space<hbm>>) target_semaphore(%run_scoped3A : memref<!tpu.dma_semaphore, #tpu.memory_space<semaphore_mem>>)
      %dma_wait3A = arith.constant 0 : i32
      %dma_wait3A_34 = tpu.memref_slice %arg6[%add3A, %dma_wait3A] : memref<32x40000xf32, #tpu.memory_space<hbm>> -> memref<1x40000xf32, #tpu.memory_space<hbm>>
      %dma_wait3A_35 = tpu.memref_squeeze %dma_wait3A_34 : memref<1x40000xf32, #tpu.memory_space<hbm>> -> memref<40000xf32, #tpu.memory_space<hbm>>
      %dma_wait3A_36 = arith.constant 0 : i32
      %dma_wait3A_37 = tpu.memref_slice %arg6[%add3A, %dma_wait3A_36] : memref<32x40000xf32, #tpu.memory_space<hbm>> -> memref<1x40000xf32, #tpu.memory_space<hbm>>
      %dma_wait3A_38 = tpu.memref_squeeze %dma_wait3A_37 : memref<1x40000xf32, #tpu.memory_space<hbm>> -> memref<40000xf32, #tpu.memory_space<hbm>>
      tpu.wait_dma2 semaphore(%run_scoped3A : memref<!tpu.dma_semaphore, #tpu.memory_space<semaphore_mem>>) src(%arg8 : memref<40000xf32, #tpu.memory_space<vmem>>) dst(%dma_wait3A_38 : memref<40000xf32, #tpu.memory_space<hbm>>)
      tpu.yield
    }) : () -> ()
    return
  }
}

module attributes {stable_mosaic.version = 14 : i64} {
  func.func @body(%arg0: i32, %arg1: memref<1000x128xf32, #tpu.memory_space<vmem>>, %arg2: memref<1000x128xf32, #tpu.memory_space<vmem>>, %arg3: memref<128x128xf32, #tpu.memory_space<vmem>>, %arg4: memref<1x128xf32, #tpu.memory_space<vmem>>, %arg5: memref<1x128xf32, #tpu.memory_space<vmem>>, %arg6: memref<1x128xf32, #tpu.memory_space<vmem>>, %arg7: memref<1000x128xf32, #tpu.memory_space<vmem>>) attributes {dimension_semantics = [#tpu.dimension_semantics<arbitrary>], iteration_bounds = array<i64: 10>, scalar_prefetch = 0 : i64, scratch_operands = 0 : i64, tpu.core_type = #tpu.core_type<tc>, window_params = [{transform_indices = @transform_0, window_bounds = array<i64: 1000, 128>}, {transform_indices = @transform_1, window_bounds = array<i64: 1000, 128>}, {pipeline_mode = #tpu.pipeline_mode<synchronous>, transform_indices = @transform_2, window_bounds = array<i64: 128, 128>}, {pipeline_mode = #tpu.pipeline_mode<synchronous>, transform_indices = @transform_3, window_bounds = array<i64: 1, 128>}, {pipeline_mode = #tpu.pipeline_mode<synchronous>, transform_indices = @transform_4, window_bounds = array<i64: 1, 128>}, {pipeline_mode = #tpu.pipeline_mode<synchronous>, transform_indices = @transform_5, window_bounds = array<i64: 1, 128>}, {transform_indices = @transform_6, window_bounds = array<i64: 1000, 128>}]} {
    %get3A = arith.constant 0 : index
    %get3A_0 = arith.constant 0 : index
    %get3A_1 = vector.load %arg2[%get3A, %get3A_0] : memref<1000x128xf32, #tpu.memory_space<vmem>>, vector<1000x128xf32>
    %eq3A = arith.constant 0xFF800000 : f32
    %eq3A_2 = vector.broadcast %eq3A : f32 to vector<1000x128xf32>
    %eq3A_3 = arith.cmpf oeq, %get3A_1, %eq3A_2 : vector<1000x128xf32>
    %jit3A = arith.constant 0.000000e+00 : f32
    %broadcast_in_dim3A = vector.broadcast %jit3A : f32 to vector<1000x128xf32>
    %select_n3A = arith.select %eq3A_3, %broadcast_in_dim3A, %get3A_1 : vector<1000x128xi1>, vector<1000x128xf32>
    %get3A_4 = arith.constant 0 : index
    %get3A_5 = arith.constant 0 : index
    %get3A_6 = vector.load %arg1[%get3A_4, %get3A_5] : memref<1000x128xf32, #tpu.memory_space<vmem>>, vector<1000x128xf32>
    %add3A = arith.addf %get3A_6, %select_n3A : vector<1000x128xf32>
    %get3A_7 = arith.constant 0 : index
    %get3A_8 = arith.constant 0 : index
    %get3A_9 = vector.load %arg3[%get3A_7, %get3A_8] : memref<128x128xf32, #tpu.memory_space<vmem>>, vector<128x128xf32>
    %dot_general3A = arith.constant dense<0.000000e+00> : vector<1000x128xf32>
    %dot_general3A_10 = tpu.matmul %add3A, %get3A_9, %dot_general3A {dimension_numbers = #tpu.dot_dimension_numbers<[1], [0], [0], [1], [0, 0, 1, 1], [], []>, transpose_lhs_hint = false} : vector<1000x128xf32>, vector<128x128xf32>, vector<1000x128xf32> -> vector<1000x128xf32>
    %get3A_11 = arith.constant 0 : index
    %get3A_12 = arith.constant 0 : index
    %get3A_13 = vector.load %arg4[%get3A_11, %get3A_12] : memref<1x128xf32, #tpu.memory_space<vmem>>, vector<1x128xf32>
    %add3A_14 = vector.broadcast %get3A_13 : vector<1x128xf32> to vector<1000x128xf32>
    %add3A_15 = arith.addf %dot_general3A_10, %add3A_14 : vector<1000x128xf32>
    %max3A = arith.constant 0.000000e+00 : f32
    %max3A_16 = vector.broadcast %max3A : f32 to vector<1000x128xf32>
    %max3A_17 = arith.maximumf %add3A_15, %max3A_16 : vector<1000x128xf32>
    %reduce_sum3A = arith.constant dense<0.000000e+00> : vector<1000xf32>
    %reduce_sum3A_18 = vector.multi_reduction <add>, %max3A_17, %reduce_sum3A [1] : vector<1000x128xf32> to vector<1000xf32>
    %broadcast_in_dim3A_19 = vector.shape_cast %reduce_sum3A_18 : vector<1000xf32> to vector<1000x1xf32>
    %div3A = arith.constant 1.280000e+02 : f32
    %div3A_20 = vector.broadcast %div3A : f32 to vector<1000x1xf32>
    %div3A_21 = arith.divf %broadcast_in_dim3A_19, %div3A_20 : vector<1000x1xf32>
    %sub3A = vector.broadcast %div3A_21 : vector<1000x1xf32> to vector<1000x128xf32>
    %sub3A_22 = arith.subf %max3A_17, %sub3A : vector<1000x128xf32>
    %mul3A = arith.mulf %sub3A_22, %sub3A_22 : vector<1000x128xf32>
    %reduce_sum3A_23 = arith.constant dense<0.000000e+00> : vector<1000xf32>
    %reduce_sum3A_24 = vector.multi_reduction <add>, %mul3A, %reduce_sum3A_23 [1] : vector<1000x128xf32> to vector<1000xf32>
    %broadcast_in_dim3A_25 = vector.shape_cast %reduce_sum3A_24 : vector<1000xf32> to vector<1000x1xf32>
    %div3A_26 = arith.constant 1.280000e+02 : f32
    %div3A_27 = vector.broadcast %div3A_26 : f32 to vector<1000x1xf32>
    %div3A_28 = arith.divf %broadcast_in_dim3A_25, %div3A_27 : vector<1000x1xf32>
    %add3A_29 = arith.constant 9.99999974E-6 : f32
    %add3A_30 = vector.broadcast %add3A_29 : f32 to vector<1000x1xf32>
    %add3A_31 = arith.addf %div3A_28, %add3A_30 : vector<1000x1xf32>
    %rsqrt3A = math.rsqrt %add3A_31 : vector<1000x1xf32>
    %mul3A_32 = vector.broadcast %rsqrt3A : vector<1000x1xf32> to vector<1000x128xf32>
    %mul3A_33 = arith.mulf %sub3A_22, %mul3A_32 : vector<1000x128xf32>
    %get3A_34 = arith.constant 0 : index
    %get3A_35 = arith.constant 0 : index
    %get3A_36 = vector.load %arg5[%get3A_34, %get3A_35] : memref<1x128xf32, #tpu.memory_space<vmem>>, vector<1x128xf32>
    %mul3A_37 = vector.broadcast %get3A_36 : vector<1x128xf32> to vector<1000x128xf32>
    %mul3A_38 = arith.mulf %mul3A_33, %mul3A_37 : vector<1000x128xf32>
    %get3A_39 = arith.constant 0 : index
    %get3A_40 = arith.constant 0 : index
    %get3A_41 = vector.load %arg6[%get3A_39, %get3A_40] : memref<1x128xf32, #tpu.memory_space<vmem>>, vector<1x128xf32>
    %add3A_42 = vector.broadcast %get3A_41 : vector<1x128xf32> to vector<1000x128xf32>
    %add3A_43 = arith.addf %mul3A_38, %add3A_42 : vector<1000x128xf32>
    %swap3A = arith.constant 0 : index
    %swap3A_44 = arith.constant 0 : index
    %swap3A_45 = vector.load %arg7[%swap3A, %swap3A_44] : memref<1000x128xf32, #tpu.memory_space<vmem>>, vector<1000x128xf32>
    tpu.vector_store %arg7[%swap3A, %swap3A_44], %add3A_43 {strides = array<i32>} : memref<1000x128xf32, #tpu.memory_space<vmem>>, vector<1000x128xf32>,
    return
  }
  func.func @transform_0(%arg0: i32) -> (i32, i32) {
    %c0_i32 = arith.constant 0 : i32
    %c0_i32_0 = arith.constant 0 : i32
    return %arg0, %c0_i32 : i32, i32
  }
  func.func @transform_1(%arg0: i32) -> (i32, i32) {
    %c0_i32 = arith.constant 0 : i32
    %c0_i32_0 = arith.constant 0 : i32
    return %arg0, %c0_i32 : i32, i32
  }
  func.func @transform_2(%arg0: i32) -> (i32, i32) {
    %c0_i32 = arith.constant 0 : i32
    %c0_i32_0 = arith.constant 0 : i32
    %c0_i32_1 = arith.constant 0 : i32
    return %c0_i32, %c0_i32_0 : i32, i32
  }
  func.func @transform_3(%arg0: i32) -> (i32, i32) {
    %c0_i32 = arith.constant 0 : i32
    %c0_i32_0 = arith.constant 0 : i32
    %c0_i32_1 = arith.constant 0 : i32
    return %c0_i32, %c0_i32_0 : i32, i32
  }
  func.func @transform_4(%arg0: i32) -> (i32, i32) {
    %c0_i32 = arith.constant 0 : i32
    %c0_i32_0 = arith.constant 0 : i32
    %c0_i32_1 = arith.constant 0 : i32
    return %c0_i32, %c0_i32_0 : i32, i32
  }
  func.func @transform_5(%arg0: i32) -> (i32, i32) {
    %c0_i32 = arith.constant 0 : i32
    %c0_i32_0 = arith.constant 0 : i32
    %c0_i32_1 = arith.constant 0 : i32
    return %c0_i32, %c0_i32_0 : i32, i32
  }
  func.func @transform_6(%arg0: i32) -> (i32, i32) {
    %c0_i32 = arith.constant 0 : i32
    %c0_i32_0 = arith.constant 0 : i32
    return %arg0, %c0_i32 : i32, i32
  }
}

</mosaic_0001>

<sc_bundles>
// kernel: kernel.4.cloned.1.call-start
scs
__scs_entry_jumppad:
0x0: {  	(pc) =	sbr.rel $0x88, $3  }
0x1: {  	(tag) =	ssettag $0x0;
	lr =	simm.s32 $0x1  }
0x2: {  	[smem:$0x3F9B] =	sst lr;
	_ =	strace $0xD0000000  }
0x3: {  	_ = 	snop  }
0x4: {  	_ = 	snop  }
0x5: {  	_ = 	snop  }
0x6: {  	_ = 	snop  }
0x7: {  	_ = 	snop  }
__scs_overlays_trampoline_lowered:
0x8: {  	[smem:$0x3FAA] =	sst s0  }
0x9: {  	[smem:$0x3FAB] =	sst s1  }
0xa: {  	[smem:$0x3FAC] =	sst s2  }
0xb: {  	[smem:$0x3FAD] =	sst s3  }
0xc: {  	[smem:$0x3FAE] =	sst s4  }
0xd: {  	[smem:$0x3FAF] =	sst s5  }
0xe: {  	[smem:$0x3FB0] =	sst s6  }
0xf: {  	[smem:$0x3FB1] =	sst s7  }
0x10: {  	[smem:$0x3FB2] =	sst s8  }
0x11: {  	[smem:$0x3FB3] =	sst s9;
	s0 =	simm.s32 @!p0 $0x0  }
0x12: {  	s1 =	sld [smem:$0x3F99];
	s0 =	simm.s32 @p0 $0x1  }
0x13: {  	[smem:$0x3FB4] =	sst s0;
	s0 =	simm.s32 @!p1 $0x0  }
0x14: {  	s2 =	sld [smem:$0x3F98];
	s0 =	simm.s32 @p1 $0x1  }
0x15: {  	[smem:$0x3FB5] =	sst s0;
	s0 =	simm.s32 @!p2 $0x0  }
0x16: {  	s3 =	sld [smem:$0x3FDB];
	s0 =	simm.s32 @p2 $0x1  }
0x17: {  	s4 =	simm.s32 $0x1BF5;
	[smem:$0x3FB7] =	sst s0  }
0x18: {  	s0 =	sld [smem:$0x3F9A];
	_ =	swait.ge [sflag:s4], $0x0  }
0x19: {  	s7 =	sld [smem:$0x3F9B]  }
0x1a: {  	s8 =	sadd.s32 $0xFFFFE003, lr  }
0x1b: {  	s9 =	sadd.s32 $0xFFFFFEF7, lr;
	s5 =	simm.s32 $0xFFFFFFFF;
	p2 =	slt.u32 s8, $0xFFFFF086  }
0x1c: {  	p1 =	slt.u32 s9, $0xF7A;
	s5 =	simm.s32 @!p2 $0x0  }
0x1d: {  	s5 =	simm.s32 @p1 $0x1;
	p0 =	seq.s32 s7, s2  }
0x1e: {  	s7 =	smul.u32 @!p0 $0xF7A, s2;
	p2 =	seq.s32 @!p0 s5, $0x0  }
0x1f: {  	s9 =	smul.u32 $0xF7A, s1;
	s8 =	simm.s32 @!p0 $0x1BF5;
	p2 =	por !p2, p0  }
0x20: {  	[sflag:s8] =	ssyncset.s32 @!p0 $0xFFFFF086;
	s6 =	sadd.s32 @!p0 s3, s7;
	s7 =	simm.s32 @!p0 $0x108  }
0x21: {  	s3 =	sadd.s32 s3, s9;
	s6 =	sadd.s32 @!p0 $0x88, s6;
	s7 =	simm.s32 @p2 $0x1082  }
0x22: {  	[simem:s7], [sflag:s8] =	dma.local @!p0 [hbm:s6], $0xF7A  }
0x23: {  	s9 =	sor.u32 $0xD0000000, s2;
	s6 =	simm.s32 $0x108;
	_ =	swait.ge @!p0 [sflag:s8], $0x0  }
0x24: {  	s3 =	sadd.s32 $0x88, s3;
	s6 =	simm.s32 @!p1 $0x1082;
	[sflag:s4] =	ssyncset.s32 $0xFFFFF086  }
0x25: {  	[simem:s6], [sflag:s4] =	dma.local [hbm:s3], $0xF7A  }
0x26: {  	[smem:$0x3F9B] =	sst s1;
	(tag) =	ssettag s2;
	_ =	strace s9  }
0x27: {  	s1 =	sld [smem:$0x3FAB]  }
0x28: {  	s2 =	sld [smem:$0x3FAC]  }
0x29: {  	s4 =	sld [smem:$0x3FAE]  }
0x2a: {  	p0 =	seq.s32 s5, $0x0;
	s5 =	sld [smem:$0x3FAF]  }
0x2b: {  	s6 =	sld [smem:$0x3FB0]  }
0x2c: {  	s7 =	sld [smem:$0x3FB1]  }
0x2d: {  	s3 =	simm.s32 $0x108;
	s8 =	sld [smem:$0x3FB2]  }
0x2e: {  	s3 =	simm.s32 @!p0 $0x1082;
	s9 =	sld [smem:$0x3FB3]  }
0x2f: {  	lr =	sadd.s32 s0, s3;
	s0 =	sld [smem:$0x3FAA]  }
0x30: {  	s3 =	sld [smem:$0x3FAD]  }
0x31: {  	[smem:$0x3FB6] =	sst s10  }
0x32: {  	s10 =	sld [smem:$0x3FB4];
	_ =	sdelay $0x3  }
0x33: {  	p0 =	seq.s32 s10, $0x1;
	s10 =	sld [smem:$0x3FB6];
	_ =	sdelay $0x3  }
0x34: {  	[smem:$0x3FB6] =	sst s10  }
0x35: {  	s10 =	sld [smem:$0x3FB5];
	_ =	sdelay $0x3  }
0x36: {  	p1 =	seq.s32 s10, $0x1;
	s10 =	sld [smem:$0x3FB6];
	_ =	sdelay $0x3  }
0x37: {  	[smem:$0x3FB6] =	sst s10  }
0x38: {  	s10 =	sld [smem:$0x3FB7]  }
0x39: {  	_ = 	snop;
	(pc) =	sbr.ind lr, $3  }
0x3a: {  	_ = 	snop  }
0x3b: {  	_ = 	snop  }
0x3c: {  	p2 =	seq.s32 s10, $0x1;
	s10 =	sld [smem:$0x3FB6]  }
0x3d: {  	_ =	shalt  }
0x3e: {  	_ =	shalt  }
0x3f: {  	_ =	shalt  }
0x40: {  	_ =	shalt  }
0x41: {  	_ =	shalt  }
0x42: {  	_ =	shalt  }
0x43: {  	_ =	shalt  }
0x44: {  	_ =	shalt  }
0x45: {  	_ =	shalt  }
0x46: {  	_ =	shalt  }
0x47: {  	_ =	shalt  }
0x48: {  	_ =	shalt  }
0x49: {  	_ =	shalt  }
0x4a: {  	_ =	shalt  }
0x4b: {  	_ =	shalt  }
0x4c: {  	_ =	shalt  }
0x4d: {  	_ =	shalt  }
0x4e: {  	_ =	shalt  }
0x4f: {  	_ =	shalt  }
0x50: {  	_ =	shalt  }
0x51: {  	_ =	shalt  }
0x52: {  	_ =	shalt  }
0x53: {  	_ =	shalt  }
0x54: {  	_ =	shalt  }
0x55: {  	_ =	shalt  }
0x56: {  	_ =	shalt  }
0x57: {  	_ =	shalt  }
0x58: {  	_ =	shalt  }
0x59: {  	_ =	shalt  }
0x5a: {  	_ =	shalt  }
0x5b: {  	_ =	shalt  }
0x5c: {  	_ =	shalt  }
0x5d: {  	_ =	shalt  }
0x5e: {  	_ =	shalt  }
0x5f: {  	_ =	shalt  }
0x60: {  	_ =	shalt  }
0x61: {  	_ =	shalt  }
0x62: {  	_ =	shalt  }
0x63: {  	_ =	shalt  }
0x64: {  	_ =	shalt  }
0x65: {  	_ =	shalt  }
0x66: {  	_ =	shalt  }
0x67: {  	_ =	shalt  }
0x68: {  	_ =	shalt  }
0x69: {  	_ =	shalt  }
0x6a: {  	_ =	shalt  }
0x6b: {  	_ =	shalt  }
0x6c: {  	_ =	shalt  }
0x6d: {  	_ =	shalt  }
0x6e: {  	_ =	shalt  }
0x6f: {  	_ =	shalt  }
0x70: {  	_ =	shalt  }
0x71: {  	_ =	shalt  }
0x72: {  	_ =	shalt  }
0x73: {  	_ =	shalt  }
0x74: {  	_ =	shalt  }
0x75: {  	_ =	shalt  }
0x76: {  	_ =	shalt  }
0x77: {  	_ =	shalt  }
0x78: {  	_ =	shalt  }
0x79: {  	_ =	shalt  }
0x7a: {  	_ =	shalt  }
0x7b: {  	_ =	shalt  }
0x7c: {  	_ =	shalt  }
0x7d: {  	_ =	shalt  }
0x7e: {  	_ =	shalt  }
0x7f: {  	_ =	shalt  }
0x80: {  	_ =	shalt  }
0x81: {  	_ =	shalt  }
0x82: {  	_ =	shalt  }
0x83: {  	_ =	shalt  }
0x84: {  	_ =	shalt  }
0x85: {  	_ =	shalt  }
0x86: {  	_ =	shalt  }
0x87: {  	_ =	shalt  }
.Lfunc_end0:
.L_simem_size_0:
called_computation_lowered:
.L_overlay_start_0:
0x88: {  	s2 =	sld [smem:$0x3FD9]  }
0x89: {  	s3 =	sld [smem:$0x3FFE];
	_ =	sdelay $0x1  }
0x8a: {  	s1 =	srdreg.scid  }
0x8b: {  	s0 =	sand.u32 $0x1, s1  }
0x8c: {  	s17 =	sshll.u32 s0, $0xA;
	s2 =	sadd.s32 s3, s2  }
0x8d: {  	s2 =	sadd.s32 s2, s17  }
0x8e: {  	[smem:$0x3FC2] =	sst s2  }
0x8f: {  	_ = 	snop  }
0x90: {  	s2 =	sld [smem:$0x3FD0];
	(tm) =	ssettm $0x1  }
0x91: {  	s18 =	sld [smem:$0x3FFB];
	_ =	sdelay $0x3  }
0x92: {  	_ =	strace s18  }
0x93: {  	s3 =	sld [smem:$0x3FFC];
	_ =	sdelay $0x3  }
0x94: {  	_ =	strace s3  }
0x95: {  	s3 =	sld [smem:$0x3FFD];
	_ =	sdelay $0x3  }
0x96: {  	_ =	strace s3  }
0x97: {  	_ =	strace $0x8FFFFFFF  }
0x98: {  	s19 =	sld [smem:$0x3FDB];
	_ =	sdelay $0x1  }
0x99: {  	s4 =	simm.s32 $_scs_section_size  }
0x9a: {  	s5 =	simm.s32 $_size__tile_overlayer_lowered;
	s6 =	simm.s32 $_tile_overlayer_lowered  }
0x9b: {  	s22 =	simm.s32 $0x1BFF;
	s21 =	sshll.u32 s6, $0x1;
	s3 =	sadd.s32 s4, s19  }
0x9c: {  	s7 =	simm.s32 $0x0;
	s20 =	sshll.u32 s5, $0x1;
	s5 =	sadd.s32 s21, s3  }
0x9d: {  	[timem:s7], [sflag:s22] =	dma.local [hbm:s5], s20  }
0x9e: {  	_ =	swait.ge [sflag:s22], s20  }
0x9f: {  	s4 =	ssub.s32 $0x0, s20;
	[sflag:s22] =	ssyncset.done $0x0  }
0xa0: {  	[sflag:s22] =	ssyncadd.s32 s4;
	_ =	sdelay $0x1  }
0xa1: {  	s23 =	simm.s32 $0x1B8B  }
0xa2: {  	_ =	swait.ge [sflag:s23], $0x1  }
0xa3: {  	[sflag:s23] =	ssyncset.done $0x0  }
0xa4: {  	s25 =	simm.s32 $0x1B8E;
	s24 =	sld [smem:$0x3FFE];
	[sflag:s23] =	ssyncadd.s32 $0xFFFFFFFF  }
0xa5: {  	s26 =	simm.s32 $execute0_lowered;
	[smem:$0x3FD2] =	sst s25  }
0xa6: {  	s5 =	sshll.u32 s26, $0x1;
	_ =	strace $0x80000046;
	[dreg:$0x1] =	wrdreg $0xFFFFFFFF  }
0xa7: {  	s28 =	simm.s32 $_size_execute0_lowered;
	s3 =	sadd.s32 s3, s5;
	[dreg:$0x0] =	wrdreg $0x0  }
0xa8: {  	s5 =	sshll.u32 s28, $0x1;
	[dreg:$0x2] =	wrdreg s3  }
0xa9: {  	[dreg:$0x3] =	wrdreg s5  }
0xaa: {  	[dreg:$0x4] =	wrdreg $0xC0  }
0xab: {  	_ =	task [dreg:s7], $0x5FFFF  }
0xac: {  	[dreg:$0x1] =	wrdreg $0xFFFFFFFF  }
0xad: {  	[dreg:$0x0] =	wrdreg $0x60  }
0xae: {  	[dreg:$0x2] =	wrdreg s2  }
0xaf: {  	[dreg:$0x3] =	wrdreg s24  }
0xb0: {  	[dreg:$0x4] =	wrdreg $0x9  }
0xb1: {  	_ =	task.clear_ibuf [dreg:s7], $0x5FFFF;
	_ =	strace $0x90000046  }
0xb2: {  	s29 =	simm.s32 $0x9;
	_ =	strace $0x80000048  }
0xb3: {  	_ =	swait.ge [sflag:s29], $0x1  }
0xb4: {  	[sflag:s29] =	ssyncadd.s32 $0xFFFFFFFF  }
0xb5: {  	_ =	strace $0x90000048  }
0xb6: {  	_ =	sfence  }
0xb7: {  	s30 =	sld [smem:$0x0];
	_ =	sdelay $0x2  }
0xb8: {  	s31 =	sshll.u32 s1, $0xD;
	s1 =	sshrl.u32 s1, $0x2  }
0xb9: {  	s3 =	sand.u32 $0x4000, s31;
	s1 =	sadd.s32 s1, s30  }
0xba: {  	s0 =	sor.u32 s3, s0;
	s1 =	sshll.u32 s1, $0x11  }
0xbb: {  	s0 =	sor.u32 s1, s0  }
0xbc: {  	s0 =	sadd.s32 $0x8F2B, s0  }
0xbd: {  	[sflag:s0] =	ssyncadd.remote.s32 $0x1  }
0xbe: {  	_ =	sfence.sel $0xFFFF  }
0xbf: {  	[dreg:$0x0] =	wrdreg $0xFFFFFFFF;
	(pc) =	sbr.abs _section_cstart, $3  }
0xc0: {  	[dreg:$0x1] =	wrdreg $0xFFFFFFFF  }
0xc1: {  	_ =	task.clear_ibuf [dreg:s7], $0x2FFFF;
	_ =	strace $0x9FFFFFFF  }
0xc2: {  	(tm) =	ssettm $0x7FFFFFFF  }
0xc3: {  	_ =	shalt  }
tec
execute0_lowered:
.L_overlay_start_1:
0x0: {  	(tag) =	ssettag $0x1  }
0x1: {  	s6 =	rddreg [dreg:$0x0]  }
0x2: {  	s7 =	rddreg [dreg:$0x1]  }
0x3: {  	s0 =	rddreg [dreg:$0x2]  }
0x4: {  	s3 =	srdreg.scid;
	s1 =	stileid.u32;
	v4 =	vimm.s32 $0x3210FEDC  }
0x5: {  	v1 =	vlaneseq.u32;
	s2 =	simm.s32 $0x0;
	v5 =	vimm.s32 $0xBA987654;
	v7 =	vimm.s32 $0xFEDCBA98;
	s11 =	simm.s32 $0x13880;
	s12 =	simm.s32 $0x14820  }
0x6: {  	v8 =	vimm.s32 $0x76543210;
	v9 =	vimm.s32 $0x0;
	vm0 =	vcmask $0x300;
	s13 =	simm.s32 $0x157C0;
	s14 =	simm.s32 $0x16760;
	s15 =	simm.s32 $0x1  }
0x7: {  	s16 =	simm.s32 $0x2;
	s17 =	simm.s32 $0x0;
	v0 =	vshrl.u32 v1, $0x2;
	s3 =	sand.u32 $0x1, s3;
	v6 =	vunpack.c.l.s4.s8 v4;
	v5 =	vunpack.c.l.s4.s8 v5  }
0x8: {  	s4 =	sshll.u32 s1, $0x1;
	v1 =	vand.u32 $0x3, v1;
	[smem:$0x7FF] =	sst s2;
	v7 =	vunpack.c.l.s4.s8 v7;
	s5 =	sadd.s32 $0x14A00, s7;
	v8 =	vunpack.c.l.s4.s8 v8  }
.Ltmp0:
0x9: {  	v2 =	vor.u32 $0x4, v0;
	s4 =	sor.u32 s3, s4;
	s9 =	ssub.s32 $0x2, s3;
	v6 =	vunpack.c.0.s8.s32 v6;
	v5 =	vunpack.c.0.s8.s32 v5;
	(pc) =	sbr.rel .LBB2_1-.Ltmp0, $4  }
0xa: {  	v3 =	vor.u32 $0x8, v0;
	_ =	strace $0x80000047;
	v4 =	vor.u32 $0xC, v0;
	s8 =	smul.u32 $0x1388, s4;
	s10 =	sshrl.u32 s9, $0x1;
	v7 =	vunpack.c.0.s8.s32 v7  }
0xb: {  	s3 =	sadd.s32 $0xAC00, s7;
	s4 =	sadd.s32 $0xE00, s7;
	v8 =	vunpack.c.0.s8.s32 v8;
	s9 =	ssub.s32 s9, s10;
	v10 =	vcombine.low v5, v6;
	v11 =	vcombine.low v6, v5  }
0xc: {  	s10 =	simm.s32 $0x9C40;
	s7 =	sadd.s32 s8, s7;
	s6 =	sadd.s32 s6, s8;
	v5 =	vimm.f32 $0.0e+00;
	v6 =	vsel vm0, $0x3, v9;
	v9 =	vand.u32 $0xF, v7  }
0xd: {  	s8 =	smax.u32 s9, $0x1;
	s9 =	simm.s32 $0x3;
	s7 =	sadd.s32 $0x15E00, s7;
	v8 =	vcombine.low v9, v8;
	v7 =	vand.u32 $0xF, v10;
	v9 =	vand.u32 $0xF, v11  }
.LBB2_15:
0xe: {  	s17 =	sadd.s32 $0x1, s17  }
0xf: {  	p0 =	sne.s32 s17, s8  }
.Ltmp1:
0x10: {  	_ = 	snop;
	(pc) =	sbr.rel @!p0 .LBB2_16-.Ltmp1, $4  }
0x11: {  	[hbm4b:s7+s2] =	stream.linear.scatter [tilespmem:s10], [sflag:$0x3], $0x9C40, $0x38;
	[tilespmem:$0x17700] =	vst v63  }
0x12: {  	_ =	swait.ge [sflag:s9], $0x9C40  }
0x13: {  	[sflag:s9] =	ssyncset.done $0x0  }
0x14: {  	[sflag:s9] =	ssyncadd.s32 $0xFFFF63C0  }
.LBB2_1:
0x15: {  	[tilespmem:s2], [sflag:$0x3] =	stream.linear.gather [hbm4b:s6+s2], $0x9C40, $0x38;
	[tilespmem:$0x17700] =	vst v63  }
0x16: {  	_ =	swait.ge [sflag:s9], $0x9C40  }
0x17: {  	[sflag:s9] =	ssyncset.done $0x0  }
0x18: {  	[sflag:s9] =	ssyncadd.s32 $0xFFFF63C0  }
0x19: {  	[tilespmem:s10], [sflag:$0x3] =	stream.linear.gather [hbm4b:s5+s2], $0x9C40, $0x38;
	[tilespmem:$0x17700] =	vst v63  }
0x1a: {  	_ =	swait.ge [sflag:s9], $0x9C40  }
.Ltmp2:
0x1b: {  	[sflag:s9] =	ssyncset.done $0x0;
	(pc) =	sbr.rel .LBB2_2-.Ltmp2, $4  }
0x1c: {  	[sflag:s9] =	ssyncadd.s32 $0xFFFF63C0  }
0x1d: {  	[tilespmem:s11], [sflag:$0x1] =	stream.linear.gather [hbm4b:s3+s2], $0xFA0, $0x38;
	[tilespmem:$0x17700] =	vst v63  }
0x1e: {  	s18 =	simm.s32 $0x0  }
0x1f: {  	[tilespmem:s12], [sflag:$0x1] =	stream.linear.gather [hbm4b:s4+s2], $0xFA0, $0x38;
	[tilespmem:$0x17700] =	vst v63  }
.LBB2_14:
0x20: {  	s18 =	sadd.s32 $0x1, s18  }
0x21: {  	p0 =	sne.s32 s18, $0x28  }
.Ltmp3:
0x22: {  	_ = 	snop;
	(pc) =	sbr.rel @!p0 .LBB2_15-.Ltmp3, $1  }
0x23: {  	_ =	sdelay $0x3  }
.LBB2_2:
0x24: {  	s19 =	smul.u32 $0x1F40, s18;
	_ =	sdelay $0x1  }
0x25: {  	s20 =	sshrl.u32 s19, $0x3  }
0x26: {  	s21 =	sadd.s32 $0x1F4, s20  }
0x27: {  	s20 =	simm.s32 $0x0;
	s22 =	sadd.s32 s3, s21  }
0x28: {  	[tilespmem:s13], [sflag:$0x2] =	stream.linear.gather [hbm4b:s22+s20], $0xFA0, $0x38;
	[tilespmem:$0x17700] =	vst v63  }
0x29: {  	s21 =	sadd.s32 s4, s21  }
0x2a: {  	[tilespmem:s14], [sflag:$0x2] =	stream.linear.gather [hbm4b:s21+s20], $0xFA0, $0x38;
	[tilespmem:$0x17700] =	vst v63  }
0x2b: {  	_ =	swait.ge [sflag:s15], $0xFA0  }
.Ltmp4:
0x2c: {  	[sflag:s15] =	ssyncset.done $0x0;
	(pc) =	sbr.rel .LBB2_3-.Ltmp4, $4  }
0x2d: {  	[sflag:s15] =	ssyncadd.s32 $0xFFFFF060  }
0x2e: {  	_ =	swait.ge [sflag:s15], $0xFA0  }
0x2f: {  	[sflag:s15] =	ssyncset.done $0x0  }
0x30: {  	v13 =	vimm.f32 $0.0e+00;
	s22 =	simm.s32 $0x0;
	s21 =	simm.s32 $0x0;
	[sflag:s15] =	ssyncadd.s32 $0xFFFFF060  }
.LBB2_5:
0x31: {  	vm0 =	vlt.f32 v24, v10;
	vm1 =	vlt.f32 v25, v11  }
0x32: {  	vm10 =	vlt.f32 v23, v12;
	vm0 =	vmor vm0, vm1  }
0x33: {  	vm11 =	vlt.f32 v20, v13;
	s20 =	sadd.s32 $0x80, s20;
	vm0 =	vmor vm0, vm10  }
0x34: {  	vm12 =	vlt.f32 v21, v14;
	p0 =	sne.s32 s20, $0x3E80;
	vm0 =	vmor vm0, vm11  }
.Ltmp5:
0x35: {  	vm13 =	vlt.f32 v22, v15;
	vm0 =	vmor vm0, vm12;
	(pc) =	sbr.rel @!p0 .LBB2_6-.Ltmp5, $4  }
0x36: {  	vm14 =	vlt.f32 v19, v16;
	vm0 =	vmor vm0, vm13  }
0x37: {  	vm15 =	vlt.f32 v18, v17;
	vm0 =	vmor vm0, vm14  }
0x38: {  	vm0 =	vmor vm0, vm15  }
0x39: {  	s22 =	sshll.u32 s21, $0x5;
	s21 =	sadd.s32 $0x1, s21;
	v13 =	vsel vm0, $0x3F800000, v5  }
.LBB2_3:
0x3a: {  	s23 =	sshra.s32 s20, $0x2  }
0x3b: {  	v10 =	vld [tilespmem:s23+$0x13880]  }
0x3c: {  	v11 =	vld [tilespmem:s23+$0x14820];
	_ =	sdelay $0x3  }
0x3d: {  	v10 =	vshll.u32 v10, $0x2  }
0x3e: {  	v11 =	vshll.u32 v11, $0x2;
	v12 =	vperm.xlane v10, v0  }
0x3f: {  	v15 =	vld [tilespmem:s23+$0x13890];
	v14 =	vperm.xlane v11, v0  }
0x40: {  	v16 =	vperm.xlane v10, v2;
	v12 =	vor.u32 v1, v12  }
0x41: {  	v17 =	vld [tilespmem:s23+$0x14830];
	v18 =	vor.u32 v1, v14;
	v14 =	vperm.xlane v11, v2  }
0x42: {  	v19 =	vperm.xlane v10, v3;
	v16 =	vor.u32 v1, v16  }
0x43: {  	v21 =	vperm.xlane v10, v4;
	v20 =	vor.u32 v1, v14;
	v14 =	vperm.xlane v11, v3  }
0x44: {  	v15 =	vshll.u32 v15, $0x2;
	v19 =	vor.u32 v1, v19  }
0x45: {  	v22 =	vor.u32 v1, v14;
	v14 =	vor.u32 v1, v21;
	v21 =	vperm.xlane v15, v0;
	v10 =	vld.idx.msk [tilespmem:v12+s2+$0x0], $0xffff  }
0x46: {  	(xrf0) =	vmax.scan.msk.f32 $0xffff, v13;
	v17 =	vshll.u32 v17, $0x2;
	v25 =	vperm.xlane v15, v2;
	v23 =	vld.idx.msk [tilespmem:v18+s10+$0x0], $0xffff  }
0x47: {  	v12 =	vperm.xlane v11, v4;
	v11 =	vld.idx.msk [tilespmem:v16+s2+$0x0], $0xffff;
	v16 =	vperm.xlane v17, v0;
	v21 =	vor.u32 v1, v21  }
0x48: {  	v28 =	vperm.xlane v15, v3;
	v25 =	vor.u32 v1, v25;
	v24 =	vld.idx.msk [tilespmem:v20+s10+$0x0], $0xffff  }
0x49: {  	v26 =	vor.u32 v1, v12;
	v12 =	vld.idx.msk [tilespmem:v19+s2+$0x0], $0xffff;
	v19 =	vor.u32 v1, v16;
	v16 =	vperm.xlane v17, v2  }
0x4a: {  	v28 =	vor.u32 v1, v28;
	v27 =	vld.idx.msk [tilespmem:v22+s10+$0x0], $0xffff  }
0x4b: {  	v15 =	vperm.xlane v15, v4;
	v13 =	vld.idx.msk [tilespmem:v14+s2+$0x0], $0xffff;
	v29 =	vor.u32 v1, v16;
	v16 =	vperm.xlane v17, v3  }
0x4c: {  	v14 =	vld.idx.msk [tilespmem:v21+s2+$0x0], $0xffff  }
0x4d: {  	v33, _, _ =	vpop (xrf0);
	v31 =	vor.u32 v1, v16;
	v16 =	vperm.xlane v17, v4;
	v17 =	vor.u32 v1, v15;
	v15 =	vld.idx.msk [tilespmem:v25+s2+$0x0], $0xffff  }
0x4e: {  	(v2sf) =	vpush v33, $0xF;
	v30 =	vld.idx.msk [tilespmem:v26+s10+$0x0], $0xffff  }
0x4f: {  	v21 =	vld.idx.msk [tilespmem:v19+s10+$0x0], $0xffff;
	v32 =	vor.u32 v1, v16  }
0x50: {  	v16 =	vld.idx.msk [tilespmem:v28+s2+$0x0], $0xffff  }
0x51: {  	v25 =	vld.idx.msk [tilespmem:v29+s10+$0x0], $0xffff  }
0x52: {  	v62 =	vld.idx.msk [tilespmem:v31+s10+$0x0], $0xffff  }
0x53: {  	v23 =	vmax.f32 v23, v10;
	v17 =	vld.idx.msk [tilespmem:v17+s2+$0x0], $0xffff  }
0x54: {  	v24 =	vmax.f32 v24, v11;
	v63 =	vld.idx.msk [tilespmem:v32+s10+$0x0], $0xffff;
	[tilespmem:v18+s10+$0x0] =	vst.idx.msk $0xffff, v23  }
0x55: {  	v23 =	vmax.f32 v27, v12;
	[tilespmem:v20+s10+$0x0] =	vst.idx.msk $0xffff, v24  }
0x56: {  	v24 =	vmax.f32 v30, v13;
	[tilespmem:v22+s10+$0x0] =	vst.idx.msk $0xffff, v23  }
0x57: {  	v21 =	vmax.f32 v21, v14;
	[tilespmem:v26+s10+$0x0] =	vst.idx.msk $0xffff, v24  }
0x58: {  	v23 =	vmax.f32 v25, v15;
	[tilespmem:v19+s10+$0x0] =	vst.idx.msk $0xffff, v21  }
0x59: {  	v21 =	vmax.f32 v62, v16;
	[tilespmem:v29+s10+$0x0] =	vst.idx.msk $0xffff, v23  }
0x5a: {  	v23 =	vmax.f32 v63, v17;
	[tilespmem:v31+s10+$0x0] =	vst.idx.msk $0xffff, v21  }
0x5b: {  	[tilespmem:v32+s10+$0x0] =	vst.idx.msk $0xffff, v23  }
0x5c: {  	v24 =	vld.idx.msk [tilespmem:v18+s10+$0x0], $0xffff  }
0x5d: {  	s31 =	spop (v2sf);
	v25 =	vld.idx.msk [tilespmem:v20+s10+$0x0], $0xffff  }
0x5e: {  	p0 =	sgt.f32 s31, $0.0e+00;
	v23 =	vld.idx.msk [tilespmem:v22+s10+$0x0], $0xffff  }
.Ltmp6:
0x5f: {  	v20 =	vld.idx.msk [tilespmem:v26+s10+$0x0], $0xffff;
	(pc) =	sbr.rel @!p0 .LBB2_5-.Ltmp6, $4  }
0x60: {  	v21 =	vld.idx.msk [tilespmem:v19+s10+$0x0], $0xffff  }
0x61: {  	v22 =	vld.idx.msk [tilespmem:v29+s10+$0x0], $0xffff  }
0x62: {  	v19 =	vld.idx.msk [tilespmem:v31+s10+$0x0], $0xffff  }
0x63: {  	v18 =	vld.idx.msk [tilespmem:v32+s10+$0x0], $0xffff  }
0x64: {  	v26 =	vmov s22  }
0x65: {  	v26 =	vshrl.u32 v26, $0x3  }
0x66: {  	v26 =	vshll.u32 v26, v6  }
0x67: {  	v26 =	vbroadcast v26, $0x0;
	_ =	sdelay $0x1  }
0x68: {  	v27 =	vor.u32 v0, v26;
	_ =	sdelay $0x4  }
0x69: {  	v28 =	vld.idx.msk [tilespmem:v27+s11+$0x0], $0xffff;
	_ =	sdelay $0x4  }
0x6a: {  	v28 =	vshll.u32 v28, $0x2  }
0x6b: {  	v27 =	vld.idx.msk [tilespmem:v27+s12+$0x0], $0xffff;
	v28 =	vor.u32 v1, v28;
	_ =	sdelay $0x4  }
0x6c: {  	v29 =	vshll.u32 v27, $0x2;
	v28 =	vld.idx.msk [tilespmem:v28+s2+$0x0], $0xffff  }
0x6d: {  	v29 =	vor.u32 v1, v29;
	_ =	sdelay $0x2  }
0x6e: {  	v30 =	vperm.xlane v27, v7;
	v31 =	vperm.xlane v27, v8  }
0x6f: {  	v33 =	vperm.xlane v27, v9;
	v32 =	vperm.xlane v28, v8  }
0x70: {  	v26 =	vor.u32 v2, v26;
	v35 =	vld.idx.msk [tilespmem:v29+s10+$0x0], $0xffff;
	v34 =	vperm.xlane v28, v7;
	v48 =	vperm.xlane v28, v9  }
0x71: {  	vm0 =	veq.s32 v31, v27;
	vm1 =	veq.s32 v30, v27;
	vm6 =	veq.s32 v33, v27  }
0x72: {  	v49 =	vsel vm0, v32, v28;
	v27 =	vsel vm6, v48, v28;
	v50 =	vmax.f32 v28, v34  }
0x73: {  	v28 =	vsel vm1, v50, v28;
	v27 =	vmax.f32 v49, v27  }
0x74: {  	v27 =	vmax.f32 v28, v27  }
0x75: {  	v27 =	vmax.f32 v35, v27  }
0x76: {  	[tilespmem:v29+s10+$0x0] =	vst.idx.msk $0xffff, v27  }
0x77: {  	v27 =	vld.idx.msk [tilespmem:v26+s11+$0x0], $0xffff;
	_ =	sdelay $0x4  }
0x78: {  	v27 =	vshll.u32 v27, $0x2  }
0x79: {  	v26 =	vld.idx.msk [tilespmem:v26+s12+$0x0], $0xffff;
	v27 =	vor.u32 v1, v27;
	_ =	sdelay $0x3  }
0x7a: {  	s23 =	sor.u32 $0x8, s22  }
0x7b: {  	v53 =	vmov s23;
	v51 =	vshll.u32 v26, $0x2;
	v27 =	vld.idx.msk [tilespmem:v27+s2+$0x0], $0xffff  }
0x7c: {  	v30 =	vshrl.u32 v53, $0x3;
	v28 =	vor.u32 v1, v51  }
0x7d: {  	v30 =	vshll.u32 v30, v6  }
0x7e: {  	v30 =	vbroadcast v30, $0x0  }
0x7f: {  	v52 =	vperm.xlane v26, v7;
	v55 =	vperm.xlane v26, v8  }
0x80: {  	v57 =	vperm.xlane v26, v9;
	v54 =	vperm.xlane v27, v7  }
0x81: {  	v61 =	vor.u32 v0, v30;
	v59 =	vld.idx.msk [tilespmem:v28+s10+$0x0], $0xffff;
	v56 =	vperm.xlane v27, v8;
	v58 =	vperm.xlane v27, v9  }
0x82: {  	vm7 =	veq.s32 v55, v26;
	vm8 =	veq.s32 v52, v26;
	vm9 =	veq.s32 v57, v26  }
0x83: {  	v60 =	vsel vm7, v56, v27;
	v26 =	vsel vm9, v58, v27;
	v31 =	vmax.f32 v27, v54  }
0x84: {  	v27 =	vsel vm8, v31, v27;
	v26 =	vmax.f32 v60, v26  }
0x85: {  	v26 =	vmax.f32 v27, v26  }
0x86: {  	v26 =	vmax.f32 v59, v26  }
0x87: {  	[tilespmem:v28+s10+$0x0] =	vst.idx.msk $0xffff, v26  }
0x88: {  	v26 =	vld.idx.msk [tilespmem:v61+s11+$0x0], $0xffff;
	_ =	sdelay $0x4  }
0x89: {  	v26 =	vshll.u32 v26, $0x2  }
0x8a: {  	v27 =	vld.idx.msk [tilespmem:v61+s12+$0x0], $0xffff;
	v26 =	vor.u32 v1, v26;
	_ =	sdelay $0x4  }
0x8b: {  	v62 =	vshll.u32 v27, $0x2;
	v26 =	vld.idx.msk [tilespmem:v26+s2+$0x0], $0xffff  }
0x8c: {  	v28 =	vor.u32 v1, v62;
	_ =	sdelay $0x2  }
0x8d: {  	v63 =	vperm.xlane v27, v7;
	v36 =	vperm.xlane v27, v8  }
0x8e: {  	v38 =	vperm.xlane v27, v9;
	v37 =	vperm.xlane v26, v8  }
0x8f: {  	v30 =	vor.u32 v2, v30;
	v41 =	vld.idx.msk [tilespmem:v28+s10+$0x0], $0xffff;
	v39 =	vperm.xlane v26, v7;
	v40 =	vperm.xlane v26, v9  }
0x90: {  	vm10 =	veq.s32 v36, v27;
	vm11 =	veq.s32 v63, v27;
	vm12 =	veq.s32 v38, v27  }
0x91: {  	v42 =	vsel vm10, v37, v26;
	v27 =	vsel vm12, v40, v26;
	v43 =	vmax.f32 v26, v39  }
0x92: {  	v26 =	vsel vm11, v43, v26;
	v27 =	vmax.f32 v42, v27  }
0x93: {  	v26 =	vmax.f32 v26, v27  }
0x94: {  	v26 =	vmax.f32 v41, v26  }
0x95: {  	[tilespmem:v28+s10+$0x0] =	vst.idx.msk $0xffff, v26  }
0x96: {  	v26 =	vld.idx.msk [tilespmem:v30+s11+$0x0], $0xffff;
	_ =	sdelay $0x4  }
0x97: {  	v26 =	vshll.u32 v26, $0x2  }
0x98: {  	v27 =	vld.idx.msk [tilespmem:v30+s12+$0x0], $0xffff;
	v26 =	vor.u32 v1, v26;
	_ =	sdelay $0x3  }
0x99: {  	s30 =	sor.u32 $0x10, s22  }
0x9a: {  	v46 =	vmov s30;
	v44 =	vshll.u32 v27, $0x2;
	v26 =	vld.idx.msk [tilespmem:v26+s2+$0x0], $0xffff  }
0x9b: {  	v30 =	vshrl.u32 v46, $0x3;
	v28 =	vor.u32 v1, v44  }
0x9c: {  	v30 =	vshll.u32 v30, v6  }
0x9d: {  	v30 =	vbroadcast v30, $0x0  }
0x9e: {  	v45 =	vperm.xlane v27, v7;
	v48 =	vperm.xlane v27, v8  }
0x9f: {  	v50 =	vperm.xlane v27, v9;
	v47 =	vperm.xlane v26, v7  }
0xa0: {  	v54 =	vor.u32 v0, v30;
	v52 =	vld.idx.msk [tilespmem:v28+s10+$0x0], $0xffff;
	v49 =	vperm.xlane v26, v8;
	v51 =	vperm.xlane v26, v9  }
0xa1: {  	vm13 =	veq.s32 v48, v27;
	vm14 =	veq.s32 v45, v27;
	vm15 =	veq.s32 v50, v27  }
0xa2: {  	v53 =	vsel vm13, v49, v26;
	v27 =	vsel vm15, v51, v26;
	v31 =	vmax.f32 v26, v47  }
0xa3: {  	v26 =	vsel vm14, v31, v26;
	v27 =	vmax.f32 v53, v27  }
0xa4: {  	v26 =	vmax.f32 v26, v27  }
0xa5: {  	v26 =	vmax.f32 v52, v26  }
0xa6: {  	[tilespmem:v28+s10+$0x0] =	vst.idx.msk $0xffff, v26  }
0xa7: {  	v26 =	vld.idx.msk [tilespmem:v54+s11+$0x0], $0xffff;
	_ =	sdelay $0x4  }
0xa8: {  	v26 =	vshll.u32 v26, $0x2  }
0xa9: {  	v27 =	vld.idx.msk [tilespmem:v54+s12+$0x0], $0xffff;
	v26 =	vor.u32 v1, v26;
	_ =	sdelay $0x4  }
0xaa: {  	v55 =	vshll.u32 v27, $0x2;
	v26 =	vld.idx.msk [tilespmem:v26+s2+$0x0], $0xffff  }
0xab: {  	v28 =	vor.u32 v1, v55;
	_ =	sdelay $0x2  }
0xac: {  	v56 =	vperm.xlane v27, v7;
	v57 =	vperm.xlane v27, v8  }
0xad: {  	v59 =	vperm.xlane v27, v9;
	v58 =	vperm.xlane v26, v8  }
0xae: {  	v30 =	vor.u32 v2, v30;
	v62 =	vld.idx.msk [tilespmem:v28+s10+$0x0], $0xffff;
	v60 =	vperm.xlane v26, v7;
	v61 =	vperm.xlane v26, v9  }
0xaf: {  	vm4 =	veq.s32 v57, v27;
	vm5 =	veq.s32 v56, v27;
	vm6 =	veq.s32 v59, v27  }
0xb0: {  	v63 =	vsel vm4, v58, v26;
	v27 =	vsel vm6, v61, v26;
	v34 =	vmax.f32 v26, v60  }
0xb1: {  	v26 =	vsel vm5, v34, v26;
	v27 =	vmax.f32 v63, v27  }
0xb2: {  	v26 =	vmax.f32 v26, v27  }
0xb3: {  	v26 =	vmax.f32 v62, v26  }
0xb4: {  	[tilespmem:v28+s10+$0x0] =	vst.idx.msk $0xffff, v26  }
0xb5: {  	v26 =	vld.idx.msk [tilespmem:v30+s11+$0x0], $0xffff;
	_ =	sdelay $0x4  }
0xb6: {  	v26 =	vshll.u32 v26, $0x2  }
0xb7: {  	v27 =	vld.idx.msk [tilespmem:v30+s12+$0x0], $0xffff;
	v26 =	vor.u32 v1, v26;
	_ =	sdelay $0x3  }
0xb8: {  	s31 =	sor.u32 $0x18, s22  }
0xb9: {  	v37 =	vmov s31;
	v35 =	vshll.u32 v27, $0x2;
	v26 =	vld.idx.msk [tilespmem:v26+s2+$0x0], $0xffff  }
0xba: {  	v30 =	vshrl.u32 v37, $0x3;
	v28 =	vor.u32 v1, v35  }
0xbb: {  	v30 =	vshll.u32 v30, v6  }
0xbc: {  	v30 =	vbroadcast v30, $0x0  }
0xbd: {  	v36 =	vperm.xlane v27, v7;
	v39 =	vperm.xlane v27, v8  }
0xbe: {  	v41 =	vperm.xlane v27, v9;
	v38 =	vperm.xlane v26, v7  }
0xbf: {  	v45 =	vor.u32 v0, v30;
	v43 =	vld.idx.msk [tilespmem:v28+s10+$0x0], $0xffff;
	v40 =	vperm.xlane v26, v8;
	v42 =	vperm.xlane v26, v9  }
0xc0: {  	vm7 =	veq.s32 v39, v27;
	vm8 =	veq.s32 v36, v27;
	vm9 =	veq.s32 v41, v27  }
0xc1: {  	v44 =	vsel vm7, v40, v26;
	v27 =	vsel vm9, v42, v26;
	v31 =	vmax.f32 v26, v38  }
0xc2: {  	v26 =	vsel vm8, v31, v26;
	v27 =	vmax.f32 v44, v27  }
0xc3: {  	v26 =	vmax.f32 v26, v27  }
0xc4: {  	v26 =	vmax.f32 v43, v26  }
0xc5: {  	[tilespmem:v28+s10+$0x0] =	vst.idx.msk $0xffff, v26  }
0xc6: {  	v26 =	vld.idx.msk [tilespmem:v45+s11+$0x0], $0xffff;
	_ =	sdelay $0x4  }
0xc7: {  	v26 =	vshll.u32 v26, $0x2  }
0xc8: {  	v27 =	vld.idx.msk [tilespmem:v45+s12+$0x0], $0xffff;
	v26 =	vor.u32 v1, v26;
	_ =	sdelay $0x4  }
0xc9: {  	v46 =	vshll.u32 v27, $0x2;
	v26 =	vld.idx.msk [tilespmem:v26+s2+$0x0], $0xffff  }
0xca: {  	v28 =	vor.u32 v1, v46;
	_ =	sdelay $0x2  }
0xcb: {  	v47 =	vperm.xlane v27, v7;
	v48 =	vperm.xlane v27, v8  }
0xcc: {  	v50 =	vperm.xlane v27, v9;
	v49 =	vperm.xlane v26, v8  }
0xcd: {  	v30 =	vor.u32 v2, v30;
	v53 =	vld.idx.msk [tilespmem:v28+s10+$0x0], $0xffff;
	v51 =	vperm.xlane v26, v7;
	v52 =	vperm.xlane v26, v9  }
0xce: {  	vm10 =	veq.s32 v48, v27;
	vm11 =	veq.s32 v47, v27;
	vm12 =	veq.s32 v50, v27  }
0xcf: {  	v54 =	vsel vm10, v49, v26;
	v27 =	vsel vm12, v52, v26;
	v55 =	vmax.f32 v26, v51  }
0xd0: {  	v26 =	vsel vm11, v55, v26;
	v27 =	vmax.f32 v54, v27  }
0xd1: {  	v26 =	vmax.f32 v26, v27  }
0xd2: {  	v26 =	vmax.f32 v53, v26  }
0xd3: {  	[tilespmem:v28+s10+$0x0] =	vst.idx.msk $0xffff, v26  }
0xd4: {  	v26 =	vld.idx.msk [tilespmem:v30+s11+$0x0], $0xffff;
	_ =	sdelay $0x4  }
0xd5: {  	v26 =	vshll.u32 v26, $0x2  }
0xd6: {  	v27 =	vld.idx.msk [tilespmem:v30+s12+$0x0], $0xffff;
	v26 =	vor.u32 v1, v26;
	_ =	sdelay $0x4  }
0xd7: {  	v56 =	vshll.u32 v27, $0x2;
	v26 =	vld.idx.msk [tilespmem:v26+s2+$0x0], $0xffff  }
0xd8: {  	v28 =	vor.u32 v1, v56;
	_ =	sdelay $0x2  }
0xd9: {  	v57 =	vperm.xlane v27, v7;
	v30 =	vperm.xlane v27, v8  }
0xda: {  	v59 =	vperm.xlane v27, v9;
	v58 =	vperm.xlane v26, v8  }
0xdb: {  	v62 =	vld.idx.msk [tilespmem:v28+s10+$0x0], $0xffff;
	v60 =	vperm.xlane v26, v7;
	v61 =	vperm.xlane v26, v9  }
0xdc: {  	vm13 =	veq.s32 v30, v27;
	vm14 =	veq.s32 v59, v27;
	vm15 =	veq.s32 v57, v27  }
.Ltmp7:
0xdd: {  	v31 =	vsel vm13, v58, v26;
	v27 =	vsel vm14, v61, v26;
	v63 =	vmax.f32 v26, v60;
	(pc) =	sbr.rel .LBB2_5-.Ltmp7, $4  }
0xde: {  	v26 =	vsel vm15, v63, v26;
	v27 =	vmax.f32 v31, v27  }
0xdf: {  	v26 =	vmax.f32 v26, v27  }
0xe0: {  	v26 =	vmax.f32 v62, v26  }
0xe1: {  	[tilespmem:v28+s10+$0x0] =	vst.idx.msk $0xffff, v26  }
.LBB2_6:
0xe2: {  	(xrf0) =	vmax.scan.msk.f32 $0xffff, v13;
	_ =	sdelay $0x5  }
0xe3: {  	v10, _, _ =	vpop (xrf0)  }
0xe4: {  	(v2sf) =	vpush v10, $0xF;
	_ =	sdelay $0xe  }
0xe5: {  	s20 =	spop (v2sf)  }
0xe6: {  	p0 =	sgt.f32 s20, $0.0e+00  }
.Ltmp8:
0xe7: {  	_ = 	snop;
	(pc) =	sbr.rel @!p0 .LBB2_8-.Ltmp8, $2  }
0xe8: {  	_ =	sdelay $0x2  }
0xe9: {  	v10 =	vor.u32 $0xF80, v0  }
0xea: {  	_ =	sdelay $0x3  }
0xeb: {  	v11 =	vld.idx.msk [tilespmem:v10+s11+$0x0], $0xffff;
	_ =	sdelay $0x4  }
0xec: {  	v11 =	vshll.u32 v11, $0x2  }
0xed: {  	v12 =	vld.idx.msk [tilespmem:v10+s12+$0x0], $0xffff;
	v11 =	vor.u32 v1, v11;
	_ =	sdelay $0x4  }
0xee: {  	v13 =	vshll.u32 v12, $0x2;
	v11 =	vld.idx.msk [tilespmem:v11+s2+$0x0], $0xffff  }
0xef: {  	v13 =	vor.u32 v1, v13;
	_ =	sdelay $0x2  }
0xf0: {  	v14 =	vperm.xlane v12, v7;
	v15 =	vperm.xlane v12, v8  }
0xf1: {  	v17 =	vperm.xlane v12, v9;
	v16 =	vperm.xlane v11, v8  }
0xf2: {  	v23 =	vor.u32 $0xF84, v0;
	v19 =	vld.idx.msk [tilespmem:v13+s10+$0x0], $0xffff;
	v18 =	vperm.xlane v11, v7;
	v63 =	vperm.xlane v11, v9  }
0xf3: {  	vm0 =	veq.s32 v15, v12;
	vm1 =	veq.s32 v14, v12;
	vm6 =	veq.s32 v17, v12  }
0xf4: {  	v21 =	vsel vm0, v16, v11;
	v12 =	vsel vm6, v63, v11;
	v22 =	vmax.f32 v11, v18  }
0xf5: {  	v11 =	vsel vm1, v22, v11;
	v12 =	vmax.f32 v21, v12  }
0xf6: {  	v11 =	vmax.f32 v11, v12  }
0xf7: {  	v11 =	vmax.f32 v19, v11  }
0xf8: {  	[tilespmem:v13+s10+$0x0] =	vst.idx.msk $0xffff, v11  }
0xf9: {  	v11 =	vld.idx.msk [tilespmem:v23+s11+$0x0], $0xffff;
	_ =	sdelay $0x4  }
0xfa: {  	v11 =	vshll.u32 v11, $0x2  }
0xfb: {  	v24 =	vld.idx.msk [tilespmem:v23+s12+$0x0], $0xffff;
	v11 =	vor.u32 v1, v11;
	_ =	sdelay $0x4  }
0xfc: {  	v25 =	vshll.u32 v24, $0x2;
	v11 =	vld.idx.msk [tilespmem:v11+s2+$0x0], $0xffff  }
0xfd: {  	v13 =	vor.u32 v1, v25;
	_ =	sdelay $0x2  }
0xfe: {  	v26 =	vperm.xlane v24, v7;
	v27 =	vperm.xlane v24, v8  }
0xff: {  	v29 =	vperm.xlane v24, v9;
	v28 =	vperm.xlane v11, v8  }
0x100: {  	v35 =	vor.u32 $0xF88, v0;
	v32 =	vld.idx.msk [tilespmem:v13+s10+$0x0], $0xffff;
	v30 =	vperm.xlane v11, v7;
	v31 =	vperm.xlane v11, v9  }
0x101: {  	vm7 =	veq.s32 v27, v24;
	vm8 =	veq.s32 v26, v24;
	vm9 =	veq.s32 v29, v24  }
0x102: {  	v33 =	vsel vm7, v28, v11;
	v12 =	vsel vm9, v31, v11;
	v34 =	vmax.f32 v11, v30  }
0x103: {  	v11 =	vsel vm8, v34, v11;
	v12 =	vmax.f32 v33, v12  }
0x104: {  	v11 =	vmax.f32 v11, v12  }
0x105: {  	v11 =	vmax.f32 v32, v11  }
0x106: {  	[tilespmem:v13+s10+$0x0] =	vst.idx.msk $0xffff, v11  }
0x107: {  	v11 =	vld.idx.msk [tilespmem:v35+s11+$0x0], $0xffff;
	_ =	sdelay $0x4  }
0x108: {  	v11 =	vshll.u32 v11, $0x2  }
0x109: {  	v36 =	vld.idx.msk [tilespmem:v35+s12+$0x0], $0xffff;
	v11 =	vor.u32 v1, v11;
	_ =	sdelay $0x4  }
0x10a: {  	v37 =	vshll.u32 v36, $0x2;
	v11 =	vld.idx.msk [tilespmem:v11+s2+$0x0], $0xffff  }
0x10b: {  	v13 =	vor.u32 v1, v37;
	_ =	sdelay $0x2  }
0x10c: {  	v38 =	vperm.xlane v36, v7;
	v39 =	vperm.xlane v36, v8  }
0x10d: {  	v41 =	vperm.xlane v36, v9;
	v40 =	vperm.xlane v11, v8  }
0x10e: {  	v47 =	vor.u32 $0xF8C, v0;
	v44 =	vld.idx.msk [tilespmem:v13+s10+$0x0], $0xffff;
	v42 =	vperm.xlane v11, v7;
	v43 =	vperm.xlane v11, v9  }
0x10f: {  	vm10 =	veq.s32 v39, v36;
	vm11 =	veq.s32 v38, v36;
	vm12 =	veq.s32 v41, v36  }
0x110: {  	v45 =	vsel vm10, v40, v11;
	v12 =	vsel vm12, v43, v11;
	v46 =	vmax.f32 v11, v42  }
0x111: {  	v11 =	vsel vm11, v46, v11;
	v12 =	vmax.f32 v45, v12  }
0x112: {  	v11 =	vmax.f32 v11, v12  }
0x113: {  	v11 =	vmax.f32 v44, v11  }
0x114: {  	[tilespmem:v13+s10+$0x0] =	vst.idx.msk $0xffff, v11  }
0x115: {  	v11 =	vld.idx.msk [tilespmem:v47+s11+$0x0], $0xffff;
	_ =	sdelay $0x4  }
0x116: {  	v11 =	vshll.u32 v11, $0x2  }
0x117: {  	v48 =	vld.idx.msk [tilespmem:v47+s12+$0x0], $0xffff;
	v11 =	vor.u32 v1, v11;
	_ =	sdelay $0x4  }
0x118: {  	v49 =	vshll.u32 v48, $0x2;
	v11 =	vld.idx.msk [tilespmem:v11+s2+$0x0], $0xffff  }
0x119: {  	v13 =	vor.u32 v1, v49;
	_ =	sdelay $0x2  }
0x11a: {  	v50 =	vperm.xlane v48, v7;
	v51 =	vperm.xlane v48, v8  }
0x11b: {  	v53 =	vperm.xlane v48, v9;
	v52 =	vperm.xlane v11, v8  }
0x11c: {  	v59 =	vor.u32 $0xF90, v0;
	v56 =	vld.idx.msk [tilespmem:v13+s10+$0x0], $0xffff;
	v54 =	vperm.xlane v11, v7;
	v55 =	vperm.xlane v11, v9  }
0x11d: {  	vm13 =	veq.s32 v51, v48;
	vm14 =	veq.s32 v50, v48;
	vm15 =	veq.s32 v53, v48  }
0x11e: {  	v57 =	vsel vm13, v52, v11;
	v12 =	vsel vm15, v55, v11;
	v58 =	vmax.f32 v11, v54  }
0x11f: {  	v11 =	vsel vm14, v58, v11;
	v12 =	vmax.f32 v57, v12  }
0x120: {  	v11 =	vmax.f32 v11, v12  }
0x121: {  	v11 =	vmax.f32 v56, v11  }
0x122: {  	[tilespmem:v13+s10+$0x0] =	vst.idx.msk $0xffff, v11  }
0x123: {  	v11 =	vld.idx.msk [tilespmem:v59+s11+$0x0], $0xffff;
	_ =	sdelay $0x4  }
0x124: {  	v11 =	vshll.u32 v11, $0x2  }
0x125: {  	v60 =	vld.idx.msk [tilespmem:v59+s12+$0x0], $0xffff;
	v11 =	vor.u32 v1, v11;
	_ =	sdelay $0x4  }
0x126: {  	v61 =	vshll.u32 v60, $0x2;
	v11 =	vld.idx.msk [tilespmem:v11+s2+$0x0], $0xffff  }
0x127: {  	v13 =	vor.u32 v1, v61;
	_ =	sdelay $0x2  }
0x128: {  	v62 =	vperm.xlane v60, v7;
	v63 =	vperm.xlane v60, v8  }
0x129: {  	v22 =	vperm.xlane v60, v9;
	v21 =	vperm.xlane v11, v8  }
0x12a: {  	v28 =	vor.u32 $0xF94, v0;
	v25 =	vld.idx.msk [tilespmem:v13+s10+$0x0], $0xffff;
	v23 =	vperm.xlane v11, v7;
	v24 =	vperm.xlane v11, v9  }
0x12b: {  	vm4 =	veq.s32 v63, v60;
	vm5 =	veq.s32 v62, v60;
	vm6 =	veq.s32 v22, v60  }
0x12c: {  	v26 =	vsel vm4, v21, v11;
	v12 =	vsel vm6, v24, v11;
	v27 =	vmax.f32 v11, v23  }
0x12d: {  	v11 =	vsel vm5, v27, v11;
	v12 =	vmax.f32 v26, v12  }
0x12e: {  	v11 =	vmax.f32 v11, v12  }
0x12f: {  	v11 =	vmax.f32 v25, v11  }
0x130: {  	[tilespmem:v13+s10+$0x0] =	vst.idx.msk $0xffff, v11  }
0x131: {  	v11 =	vld.idx.msk [tilespmem:v28+s11+$0x0], $0xffff;
	_ =	sdelay $0x4  }
0x132: {  	v11 =	vshll.u32 v11, $0x2  }
0x133: {  	v29 =	vld.idx.msk [tilespmem:v28+s12+$0x0], $0xffff;
	v11 =	vor.u32 v1, v11;
	_ =	sdelay $0x4  }
0x134: {  	v30 =	vshll.u32 v29, $0x2;
	v11 =	vld.idx.msk [tilespmem:v11+s2+$0x0], $0xffff  }
0x135: {  	v13 =	vor.u32 v1, v30;
	_ =	sdelay $0x2  }
0x136: {  	v31 =	vperm.xlane v29, v7;
	v32 =	vperm.xlane v29, v8  }
0x137: {  	v34 =	vperm.xlane v29, v9;
	v33 =	vperm.xlane v11, v8  }
0x138: {  	v40 =	vor.u32 $0xF98, v0;
	v37 =	vld.idx.msk [tilespmem:v13+s10+$0x0], $0xffff;
	v35 =	vperm.xlane v11, v7;
	v36 =	vperm.xlane v11, v9  }
0x139: {  	vm7 =	veq.s32 v32, v29;
	vm8 =	veq.s32 v31, v29;
	vm9 =	veq.s32 v34, v29  }
0x13a: {  	v38 =	vsel vm7, v33, v11;
	v12 =	vsel vm9, v36, v11;
	v39 =	vmax.f32 v11, v35  }
0x13b: {  	v11 =	vsel vm8, v39, v11;
	v12 =	vmax.f32 v38, v12  }
0x13c: {  	v11 =	vmax.f32 v11, v12  }
0x13d: {  	v11 =	vmax.f32 v37, v11  }
0x13e: {  	[tilespmem:v13+s10+$0x0] =	vst.idx.msk $0xffff, v11  }
0x13f: {  	v11 =	vld.idx.msk [tilespmem:v40+s11+$0x0], $0xffff;
	_ =	sdelay $0x4  }
0x140: {  	v11 =	vshll.u32 v11, $0x2  }
0x141: {  	v41 =	vld.idx.msk [tilespmem:v40+s12+$0x0], $0xffff;
	v11 =	vor.u32 v1, v11;
	_ =	sdelay $0x4  }
0x142: {  	v42 =	vshll.u32 v41, $0x2;
	v11 =	vld.idx.msk [tilespmem:v11+s2+$0x0], $0xffff  }
0x143: {  	v13 =	vor.u32 v1, v42;
	_ =	sdelay $0x2  }
0x144: {  	v43 =	vperm.xlane v41, v7;
	v44 =	vperm.xlane v41, v8  }
0x145: {  	v46 =	vperm.xlane v41, v9;
	v45 =	vperm.xlane v11, v8  }
0x146: {  	v52 =	vor.u32 $0xF9C, v0;
	v49 =	vld.idx.msk [tilespmem:v13+s10+$0x0], $0xffff;
	v47 =	vperm.xlane v11, v7;
	v48 =	vperm.xlane v11, v9  }
0x147: {  	vm10 =	veq.s32 v44, v41;
	vm11 =	veq.s32 v43, v41;
	vm12 =	veq.s32 v46, v41  }
0x148: {  	v50 =	vsel vm10, v45, v11;
	v12 =	vsel vm12, v48, v11;
	v51 =	vmax.f32 v11, v47  }
0x149: {  	v11 =	vsel vm11, v51, v11;
	v12 =	vmax.f32 v50, v12  }
0x14a: {  	v11 =	vmax.f32 v11, v12  }
0x14b: {  	v11 =	vmax.f32 v49, v11  }
0x14c: {  	[tilespmem:v13+s10+$0x0] =	vst.idx.msk $0xffff, v11  }
0x14d: {  	v11 =	vld.idx.msk [tilespmem:v52+s11+$0x0], $0xffff;
	_ =	sdelay $0x4  }
0x14e: {  	v11 =	vshll.u32 v11, $0x2  }
0x14f: {  	v53 =	vld.idx.msk [tilespmem:v52+s12+$0x0], $0xffff;
	v11 =	vor.u32 v1, v11;
	_ =	sdelay $0x4  }
0x150: {  	v54 =	vshll.u32 v53, $0x2;
	v11 =	vld.idx.msk [tilespmem:v11+s2+$0x0], $0xffff  }
0x151: {  	v13 =	vor.u32 v1, v54;
	_ =	sdelay $0x2  }
0x152: {  	v55 =	vperm.xlane v53, v7;
	v56 =	vperm.xlane v53, v8  }
0x153: {  	v58 =	vperm.xlane v53, v9;
	v57 =	vperm.xlane v11, v8  }
0x154: {  	v61 =	vld.idx.msk [tilespmem:v13+s10+$0x0], $0xffff;
	v59 =	vperm.xlane v11, v7;
	v60 =	vperm.xlane v11, v9  }
0x155: {  	vm13 =	veq.s32 v56, v53;
	vm14 =	veq.s32 v58, v53;
	vm15 =	veq.s32 v55, v53  }
0x156: {  	v16 =	vsel vm13, v57, v11;
	v62 =	vsel vm14, v60, v11;
	v63 =	vmax.f32 v11, v59  }
0x157: {  	v11 =	vsel vm15, v63, v11;
	v12 =	vmax.f32 v16, v62  }
0x158: {  	v11 =	vmax.f32 v11, v12  }
0x159: {  	v11 =	vmax.f32 v61, v11  }
0x15a: {  	[tilespmem:v13+s10+$0x0] =	vst.idx.msk $0xffff, v11  }
.LBB2_8:
0x15b: {  	p0 =	seq.s32 s18, $0x27  }
0x15c: {  	s19 =	sshrl.u32 @!p0 s19, $0x3  }
0x15d: {  	s19 =	sadd.s32 @!p0 $0x3E8, s19  }
0x15e: {  	s21 =	simm.s32 @!p0 $0x0;
	s22 =	simm.s32 @!p0 $0x13880;
	s20 =	sadd.s32 @!p0 s3, s19  }
0x15f: {  	[tilespmem:s22], [sflag:$0x1] =	stream.linear.gather @!p0 [hbm4b:s20+s21], $0xFA0, $0x38;
	[tilespmem:$0x17700] =	vst v63  }
0x160: {  	s19 =	sadd.s32 @!p0 s4, s19;
	s20 =	simm.s32 @!p0 $0x14820  }
0x161: {  	[tilespmem:s20], [sflag:$0x1] =	stream.linear.gather @!p0 [hbm4b:s19+s21], $0xFA0, $0x38;
	[tilespmem:$0x17700] =	vst v63  }
0x162: {  	_ =	swait.ge [sflag:s16], $0xFA0  }
.Ltmp9:
0x163: {  	[sflag:s16] =	ssyncset.done $0x0;
	(pc) =	sbr.rel .LBB2_9-.Ltmp9, $4  }
0x164: {  	[sflag:s16] =	ssyncadd.s32 $0xFFFFF060  }
0x165: {  	_ =	swait.ge [sflag:s16], $0xFA0  }
0x166: {  	s19 =	simm.s32 $0x0;
	[sflag:s16] =	ssyncset.done $0x0  }
0x167: {  	v14 =	vimm.f32 $0.0e+00;
	s21 =	simm.s32 $0x0;
	s20 =	simm.s32 $0x0;
	[sflag:s16] =	ssyncadd.s32 $0xFFFFF060  }
.LBB2_11:
0x168: {  	vm0 =	vlt.f32 v25, v11;
	vm1 =	vlt.f32 v26, v12  }
0x169: {  	vm10 =	vlt.f32 v24, v13;
	vm0 =	vmor vm0, vm1  }
0x16a: {  	vm11 =	vlt.f32 v21, v14;
	s19 =	sadd.s32 $0x80, s19;
	vm0 =	vmor vm0, vm10  }
0x16b: {  	vm12 =	vlt.f32 v22, v15;
	p0 =	sne.s32 s19, $0x3E80;
	vm0 =	vmor vm0, vm11  }
.Ltmp10:
0x16c: {  	vm13 =	vlt.f32 v23, v16;
	vm0 =	vmor vm0, vm12;
	(pc) =	sbr.rel @!p0 .LBB2_12-.Ltmp10, $4  }
0x16d: {  	vm14 =	vlt.f32 v20, v17;
	vm0 =	vmor vm0, vm13  }
0x16e: {  	vm15 =	vlt.f32 v19, v18;
	vm0 =	vmor vm0, vm14  }
0x16f: {  	vm0 =	vmor vm0, vm15  }
0x170: {  	s21 =	sshll.u32 s20, $0x5;
	s20 =	sadd.s32 $0x1, s20;
	v14 =	vsel vm0, $0x3F800000, v5  }
.LBB2_9:
0x171: {  	s22 =	sshra.s32 s19, $0x2  }
0x172: {  	v11 =	vld [tilespmem:s22+$0x157C0]  }
0x173: {  	v12 =	vld [tilespmem:s22+$0x16760];
	_ =	sdelay $0x3  }
0x174: {  	v11 =	vshll.u32 v11, $0x2  }
0x175: {  	v12 =	vshll.u32 v12, $0x2;
	v13 =	vperm.xlane v11, v0  }
0x176: {  	v16 =	vld [tilespmem:s22+$0x157D0];
	v15 =	vperm.xlane v12, v0  }
0x177: {  	v17 =	vperm.xlane v11, v2;
	v13 =	vor.u32 v1, v13  }
0x178: {  	v18 =	vld [tilespmem:s22+$0x16770];
	v19 =	vor.u32 v1, v15;
	v15 =	vperm.xlane v12, v2  }
0x179: {  	v20 =	vperm.xlane v11, v3;
	v17 =	vor.u32 v1, v17  }
0x17a: {  	v22 =	vperm.xlane v11, v4;
	v21 =	vor.u32 v1, v15;
	v15 =	vperm.xlane v12, v3  }
0x17b: {  	v16 =	vshll.u32 v16, $0x2;
	v20 =	vor.u32 v1, v20  }
0x17c: {  	v23 =	vor.u32 v1, v15;
	v15 =	vor.u32 v1, v22;
	v22 =	vperm.xlane v16, v0;
	v11 =	vld.idx.msk [tilespmem:v13+s2+$0x0], $0xffff  }
0x17d: {  	(xrf0) =	vmax.scan.msk.f32 $0xffff, v14;
	v18 =	vshll.u32 v18, $0x2;
	v26 =	vperm.xlane v16, v2;
	v24 =	vld.idx.msk [tilespmem:v19+s10+$0x0], $0xffff  }
0x17e: {  	v13 =	vperm.xlane v12, v4;
	v12 =	vld.idx.msk [tilespmem:v17+s2+$0x0], $0xffff;
	v17 =	vperm.xlane v18, v0;
	v22 =	vor.u32 v1, v22  }
0x17f: {  	v29 =	vperm.xlane v16, v3;
	v26 =	vor.u32 v1, v26;
	v25 =	vld.idx.msk [tilespmem:v21+s10+$0x0], $0xffff  }
0x180: {  	v27 =	vor.u32 v1, v13;
	v13 =	vld.idx.msk [tilespmem:v20+s2+$0x0], $0xffff;
	v20 =	vor.u32 v1, v17;
	v17 =	vperm.xlane v18, v2  }
0x181: {  	v29 =	vor.u32 v1, v29;
	v28 =	vld.idx.msk [tilespmem:v23+s10+$0x0], $0xffff  }
0x182: {  	v16 =	vperm.xlane v16, v4;
	v14 =	vld.idx.msk [tilespmem:v15+s2+$0x0], $0xffff;
	v30 =	vor.u32 v1, v17;
	v17 =	vperm.xlane v18, v3  }
0x183: {  	v15 =	vld.idx.msk [tilespmem:v22+s2+$0x0], $0xffff  }
0x184: {  	v34, _, _ =	vpop (xrf0);
	v32 =	vor.u32 v1, v17;
	v17 =	vperm.xlane v18, v4;
	v18 =	vor.u32 v1, v16;
	v16 =	vld.idx.msk [tilespmem:v26+s2+$0x0], $0xffff  }
0x185: {  	(v2sf) =	vpush v34, $0xF;
	v31 =	vld.idx.msk [tilespmem:v27+s10+$0x0], $0xffff  }
0x186: {  	v22 =	vld.idx.msk [tilespmem:v20+s10+$0x0], $0xffff;
	v33 =	vor.u32 v1, v17  }
0x187: {  	v17 =	vld.idx.msk [tilespmem:v29+s2+$0x0], $0xffff  }
0x188: {  	v26 =	vld.idx.msk [tilespmem:v30+s10+$0x0], $0xffff  }
0x189: {  	v62 =	vld.idx.msk [tilespmem:v32+s10+$0x0], $0xffff  }
0x18a: {  	v24 =	vmax.f32 v24, v11;
	v18 =	vld.idx.msk [tilespmem:v18+s2+$0x0], $0xffff  }
0x18b: {  	v25 =	vmax.f32 v25, v12;
	v63 =	vld.idx.msk [tilespmem:v33+s10+$0x0], $0xffff;
	[tilespmem:v19+s10+$0x0] =	vst.idx.msk $0xffff, v24  }
0x18c: {  	v24 =	vmax.f32 v28, v13;
	[tilespmem:v21+s10+$0x0] =	vst.idx.msk $0xffff, v25  }
0x18d: {  	v25 =	vmax.f32 v31, v14;
	[tilespmem:v23+s10+$0x0] =	vst.idx.msk $0xffff, v24  }
0x18e: {  	v22 =	vmax.f32 v22, v15;
	[tilespmem:v27+s10+$0x0] =	vst.idx.msk $0xffff, v25  }
0x18f: {  	v24 =	vmax.f32 v26, v16;
	[tilespmem:v20+s10+$0x0] =	vst.idx.msk $0xffff, v22  }
0x190: {  	v22 =	vmax.f32 v62, v17;
	[tilespmem:v30+s10+$0x0] =	vst.idx.msk $0xffff, v24  }
0x191: {  	v24 =	vmax.f32 v63, v18;
	[tilespmem:v32+s10+$0x0] =	vst.idx.msk $0xffff, v22  }
0x192: {  	[tilespmem:v33+s10+$0x0] =	vst.idx.msk $0xffff, v24  }
0x193: {  	v25 =	vld.idx.msk [tilespmem:v19+s10+$0x0], $0xffff  }
0x194: {  	s31 =	spop (v2sf);
	v26 =	vld.idx.msk [tilespmem:v21+s10+$0x0], $0xffff  }
0x195: {  	p0 =	sgt.f32 s31, $0.0e+00;
	v24 =	vld.idx.msk [tilespmem:v23+s10+$0x0], $0xffff  }
.Ltmp11:
0x196: {  	v21 =	vld.idx.msk [tilespmem:v27+s10+$0x0], $0xffff;
	(pc) =	sbr.rel @!p0 .LBB2_11-.Ltmp11, $4  }
0x197: {  	v22 =	vld.idx.msk [tilespmem:v20+s10+$0x0], $0xffff  }
0x198: {  	v23 =	vld.idx.msk [tilespmem:v30+s10+$0x0], $0xffff  }
0x199: {  	v20 =	vld.idx.msk [tilespmem:v32+s10+$0x0], $0xffff  }
0x19a: {  	v19 =	vld.idx.msk [tilespmem:v33+s10+$0x0], $0xffff  }
0x19b: {  	v27 =	vmov s21  }
0x19c: {  	v27 =	vshrl.u32 v27, $0x3  }
0x19d: {  	v27 =	vshll.u32 v27, v6  }
0x19e: {  	v27 =	vbroadcast v27, $0x0;
	_ =	sdelay $0x1  }
0x19f: {  	v28 =	vor.u32 v0, v27;
	_ =	sdelay $0x4  }
0x1a0: {  	v29 =	vld.idx.msk [tilespmem:v28+s13+$0x0], $0xffff;
	_ =	sdelay $0x4  }
0x1a1: {  	v29 =	vshll.u32 v29, $0x2  }
0x1a2: {  	v28 =	vld.idx.msk [tilespmem:v28+s14+$0x0], $0xffff;
	v29 =	vor.u32 v1, v29;
	_ =	sdelay $0x4  }
0x1a3: {  	v30 =	vshll.u32 v28, $0x2;
	v29 =	vld.idx.msk [tilespmem:v29+s2+$0x0], $0xffff  }
0x1a4: {  	v30 =	vor.u32 v1, v30;
	_ =	sdelay $0x2  }
0x1a5: {  	v31 =	vperm.xlane v28, v7;
	v32 =	vperm.xlane v28, v8  }
0x1a6: {  	v34 =	vperm.xlane v28, v9;
	v33 =	vperm.xlane v29, v8  }
0x1a7: {  	v27 =	vor.u32 v2, v27;
	v36 =	vld.idx.msk [tilespmem:v30+s10+$0x0], $0xffff;
	v35 =	vperm.xlane v29, v7;
	v55 =	vperm.xlane v29, v9  }
0x1a8: {  	vm0 =	veq.s32 v32, v28;
	vm1 =	veq.s32 v31, v28;
	vm6 =	veq.s32 v34, v28  }
0x1a9: {  	v56 =	vsel vm0, v33, v29;
	v28 =	vsel vm6, v55, v29;
	v57 =	vmax.f32 v29, v35  }
0x1aa: {  	v29 =	vsel vm1, v57, v29;
	v28 =	vmax.f32 v56, v28  }
0x1ab: {  	v28 =	vmax.f32 v29, v28  }
0x1ac: {  	v28 =	vmax.f32 v36, v28  }
0x1ad: {  	[tilespmem:v30+s10+$0x0] =	vst.idx.msk $0xffff, v28  }
0x1ae: {  	v28 =	vld.idx.msk [tilespmem:v27+s13+$0x0], $0xffff;
	_ =	sdelay $0x4  }
0x1af: {  	v28 =	vshll.u32 v28, $0x2  }
0x1b0: {  	v27 =	vld.idx.msk [tilespmem:v27+s14+$0x0], $0xffff;
	v28 =	vor.u32 v1, v28;
	_ =	sdelay $0x3  }
0x1b1: {  	s22 =	sor.u32 $0x8, s21  }
0x1b2: {  	v60 =	vmov s22;
	v58 =	vshll.u32 v27, $0x2;
	v28 =	vld.idx.msk [tilespmem:v28+s2+$0x0], $0xffff  }
0x1b3: {  	v31 =	vshrl.u32 v60, $0x3;
	v29 =	vor.u32 v1, v58  }
0x1b4: {  	v31 =	vshll.u32 v31, v6  }
0x1b5: {  	v31 =	vbroadcast v31, $0x0  }
0x1b6: {  	v59 =	vperm.xlane v27, v7;
	v62 =	vperm.xlane v27, v8  }
0x1b7: {  	v40 =	vperm.xlane v27, v9;
	v61 =	vperm.xlane v28, v7  }
0x1b8: {  	v44 =	vor.u32 v0, v31;
	v42 =	vld.idx.msk [tilespmem:v29+s10+$0x0], $0xffff;
	v63 =	vperm.xlane v28, v8;
	v41 =	vperm.xlane v28, v9  }
0x1b9: {  	vm7 =	veq.s32 v62, v27;
	vm8 =	veq.s32 v59, v27;
	vm9 =	veq.s32 v40, v27  }
0x1ba: {  	v43 =	vsel vm7, v63, v28;
	v27 =	vsel vm9, v41, v28;
	v32 =	vmax.f32 v28, v61  }
0x1bb: {  	v28 =	vsel vm8, v32, v28;
	v27 =	vmax.f32 v43, v27  }
0x1bc: {  	v27 =	vmax.f32 v28, v27  }
0x1bd: {  	v27 =	vmax.f32 v42, v27  }
0x1be: {  	[tilespmem:v29+s10+$0x0] =	vst.idx.msk $0xffff, v27  }
0x1bf: {  	v27 =	vld.idx.msk [tilespmem:v44+s13+$0x0], $0xffff;
	_ =	sdelay $0x4  }
0x1c0: {  	v27 =	vshll.u32 v27, $0x2  }
0x1c1: {  	v45 =	vld.idx.msk [tilespmem:v44+s14+$0x0], $0xffff;
	v27 =	vor.u32 v1, v27;
	_ =	sdelay $0x4  }
0x1c2: {  	v46 =	vshll.u32 v45, $0x2;
	v27 =	vld.idx.msk [tilespmem:v27+s2+$0x0], $0xffff  }
0x1c3: {  	v29 =	vor.u32 v1, v46;
	_ =	sdelay $0x2  }
0x1c4: {  	v47 =	vperm.xlane v45, v7;
	v48 =	vperm.xlane v45, v8  }
0x1c5: {  	v50 =	vperm.xlane v45, v9;
	v49 =	vperm.xlane v27, v8  }
0x1c6: {  	v31 =	vor.u32 v2, v31;
	v53 =	vld.idx.msk [tilespmem:v29+s10+$0x0], $0xffff;
	v51 =	vperm.xlane v27, v7;
	v52 =	vperm.xlane v27, v9  }
0x1c7: {  	vm10 =	veq.s32 v48, v45;
	vm11 =	veq.s32 v47, v45;
	vm12 =	veq.s32 v50, v45  }
0x1c8: {  	v54 =	vsel vm10, v49, v27;
	v28 =	vsel vm12, v52, v27;
	v55 =	vmax.f32 v27, v51  }
0x1c9: {  	v27 =	vsel vm11, v55, v27;
	v28 =	vmax.f32 v54, v28  }
0x1ca: {  	v27 =	vmax.f32 v27, v28  }
0x1cb: {  	v27 =	vmax.f32 v53, v27  }
0x1cc: {  	[tilespmem:v29+s10+$0x0] =	vst.idx.msk $0xffff, v27  }
0x1cd: {  	v27 =	vld.idx.msk [tilespmem:v31+s13+$0x0], $0xffff;
	_ =	sdelay $0x4  }
0x1ce: {  	v27 =	vshll.u32 v27, $0x2  }
0x1cf: {  	v56 =	vld.idx.msk [tilespmem:v31+s14+$0x0], $0xffff;
	v27 =	vor.u32 v1, v27;
	_ =	sdelay $0x3  }
0x1d0: {  	s30 =	sor.u32 $0x10, s21  }
0x1d1: {  	v59 =	vmov s30;
	v57 =	vshll.u32 v56, $0x2;
	v27 =	vld.idx.msk [tilespmem:v27+s2+$0x0], $0xffff  }
0x1d2: {  	v31 =	vshrl.u32 v59, $0x3;
	v29 =	vor.u32 v1, v57  }
0x1d3: {  	v31 =	vshll.u32 v31, v6  }
0x1d4: {  	v31 =	vbroadcast v31, $0x0  }
0x1d5: {  	v58 =	vperm.xlane v56, v7;
	v61 =	vperm.xlane v56, v8  }
0x1d6: {  	v63 =	vperm.xlane v56, v9;
	v60 =	vperm.xlane v27, v7  }
0x1d7: {  	v43 =	vor.u32 v0, v31;
	v41 =	vld.idx.msk [tilespmem:v29+s10+$0x0], $0xffff;
	v62 =	vperm.xlane v27, v8;
	v40 =	vperm.xlane v27, v9  }
0x1d8: {  	vm13 =	veq.s32 v61, v56;
	vm14 =	veq.s32 v58, v56;
	vm15 =	veq.s32 v63, v56  }
0x1d9: {  	v42 =	vsel vm13, v62, v27;
	v28 =	vsel vm15, v40, v27;
	v32 =	vmax.f32 v27, v60  }
0x1da: {  	v27 =	vsel vm14, v32, v27;
	v28 =	vmax.f32 v42, v28  }
0x1db: {  	v27 =	vmax.f32 v27, v28  }
0x1dc: {  	v27 =	vmax.f32 v41, v27  }
0x1dd: {  	[tilespmem:v29+s10+$0x0] =	vst.idx.msk $0xffff, v27  }
0x1de: {  	v27 =	vld.idx.msk [tilespmem:v43+s13+$0x0], $0xffff;
	_ =	sdelay $0x4  }
0x1df: {  	v27 =	vshll.u32 v27, $0x2  }
0x1e0: {  	v44 =	vld.idx.msk [tilespmem:v43+s14+$0x0], $0xffff;
	v27 =	vor.u32 v1, v27;
	_ =	sdelay $0x4  }
0x1e1: {  	v45 =	vshll.u32 v44, $0x2;
	v27 =	vld.idx.msk [tilespmem:v27+s2+$0x0], $0xffff  }
0x1e2: {  	v29 =	vor.u32 v1, v45;
	_ =	sdelay $0x2  }
0x1e3: {  	v46 =	vperm.xlane v44, v7;
	v47 =	vperm.xlane v44, v8  }
0x1e4: {  	v49 =	vperm.xlane v44, v9;
	v48 =	vperm.xlane v27, v8  }
0x1e5: {  	v31 =	vor.u32 v2, v31;
	v52 =	vld.idx.msk [tilespmem:v29+s10+$0x0], $0xffff;
	v50 =	vperm.xlane v27, v7;
	v51 =	vperm.xlane v27, v9  }
0x1e6: {  	vm4 =	veq.s32 v47, v44;
	vm5 =	veq.s32 v46, v44;
	vm6 =	veq.s32 v49, v44  }
0x1e7: {  	v53 =	vsel vm4, v48, v27;
	v28 =	vsel vm6, v51, v27;
	v54 =	vmax.f32 v27, v50  }
0x1e8: {  	v27 =	vsel vm5, v54, v27;
	v28 =	vmax.f32 v53, v28  }
0x1e9: {  	v27 =	vmax.f32 v27, v28  }
0x1ea: {  	v27 =	vmax.f32 v52, v27  }
0x1eb: {  	[tilespmem:v29+s10+$0x0] =	vst.idx.msk $0xffff, v27  }
0x1ec: {  	v27 =	vld.idx.msk [tilespmem:v31+s13+$0x0], $0xffff;
	_ =	sdelay $0x4  }
0x1ed: {  	v27 =	vshll.u32 v27, $0x2  }
0x1ee: {  	v55 =	vld.idx.msk [tilespmem:v31+s14+$0x0], $0xffff;
	v27 =	vor.u32 v1, v27;
	_ =	sdelay $0x3  }
0x1ef: {  	s31 =	sor.u32 $0x18, s21  }
0x1f0: {  	v58 =	vmov s31;
	v56 =	vshll.u32 v55, $0x2;
	v27 =	vld.idx.msk [tilespmem:v27+s2+$0x0], $0xffff  }
0x1f1: {  	v31 =	vshrl.u32 v58, $0x3;
	v29 =	vor.u32 v1, v56  }
0x1f2: {  	v31 =	vshll.u32 v31, v6  }
0x1f3: {  	v31 =	vbroadcast v31, $0x0  }
0x1f4: {  	v57 =	vperm.xlane v55, v7;
	v60 =	vperm.xlane v55, v8  }
0x1f5: {  	v62 =	vperm.xlane v55, v9;
	v59 =	vperm.xlane v27, v7  }
0x1f6: {  	v42 =	vor.u32 v0, v31;
	v40 =	vld.idx.msk [tilespmem:v29+s10+$0x0], $0xffff;
	v61 =	vperm.xlane v27, v8;
	v63 =	vperm.xlane v27, v9  }
0x1f7: {  	vm7 =	veq.s32 v60, v55;
	vm8 =	veq.s32 v57, v55;
	vm9 =	veq.s32 v62, v55  }
0x1f8: {  	v41 =	vsel vm7, v61, v27;
	v28 =	vsel vm9, v63, v27;
	v32 =	vmax.f32 v27, v59  }
0x1f9: {  	v27 =	vsel vm8, v32, v27;
	v28 =	vmax.f32 v41, v28  }
0x1fa: {  	v27 =	vmax.f32 v27, v28  }
0x1fb: {  	v27 =	vmax.f32 v40, v27  }
0x1fc: {  	[tilespmem:v29+s10+$0x0] =	vst.idx.msk $0xffff, v27  }
0x1fd: {  	v27 =	vld.idx.msk [tilespmem:v42+s13+$0x0], $0xffff;
	_ =	sdelay $0x4  }
0x1fe: {  	v27 =	vshll.u32 v27, $0x2  }
0x1ff: {  	v43 =	vld.idx.msk [tilespmem:v42+s14+$0x0], $0xffff;
	v27 =	vor.u32 v1, v27;
	_ =	sdelay $0x4  }
0x200: {  	v44 =	vshll.u32 v43, $0x2;
	v27 =	vld.idx.msk [tilespmem:v27+s2+$0x0], $0xffff  }
0x201: {  	v29 =	vor.u32 v1, v44;
	_ =	sdelay $0x2  }
0x202: {  	v45 =	vperm.xlane v43, v7;
	v46 =	vperm.xlane v43, v8  }
0x203: {  	v48 =	vperm.xlane v43, v9;
	v47 =	vperm.xlane v27, v8  }
0x204: {  	v31 =	vor.u32 v2, v31;
	v51 =	vld.idx.msk [tilespmem:v29+s10+$0x0], $0xffff;
	v49 =	vperm.xlane v27, v7;
	v50 =	vperm.xlane v27, v9  }
0x205: {  	vm10 =	veq.s32 v46, v43;
	vm11 =	veq.s32 v45, v43;
	vm12 =	veq.s32 v48, v43  }
0x206: {  	v52 =	vsel vm10, v47, v27;
	v28 =	vsel vm12, v50, v27;
	v53 =	vmax.f32 v27, v49  }
0x207: {  	v27 =	vsel vm11, v53, v27;
	v28 =	vmax.f32 v52, v28  }
0x208: {  	v27 =	vmax.f32 v27, v28  }
0x209: {  	v27 =	vmax.f32 v51, v27  }
0x20a: {  	[tilespmem:v29+s10+$0x0] =	vst.idx.msk $0xffff, v27  }
0x20b: {  	v27 =	vld.idx.msk [tilespmem:v31+s13+$0x0], $0xffff;
	_ =	sdelay $0x4  }
0x20c: {  	v27 =	vshll.u32 v27, $0x2  }
0x20d: {  	v54 =	vld.idx.msk [tilespmem:v31+s14+$0x0], $0xffff;
	v27 =	vor.u32 v1, v27;
	_ =	sdelay $0x4  }
0x20e: {  	v55 =	vshll.u32 v54, $0x2;
	v27 =	vld.idx.msk [tilespmem:v27+s2+$0x0], $0xffff  }
0x20f: {  	v29 =	vor.u32 v1, v55;
	_ =	sdelay $0x2  }
0x210: {  	v56 =	vperm.xlane v54, v7;
	v31 =	vperm.xlane v54, v8  }
0x211: {  	v58 =	vperm.xlane v54, v9;
	v57 =	vperm.xlane v27, v8  }
0x212: {  	v61 =	vld.idx.msk [tilespmem:v29+s10+$0x0], $0xffff;
	v59 =	vperm.xlane v27, v7;
	v60 =	vperm.xlane v27, v9  }
0x213: {  	vm13 =	veq.s32 v31, v54;
	vm14 =	veq.s32 v58, v54;
	vm15 =	veq.s32 v56, v54  }
.Ltmp12:
0x214: {  	v32 =	vsel vm13, v57, v27;
	v62 =	vsel vm14, v60, v27;
	v63 =	vmax.f32 v27, v59;
	(pc) =	sbr.rel .LBB2_11-.Ltmp12, $4  }
0x215: {  	v27 =	vsel vm15, v63, v27;
	v28 =	vmax.f32 v32, v62  }
0x216: {  	v27 =	vmax.f32 v27, v28  }
0x217: {  	v27 =	vmax.f32 v61, v27  }
0x218: {  	[tilespmem:v29+s10+$0x0] =	vst.idx.msk $0xffff, v27  }
.LBB2_12:
0x219: {  	(xrf0) =	vmax.scan.msk.f32 $0xffff, v14;
	_ =	sdelay $0x5  }
0x21a: {  	v11, _, _ =	vpop (xrf0)  }
0x21b: {  	(v2sf) =	vpush v11, $0xF;
	_ =	sdelay $0xe  }
0x21c: {  	s19 =	spop (v2sf)  }
0x21d: {  	p0 =	sgt.f32 s19, $0.0e+00  }
.Ltmp13:
0x21e: {  	_ = 	snop;
	(pc) =	sbr.rel @!p0 .LBB2_14-.Ltmp13, $1  }
0x21f: {  	_ =	sdelay $0x3  }
0x220: {  	_ =	sdelay $0x3  }
0x221: {  	v11 =	vld.idx.msk [tilespmem:v10+s13+$0x0], $0xffff;
	_ =	sdelay $0x4  }
0x222: {  	v11 =	vshll.u32 v11, $0x2  }
0x223: {  	v10 =	vld.idx.msk [tilespmem:v10+s14+$0x0], $0xffff;
	v11 =	vor.u32 v1, v11;
	_ =	sdelay $0x4  }
0x224: {  	v12 =	vshll.u32 v10, $0x2;
	v11 =	vld.idx.msk [tilespmem:v11+s2+$0x0], $0xffff  }
0x225: {  	v12 =	vor.u32 v1, v12;
	_ =	sdelay $0x2  }
0x226: {  	v13 =	vperm.xlane v10, v7;
	v14 =	vperm.xlane v10, v8  }
0x227: {  	v16 =	vperm.xlane v10, v9;
	v15 =	vperm.xlane v11, v8  }
0x228: {  	v33 =	vor.u32 $0xF84, v0;
	v18 =	vld.idx.msk [tilespmem:v12+s10+$0x0], $0xffff;
	v17 =	vperm.xlane v11, v7;
	v30 =	vperm.xlane v11, v9  }
0x229: {  	vm0 =	veq.s32 v14, v10;
	vm1 =	veq.s32 v13, v10;
	vm6 =	veq.s32 v16, v10  }
0x22a: {  	v31 =	vsel vm0, v15, v11;
	v10 =	vsel vm6, v30, v11;
	v32 =	vmax.f32 v11, v17  }
0x22b: {  	v11 =	vsel vm1, v32, v11;
	v10 =	vmax.f32 v31, v10  }
0x22c: {  	v10 =	vmax.f32 v11, v10  }
0x22d: {  	v10 =	vmax.f32 v18, v10  }
0x22e: {  	[tilespmem:v12+s10+$0x0] =	vst.idx.msk $0xffff, v10  }
0x22f: {  	v10 =	vld.idx.msk [tilespmem:v33+s13+$0x0], $0xffff;
	_ =	sdelay $0x4  }
0x230: {  	v10 =	vshll.u32 v10, $0x2  }
0x231: {  	v11 =	vld.idx.msk [tilespmem:v33+s14+$0x0], $0xffff;
	v10 =	vor.u32 v1, v10;
	_ =	sdelay $0x4  }
0x232: {  	v34 =	vshll.u32 v11, $0x2;
	v10 =	vld.idx.msk [tilespmem:v10+s2+$0x0], $0xffff  }
0x233: {  	v12 =	vor.u32 v1, v34;
	_ =	sdelay $0x2  }
0x234: {  	v35 =	vperm.xlane v11, v7;
	v36 =	vperm.xlane v11, v8  }
0x235: {  	v38 =	vperm.xlane v11, v9;
	v37 =	vperm.xlane v10, v8  }
0x236: {  	v44 =	vor.u32 $0xF88, v0;
	v41 =	vld.idx.msk [tilespmem:v12+s10+$0x0], $0xffff;
	v39 =	vperm.xlane v10, v7;
	v40 =	vperm.xlane v10, v9  }
0x237: {  	vm7 =	veq.s32 v36, v11;
	vm8 =	veq.s32 v35, v11;
	vm9 =	veq.s32 v38, v11  }
0x238: {  	v42 =	vsel vm7, v37, v10;
	v11 =	vsel vm9, v40, v10;
	v43 =	vmax.f32 v10, v39  }
0x239: {  	v10 =	vsel vm8, v43, v10;
	v11 =	vmax.f32 v42, v11  }
0x23a: {  	v10 =	vmax.f32 v10, v11  }
0x23b: {  	v10 =	vmax.f32 v41, v10  }
0x23c: {  	[tilespmem:v12+s10+$0x0] =	vst.idx.msk $0xffff, v10  }
0x23d: {  	v10 =	vld.idx.msk [tilespmem:v44+s13+$0x0], $0xffff;
	_ =	sdelay $0x4  }
0x23e: {  	v10 =	vshll.u32 v10, $0x2  }
0x23f: {  	v11 =	vld.idx.msk [tilespmem:v44+s14+$0x0], $0xffff;
	v10 =	vor.u32 v1, v10;
	_ =	sdelay $0x4  }
0x240: {  	v45 =	vshll.u32 v11, $0x2;
	v10 =	vld.idx.msk [tilespmem:v10+s2+$0x0], $0xffff  }
0x241: {  	v12 =	vor.u32 v1, v45;
	_ =	sdelay $0x2  }
0x242: {  	v46 =	vperm.xlane v11, v7;
	v47 =	vperm.xlane v11, v8  }
0x243: {  	v49 =	vperm.xlane v11, v9;
	v48 =	vperm.xlane v10, v8  }
0x244: {  	v55 =	vor.u32 $0xF8C, v0;
	v52 =	vld.idx.msk [tilespmem:v12+s10+$0x0], $0xffff;
	v50 =	vperm.xlane v10, v7;
	v51 =	vperm.xlane v10, v9  }
0x245: {  	vm10 =	veq.s32 v47, v11;
	vm11 =	veq.s32 v46, v11;
	vm12 =	veq.s32 v49, v11  }
0x246: {  	v53 =	vsel vm10, v48, v10;
	v11 =	vsel vm12, v51, v10;
	v54 =	vmax.f32 v10, v50  }
0x247: {  	v10 =	vsel vm11, v54, v10;
	v11 =	vmax.f32 v53, v11  }
0x248: {  	v10 =	vmax.f32 v10, v11  }
0x249: {  	v10 =	vmax.f32 v52, v10  }
0x24a: {  	[tilespmem:v12+s10+$0x0] =	vst.idx.msk $0xffff, v10  }
0x24b: {  	v10 =	vld.idx.msk [tilespmem:v55+s13+$0x0], $0xffff;
	_ =	sdelay $0x4  }
0x24c: {  	v10 =	vshll.u32 v10, $0x2  }
0x24d: {  	v11 =	vld.idx.msk [tilespmem:v55+s14+$0x0], $0xffff;
	v10 =	vor.u32 v1, v10;
	_ =	sdelay $0x4  }
0x24e: {  	v56 =	vshll.u32 v11, $0x2;
	v10 =	vld.idx.msk [tilespmem:v10+s2+$0x0], $0xffff  }
0x24f: {  	v12 =	vor.u32 v1, v56;
	_ =	sdelay $0x2  }
0x250: {  	v57 =	vperm.xlane v11, v7;
	v58 =	vperm.xlane v11, v8  }
0x251: {  	v60 =	vperm.xlane v11, v9;
	v59 =	vperm.xlane v10, v8  }
0x252: {  	v21 =	vor.u32 $0xF90, v0;
	v63 =	vld.idx.msk [tilespmem:v12+s10+$0x0], $0xffff;
	v61 =	vperm.xlane v10, v7;
	v62 =	vperm.xlane v10, v9  }
0x253: {  	vm13 =	veq.s32 v58, v11;
	vm14 =	veq.s32 v57, v11;
	vm15 =	veq.s32 v60, v11  }
0x254: {  	v19 =	vsel vm13, v59, v10;
	v11 =	vsel vm15, v62, v10;
	v20 =	vmax.f32 v10, v61  }
0x255: {  	v10 =	vsel vm14, v20, v10;
	v11 =	vmax.f32 v19, v11  }
0x256: {  	v10 =	vmax.f32 v10, v11  }
0x257: {  	v10 =	vmax.f32 v63, v10  }
0x258: {  	[tilespmem:v12+s10+$0x0] =	vst.idx.msk $0xffff, v10  }
0x259: {  	v10 =	vld.idx.msk [tilespmem:v21+s13+$0x0], $0xffff;
	_ =	sdelay $0x4  }
0x25a: {  	v10 =	vshll.u32 v10, $0x2  }
0x25b: {  	v11 =	vld.idx.msk [tilespmem:v21+s14+$0x0], $0xffff;
	v10 =	vor.u32 v1, v10;
	_ =	sdelay $0x4  }
0x25c: {  	v22 =	vshll.u32 v11, $0x2;
	v10 =	vld.idx.msk [tilespmem:v10+s2+$0x0], $0xffff  }
0x25d: {  	v12 =	vor.u32 v1, v22;
	_ =	sdelay $0x2  }
0x25e: {  	v23 =	vperm.xlane v11, v7;
	v24 =	vperm.xlane v11, v8  }
0x25f: {  	v26 =	vperm.xlane v11, v9;
	v25 =	vperm.xlane v10, v8  }
0x260: {  	v32 =	vor.u32 $0xF94, v0;
	v29 =	vld.idx.msk [tilespmem:v12+s10+$0x0], $0xffff;
	v27 =	vperm.xlane v10, v7;
	v28 =	vperm.xlane v10, v9  }
0x261: {  	vm4 =	veq.s32 v24, v11;
	vm5 =	veq.s32 v23, v11;
	vm6 =	veq.s32 v26, v11  }
0x262: {  	v30 =	vsel vm4, v25, v10;
	v11 =	vsel vm6, v28, v10;
	v31 =	vmax.f32 v10, v27  }
0x263: {  	v10 =	vsel vm5, v31, v10;
	v11 =	vmax.f32 v30, v11  }
0x264: {  	v10 =	vmax.f32 v10, v11  }
0x265: {  	v10 =	vmax.f32 v29, v10  }
0x266: {  	[tilespmem:v12+s10+$0x0] =	vst.idx.msk $0xffff, v10  }
0x267: {  	v10 =	vld.idx.msk [tilespmem:v32+s13+$0x0], $0xffff;
	_ =	sdelay $0x4  }
0x268: {  	v10 =	vshll.u32 v10, $0x2  }
0x269: {  	v11 =	vld.idx.msk [tilespmem:v32+s14+$0x0], $0xffff;
	v10 =	vor.u32 v1, v10;
	_ =	sdelay $0x4  }
0x26a: {  	v33 =	vshll.u32 v11, $0x2;
	v10 =	vld.idx.msk [tilespmem:v10+s2+$0x0], $0xffff  }
0x26b: {  	v12 =	vor.u32 v1, v33;
	_ =	sdelay $0x2  }
0x26c: {  	v34 =	vperm.xlane v11, v7;
	v35 =	vperm.xlane v11, v8  }
0x26d: {  	v37 =	vperm.xlane v11, v9;
	v36 =	vperm.xlane v10, v8  }
0x26e: {  	v43 =	vor.u32 $0xF98, v0;
	v40 =	vld.idx.msk [tilespmem:v12+s10+$0x0], $0xffff;
	v38 =	vperm.xlane v10, v7;
	v39 =	vperm.xlane v10, v9  }
0x26f: {  	vm7 =	veq.s32 v35, v11;
	vm8 =	veq.s32 v34, v11;
	vm9 =	veq.s32 v37, v11  }
0x270: {  	v41 =	vsel vm7, v36, v10;
	v11 =	vsel vm9, v39, v10;
	v42 =	vmax.f32 v10, v38  }
0x271: {  	v10 =	vsel vm8, v42, v10;
	v11 =	vmax.f32 v41, v11  }
0x272: {  	v10 =	vmax.f32 v10, v11  }
0x273: {  	v10 =	vmax.f32 v40, v10  }
0x274: {  	[tilespmem:v12+s10+$0x0] =	vst.idx.msk $0xffff, v10  }
0x275: {  	v10 =	vld.idx.msk [tilespmem:v43+s13+$0x0], $0xffff;
	_ =	sdelay $0x4  }
0x276: {  	v10 =	vshll.u32 v10, $0x2  }
0x277: {  	v11 =	vld.idx.msk [tilespmem:v43+s14+$0x0], $0xffff;
	v10 =	vor.u32 v1, v10;
	_ =	sdelay $0x4  }
0x278: {  	v44 =	vshll.u32 v11, $0x2;
	v10 =	vld.idx.msk [tilespmem:v10+s2+$0x0], $0xffff  }
0x279: {  	v12 =	vor.u32 v1, v44;
	_ =	sdelay $0x2  }
0x27a: {  	v45 =	vperm.xlane v11, v7;
	v46 =	vperm.xlane v11, v8  }
0x27b: {  	v48 =	vperm.xlane v11, v9;
	v47 =	vperm.xlane v10, v8  }
0x27c: {  	v54 =	vor.u32 $0xF9C, v0;
	v51 =	vld.idx.msk [tilespmem:v12+s10+$0x0], $0xffff;
	v49 =	vperm.xlane v10, v7;
	v50 =	vperm.xlane v10, v9  }
0x27d: {  	vm10 =	veq.s32 v46, v11;
	vm11 =	veq.s32 v45, v11;
	vm12 =	veq.s32 v48, v11  }
0x27e: {  	v52 =	vsel vm10, v47, v10;
	v11 =	vsel vm12, v50, v10;
	v53 =	vmax.f32 v10, v49  }
0x27f: {  	v10 =	vsel vm11, v53, v10;
	v11 =	vmax.f32 v52, v11  }
0x280: {  	v10 =	vmax.f32 v10, v11  }
0x281: {  	v10 =	vmax.f32 v51, v10  }
0x282: {  	[tilespmem:v12+s10+$0x0] =	vst.idx.msk $0xffff, v10  }
0x283: {  	v10 =	vld.idx.msk [tilespmem:v54+s13+$0x0], $0xffff;
	_ =	sdelay $0x4  }
0x284: {  	v10 =	vshll.u32 v10, $0x2  }
0x285: {  	v11 =	vld.idx.msk [tilespmem:v54+s14+$0x0], $0xffff;
	v10 =	vor.u32 v1, v10;
	_ =	sdelay $0x4  }
0x286: {  	v55 =	vshll.u32 v11, $0x2;
	v10 =	vld.idx.msk [tilespmem:v10+s2+$0x0], $0xffff  }
0x287: {  	v12 =	vor.u32 v1, v55;
	_ =	sdelay $0x2  }
0x288: {  	v56 =	vperm.xlane v11, v7;
	v57 =	vperm.xlane v11, v8  }
0x289: {  	v59 =	vperm.xlane v11, v9;
	v58 =	vperm.xlane v10, v8  }
0x28a: {  	v62 =	vld.idx.msk [tilespmem:v12+s10+$0x0], $0xffff;
	v60 =	vperm.xlane v10, v7;
	v61 =	vperm.xlane v10, v9  }
0x28b: {  	vm13 =	veq.s32 v57, v11;
	vm14 =	veq.s32 v59, v11;
	vm15 =	veq.s32 v56, v11  }
.Ltmp14:
0x28c: {  	v15 =	vsel vm13, v58, v10;
	v11 =	vsel vm14, v61, v10;
	v63 =	vmax.f32 v10, v60;
	(pc) =	sbr.rel .LBB2_14-.Ltmp14, $4  }
0x28d: {  	v10 =	vsel vm15, v63, v10;
	v11 =	vmax.f32 v15, v11  }
0x28e: {  	v10 =	vmax.f32 v10, v11  }
0x28f: {  	v10 =	vmax.f32 v62, v10  }
0x290: {  	[tilespmem:v12+s10+$0x0] =	vst.idx.msk $0xffff, v10  }
.LBB2_16:
0x291: {  	_ =	sfence.sel $0x180000  }
0x292: {  	[bflag:$0x0] =	sbarrier.arrive $0xFFFF  }
0x293: {  	p0 =	sne.s32 s1, $0x0;
	_ =	strace $0x90000047  }
0x294: {  	s0 =	sadd.s32 @!p0 $0x100000, s0;
	[bflag:$0x2] =	sbarrier.arrive $0xFFFF  }
0x295: {  	[sflag:s0] =	ssyncadd.tile.s32 @!p0 $0x1;
	_ =	shalt  }
.Lfunc_end2:
_tile_overlayer_lowered:
.L_overlay_start_2:
0x296: {  	(tag) =	ssettag $0x2  }
0x297: {  	s0 =	rddreg [dreg:$0x0];
	s2 =	stileid.u32  }
0x298: {  	s1 =	rddreg [dreg:$0x1];
	p0 =	sne.s32 s2, $0x0  }
0x299: {  	s3 =	rddreg [dreg:$0x2];
	[bflag:$0x3] =	sbarrier.arrive $0xFFFF;
	s2 =	simm.s32 @!p0 $0x1C03  }
0x29a: {  	[timem:s3], [sflag:s2] =	dma.local @!p0 [hbm:s0], s1  }
0x29b: {  	s0 =	simm.s32 @!p0 $0x3  }
0x29c: {  	_ =	swait.ge @!p0 [sflag:s0], s1  }
0x29d: {  	s1 =	ssub.s32 @!p0 $0x0, s1;
	[sflag:s0] =	ssyncset.done @!p0 $0x0  }
0x29e: {  	[sflag:s0] =	ssyncadd.s32 @!p0 s1  }
0x29f: {  	[bflag:$0x3] =	sbarrier.arrive $0xFFFF  }
0x2a0: {  	_ =	shalt  }

</sc_bundles>
